<compile_context>
chip_gen: v7x
topology: tpu7x:2x2x1
jax: 0.10.2.dev20260603
libtpu: 0.0.44.dev20260713+nightly
codegen_flags: <defaults>
</compile_context>

<pallas_src>
import functools
import math

import jax
import jax.numpy as jnp
from jax import lax
from jax.experimental import pallas as pl
from jax.experimental.pallas import tpu as pltpu
from jax.experimental.pallas import tpu_sc as plsc

B, S, H, E = 2, 2048, 16, 64
BH = B * H
M = 64
NH = 2
BK = 128
NB = S // BK
TEMP = 1.0 / math.sqrt(E)
NRM = math.sqrt(TEMP)
LOGM = math.log(M)
PAW = 80
QW = 128
KW = 128
UW = 128
NW = 32
CH = 128


def _mm(a, b, ca, cb):
    return lax.dot_general(a, b, (((ca,), (cb,)), ((), ())),
                           precision=lax.Precision.HIGHEST,
                           preferred_element_type=jnp.float32)


def _stats_body(q_ref, k_ref, v_ref, om_ref, pa_ref):
    q = q_ref[0]
    k = k_ref[0]
    v = v_ref[0]
    om = om_ref[...]
    qsq = jnp.sum(q * q, axis=-1, keepdims=True)
    ksq = jnp.sum(k * k, axis=-1, keepdims=True)
    qdd = _mm(q, om, 1, 1) * NRM - qsq * (TEMP / 2.0)
    kdd = _mm(k, om, 1, 1) * NRM - ksq * (TEMP / 2.0)
    qstab = jnp.max(qdd, axis=-1, keepdims=True)
    kstab = jnp.max(kdd)
    qp = jnp.exp(qdd - qstab)
    kp = jnp.exp(kdd - kstab)
    kls = kstab - LOGM
    prime_ls = qstab + kls
    ksum = jnp.sum(kp, axis=0, keepdims=True)
    kv = _mm(kp, v, 0, 0)
    qkv = _mm(qp, kv, 1, 0)
    qk1 = _mm(qp, ksum, 1, 1)
    ones = jnp.ones((S, 1), jnp.float32)
    pa_ref[0] = jnp.concatenate(
        [qkv, qk1, prime_ls, ones * kls, ones * kstab,
         jnp.zeros((S, PAW - E - 4), jnp.float32)], axis=1)


def _run_stats(q, k, v, omega):
    return pl.pallas_call(
        _stats_body,
        grid=(BH,),
        in_specs=[
            pl.BlockSpec((1, S, E), lambda b: (b, 0, 0)),
            pl.BlockSpec((1, S, E), lambda b: (b, 0, 0)),
            pl.BlockSpec((1, S, E), lambda b: (b, 0, 0)),
            pl.BlockSpec((M, E), lambda b: (0, 0)),
        ],
        out_specs=pl.BlockSpec((1, S, PAW), lambda b: (b, 0, 0)),
        out_shape=jax.ShapeDtypeStruct((BH, S, PAW), jnp.float32),
    )(q, k, v, omega)


def _sc_gather(table, idx, d):
    r_rows = idx.shape[0]
    per_w = r_rows // NW
    n_ch = per_w // CH
    mesh = plsc.VectorSubcoreMesh(core_axis_name="c", subcore_axis_name="s")

    @functools.partial(
        pl.kernel, mesh=mesh,
        out_type=jax.ShapeDtypeStruct((r_rows, d), jnp.float32),
        scratch_types=[
            pltpu.VMEM((CH,), jnp.int32),
            pltpu.VMEM((CH, d), jnp.float32),
            pltpu.SemaphoreType.DMA,
        ],
    )
    def gk(table_hbm, idx_hbm, out_hbm, idx_v, rows_v, sem):
        wid = lax.axis_index("s") * 2 + lax.axis_index("c")
        base = wid * per_w

        def body(c, carry):
            off = base + c * CH
            pltpu.sync_copy(idx_hbm.at[pl.ds(off, CH)], idx_v)
            pltpu.async_copy(table_hbm.at[idx_v], rows_v, sem).wait()
            pltpu.sync_copy(rows_v, out_hbm.at[pl.ds(off, CH)])
            return carry

        lax.fori_loop(0, n_ch, body, 0)

    return gk(table, idx)


GB = 16


def _bucket_body(qt_ref, kt_ref, cq_ref, ck_ref, om_ref, ut_ref):
    om = om_ref[...]
    for g in range(GB):
        _one_bucket(qt_ref[g * BK:(g + 1) * BK], kt_ref[g * BK:(g + 1) * BK],
                    cq_ref[g], ck_ref[g], om,
                    ut_ref.at[g * BK:(g + 1) * BK])


def _one_bucket(qt, kt, cq, ck, om, ut_ref):
    sq = qt[:, :E]
    skls = qt[:, E:E + 1]
    skstab = qt[:, E + 1:E + 2]
    sk = kt[:, :E]
    sv = kt[:, E:2 * E]
    inner = _mm(sq, sk, 1, 1) * TEMP
    qsq = jnp.sum(sq * sq, axis=-1, keepdims=True)
    ksq = jnp.sum(sk * sk, axis=-1, keepdims=True)
    qdd = _mm(sq, om, 1, 1) * NRM - qsq * (TEMP / 2.0)
    qstab = jnp.max(qdd, axis=-1, keepdims=True)
    sqp = jnp.exp(qdd - qstab)
    sls = qstab + skls
    kdd = _mm(sk, om, 1, 1) * NRM - ksq * (TEMP / 2.0)
    skp = jnp.exp(kdd - skstab)
    dots_prime = _mm(sqp, skp, 1, 1)
    dup = 1.0 + (jnp.transpose(cq) == ck).astype(jnp.float32)
    inner = inner - jnp.log(dup)
    dots_prime = dots_prime / dup
    lse = jnp.maximum(jnp.max(inner, axis=-1, keepdims=True), sls)
    dots = jnp.exp(inner - lse) - dots_prime * jnp.exp(sls - lse)
    dsum = jnp.sum(dots, axis=-1, keepdims=True)
    so = _mm(dots, sv, 1, 0)
    ut_ref[...] = jnp.concatenate(
        [so, lse, dsum, jnp.zeros((BK, UW - E - 2), jnp.float32)], axis=1)


_ONE_BUCKET_DONE = True


def _run_buckets(SQ, SK, CQ, CK, omega):
    n = NH * BH * NB
    return pl.pallas_call(
        _bucket_body,
        grid=(n // GB,),
        in_specs=[
            pl.BlockSpec((GB * BK, QW), lambda p: (p, 0)),
            pl.BlockSpec((GB * BK, KW), lambda p: (p, 0)),
            pl.BlockSpec((GB, 1, BK), lambda p: (p, 0, 0)),
            pl.BlockSpec((GB, 1, BK), lambda p: (p, 0, 0)),
            pl.BlockSpec((M, E), lambda p: (0, 0)),
        ],
        out_specs=pl.BlockSpec((GB * BK, UW), lambda p: (p, 0)),
        out_shape=jax.ShapeDtypeStruct((n * BK, UW), jnp.float32),
    )(SQ, SK, CQ, CK, omega)


def _combine_body(u0_ref, u1_ref, pa_ref, o_ref):
    u0 = u0_ref[...]
    u1 = u1_ref[...]
    pa = pa_ref[0]
    o0, l0, s0 = u0[:, :E], u0[:, E:E + 1], u0[:, E + 1:E + 2]
    o1, l1, s1 = u1[:, :E], u1[:, E:E + 1], u1[:, E + 1:E + 2]
    mx = jnp.maximum(l0, l1)
    nls = mx + jnp.log(jnp.exp(l0 - mx) + jnp.exp(l1 - mx))
    p0 = jnp.exp(l0 - nls)
    p1 = jnp.exp(l1 - nls)
    osm = o0 * p0 + o1 * p1
    dst = s0 * p0 + s1 * p1
    psc = jnp.exp(pa[:, E + 1:E + 2] - nls)
    out = osm + pa[:, :E] * psc
    nz = dst + pa[:, E:E + 1] * psc
    o_ref[...] = out / jnp.maximum(nz, 1e-6)


def _run_combine(U, PA):
    return pl.pallas_call(
        _combine_body,
        grid=(BH,),
        in_specs=[
            pl.BlockSpec((S, UW), lambda b: (b, 0)),
            pl.BlockSpec((S, UW), lambda b: (BH + b, 0)),
            pl.BlockSpec((1, S, PAW), lambda b: (b, 0, 0)),
        ],
        out_specs=pl.BlockSpec((S, E), lambda b: (b, 0)),
        out_shape=jax.ShapeDtypeStruct((BH * S, E), jnp.float32),
    )(U, U, PA)


def kernel(query, key, value, omega, alpha, beta):
    q = jnp.transpose(query, (0, 2, 1, 3)).reshape(BH, S, E)
    k = jnp.transpose(key, (0, 2, 1, 3)).reshape(BH, S, E)
    v = jnp.transpose(value, (0, 2, 1, 3)).reshape(BH, S, E)

    PA = _run_stats(q, k, v, omega)

    q_norms = jnp.linalg.norm(q, axis=-1, keepdims=True)
    k_norms = jnp.linalg.norm(k, axis=-1, keepdims=True)
    MQ = jnp.max(q_norms, axis=-2, keepdims=True)
    MK = jnp.max(k_norms, axis=-2, keepdims=True)
    ext_q = jnp.sqrt(jnp.maximum(MQ**2 - q_norms**2, 0.0))
    ext_k = jnp.sqrt(jnp.maximum(MK**2 - k_norms**2, 0.0))
    q_t = jnp.concatenate([q, ext_q, jnp.zeros_like(ext_q)], axis=-1)
    k_t = jnp.concatenate([k, jnp.zeros_like(ext_k), ext_k], axis=-1)
    qh = jnp.transpose(jnp.einsum('bsd,dh->bsh', q_t, alpha) + beta, (2, 0, 1))
    kh = jnp.transpose(jnp.einsum('bsd,dh->bsh', k_t, alpha) + beta, (2, 0, 1))
    q_pos = jnp.argsort(qh, axis=-1).astype(jnp.int32)
    k_pos = jnp.argsort(kh, axis=-1).astype(jnp.int32)
    iota = jnp.broadcast_to(jnp.arange(S, dtype=jnp.int32), (NH, BH, S))
    hix = jnp.arange(NH, dtype=jnp.int32)[:, None, None]
    bix = jnp.arange(BH, dtype=jnp.int32)[None, :, None]
    q_rev = jnp.zeros((NH, BH, S), jnp.int32).at[hix, bix, q_pos].set(iota)
    k_rev = jnp.zeros((NH, BH, S), jnp.int32).at[hix, bix, k_pos].set(iota)
    cq = (jnp.take_along_axis(q_rev[::-1], q_pos, axis=-1) // BK)
    ck = (jnp.take_along_axis(k_rev[::-1], k_pos, axis=-1) // BK)
    CQ = cq.astype(jnp.float32).reshape(NH * BH * NB, 1, BK)
    CK = ck.astype(jnp.float32).reshape(NH * BH * NB, 1, BK)

    kls_col = jnp.broadcast_to(PA[:, :, E + 2:E + 3], (BH, S, 1))
    kst_col = jnp.broadcast_to(PA[:, :, E + 3:E + 4], (BH, S, 1))
    QT = jnp.concatenate(
        [q, kls_col, kst_col, jnp.zeros((BH, S, QW - E - 2), jnp.float32)],
        axis=-1).reshape(BH * S, QW)
    KT = jnp.concatenate([k, v], axis=-1).reshape(BH * S, KW)

    boff = (jnp.arange(BH, dtype=jnp.int32) * S)[None, :, None]
    gq = (boff + q_pos).reshape(-1)
    gk_ = (boff + k_pos).reshape(-1)
    SQ = _sc_gather(QT, gq, QW)
    SK = _sc_gather(KT, gk_, KW)

    UT = _run_buckets(SQ, SK, CQ, CK, omega)

    ubase = (jnp.arange(NH, dtype=jnp.int32) * (BH * S))[:, None, None] + boff
    gu = (ubase + q_rev).reshape(-1)
    U = _sc_gather(UT, gu, UW)

    res = _run_combine(U, PA)
    return jnp.transpose(res.reshape(B, H, S, E), (0, 2, 1, 3))

# --- scband reference (transcript-rebuilt; emitter-appended) ---
"""Pipeline reference for scband-sbsmyrf-attention-47304769798227 (READ-ONLY COPY).

The authoritative reference and input builder live on the scoring server;
editing this copy changes nothing except your own understanding.
"""

import math
import jax, jax.numpy as jnp
import numpy as np

N_HASHES = 2
Q_CLUSTER = 128
K_CLUSTER = 128
D_HEAD = 64
NB_FEATURES = 64
R = 1.0
SOFTMAX_EPS = 0.0


def setup_inputs(seed: int = 0):
    key = jax.random.key(seed)
    ks = jax.random.split(key, 6)
    B, S, H, E = 2, 2048, 16, D_HEAD
    query = jax.random.normal(ks[0], (B, S, H, E), dtype=jnp.float32)
    key_in = jax.random.normal(ks[1], (B, S, H, E), dtype=jnp.float32)
    value = jax.random.normal(ks[2], (B, S, H, E), dtype=jnp.float32)
    # learned/random parameters materialized per init_kwargs
    omega = jax.random.normal(ks[3], (NB_FEATURES, E), dtype=jnp.float32)  # Performer random features
    alpha = jax.random.normal(ks[4], (E + 2, N_HASHES), dtype=jnp.float32)  # E2LSH projections (XBOX+ adds 2 dims)
    beta = jax.random.uniform(ks[5], (1, N_HASHES), dtype=jnp.float32) * R  # E2LSH shifts in [0, r)
    return {"query": query, "key": key_in, "value": value, "omega": omega, "alpha": alpha, "beta": beta}


def _softmax_kernel(data, omega, is_query, softmax_temp, eps):
    # SBPerformerFeatures: softmax kernel features with separated log-scale
    data_normalizer = math.sqrt(softmax_temp)
    data_dash = jnp.einsum('bse,me->bsm', data_normalizer * data, omega)
    diag_data = jnp.sum(data ** 2, axis=-1, keepdims=True) / 2.0 * (data_normalizer ** 2)
    data_dash = data_dash - diag_data
    if is_query:
        stab = jnp.max(data_dash, axis=-1, keepdims=True)  # per-position stabilizer
    else:
        stab = jnp.max(data_dash, axis=(-2, -1), keepdims=True)  # global per-batch stabilizer
    stab = jax.lax.stop_gradient(stab)
    prime = jnp.exp(data_dash - stab) + eps
    return prime, stab


def _hash_positions(q, k, alpha, beta):
    # XBOXPLUS asymmetric transform + E2LSH clustering (computed under no_grad in torch)
    q = jax.lax.stop_gradient(q)
    k = jax.lax.stop_gradient(k)
    q_norms = jnp.linalg.norm(q, axis=-1, keepdims=True)
    k_norms = jnp.linalg.norm(k, axis=-1, keepdims=True)
    MQ = jnp.max(q_norms, axis=-2, keepdims=True)
    MK = jnp.max(k_norms, axis=-2, keepdims=True)
    ext_q = jnp.sqrt(jnp.maximum(MQ ** 2 - q_norms ** 2, 0.0))
    ext_k = jnp.sqrt(jnp.maximum(MK ** 2 - k_norms ** 2, 0.0))
    q_t = jnp.concatenate([q, ext_q, jnp.zeros_like(ext_q)], axis=-1)
    k_t = jnp.concatenate([k, jnp.zeros_like(ext_k), ext_k], axis=-1)
    q_hash = jnp.transpose(jnp.einsum('bsd,dh->bsh', q_t, alpha) + beta, (2, 0, 1))
    k_hash = jnp.transpose(jnp.einsum('bsd,dh->bsh', k_t, alpha) + beta, (2, 0, 1))
    return jnp.argsort(q_hash, axis=-1), jnp.argsort(k_hash, axis=-1)


def _sort_to_buckets(x, perm, bucketsz):
    # x: (b, s, d); perm: (h, b, s) -> (h, b, nbuckets, bucketsz, d)
    h = perm.shape[0]
    xb = jnp.broadcast_to(x[None], (h,) + x.shape)
    sx = jnp.take_along_axis(xb, perm[..., None], axis=2)
    hh, b, s, d = sx.shape
    return sx.reshape(hh, b, s // bucketsz, bucketsz, d)


def _unsort_from_buckets(s_x, perm_inverse):
    h, b, nb, bsz, d = s_x.shape
    bx = s_x.reshape(h, b, nb * bsz, d)
    return jnp.take_along_axis(bx, perm_inverse[..., None], axis=2)


def _forward(query, key, value, omega, alpha, beta):
    B, T, H, E = query.shape
    softmax_temp = 1.0 / math.sqrt(E)
    # 'b t h e -> (b h) t e'
    q = jnp.transpose(query, (0, 2, 1, 3)).reshape(B * H, T, E)
    k = jnp.transpose(key, (0, 2, 1, 3)).reshape(B * H, T, E)
    v = jnp.transpose(value, (0, 2, 1, 3)).reshape(B * H, T, E)
    q_pos, k_pos = _hash_positions(q, k, alpha, beta)  # (n_hashes, b*h, T)
    # Performer (low-rank) part
    q_prime, q_ls = _softmax_kernel(q, omega, True, softmax_temp, SOFTMAX_EPS)
    k_prime, k_ls = _softmax_kernel(k, omega, False, softmax_temp, SOFTMAX_EPS)
    k_ls = k_ls - math.log(omega.shape[0])  # ratio = 1/nb_features folded into log-scale
    prime_log_scale = q_ls + k_ls  # (b*h, T, 1)
    q_prime_k_prime_1 = jnp.einsum('btm,bm->bt', q_prime, jnp.sum(k_prime, axis=1))
    kv = jnp.einsum('bsm,bsd->bmd', k_prime, v)
    q_prime_k_prime_v = jnp.einsum('btm,bmd->btd', q_prime, kv)
    # SMYRF (sparse) part: sort into buckets
    s_query = _sort_to_buckets(q, q_pos, Q_CLUSTER)
    s_key = _sort_to_buckets(k, k_pos, K_CLUSTER)
    s_value = _sort_to_buckets(v, k_pos, K_CLUSTER)
    sq_prime = _sort_to_buckets(q_prime, q_pos, Q_CLUSTER)
    sk_prime = _sort_to_buckets(k_prime, k_pos, K_CLUSTER)
    sprime_ls = _sort_to_buckets(prime_log_scale, q_pos, Q_CLUSTER)
    inner = jnp.einsum('hbnid,hbnjd->hbnij', s_query, s_key) * softmax_temp
    dots_prime = jnp.einsum('hbnim,hbnjm->hbnij', sq_prime, sk_prime)
    q_rev = jnp.argsort(q_pos, axis=-1)  # invert_permutation
    if N_HASHES > 1:
        k_rev = jnp.argsort(k_pos, axis=-1)
        q_bucket = jnp.transpose(q_rev // Q_CLUSTER, (1, 2, 0))  # (b*h, T, n_hashes)
        k_bucket = jnp.transpose(k_rev // K_CLUSTER, (1, 2, 0))
        s_qb = _sort_to_buckets(q_bucket, q_pos, Q_CLUSTER)
        s_kb = _sort_to_buckets(k_bucket, k_pos, K_CLUSTER)
        dup = jnp.sum(s_qb[..., :, None, :] == s_kb[..., None, :, :], axis=-1).astype(jnp.float32)
        inner = inner - jnp.log(dup)
        dots_prime = dots_prime / dup
    dots_lse = jnp.maximum(jnp.max(inner, axis=-1, keepdims=True), sprime_ls)
    dots = jnp.exp(inner - dots_lse) - dots_prime * jnp.exp(sprime_ls - dots_lse)
    dots_sum = jnp.sum(dots, axis=-1, keepdims=True)
    so = jnp.einsum('hbnij,hbnjd->hbnid', dots, s_value)  # dropout p=0
    o = _unsort_from_buckets(so, q_rev)
    logits = _unsort_from_buckets(dots_lse, q_rev)
    dots_sum_u = _unsort_from_buckets(dots_sum, q_rev)
    norm_ls = jax.scipy.special.logsumexp(logits, axis=0)  # (b*h, T, 1)
    probs = jnp.exp(logits - norm_ls[None])
    out_smyrf = jnp.sum(o * probs, axis=0)
    dots_sum_total = jnp.sum(dots_sum_u * probs, axis=0)
    prime_scale = jnp.exp(prime_log_scale - norm_ls)
    out = out_smyrf + q_prime_k_prime_v * prime_scale
    normalization = dots_sum_total + q_prime_k_prime_1[..., None] * prime_scale
    out_normalized = out / jnp.maximum(normalization, 1e-6)
    # '(b h) t d -> b t h d'
    return jnp.transpose(out_normalized.reshape(B, H, T, E), (0, 2, 1, 3))


def reference(query, key, value, omega, alpha, beta):
    return _forward(query, key, value, omega, alpha, beta)

if __name__ == "__main__":
    import jax
    _d = setup_inputs()
    print(jax.jit(kernel)(*tuple(_d.values())))

</pallas_src>

<mosaic_0001>
#map = affine_map<(d0, d1) -> (0, 0)>
#map1 = affine_map<(d0, d1) -> (0)>
module attributes {stable_mosaic.version = 14 : i64} {
  func.func @gk(%arg0: i32, %arg1: i32, %arg2: memref<131072x128xf32, #tpu.memory_space<hbm>>, %arg3: memref<131072xi32, #tpu.memory_space<hbm>>, %arg4: memref<131072x128xf32, #tpu.memory_space<hbm>>, %arg5: memref<128xi32, #tpu.memory_space<vmem>>, %arg6: memref<128x128xf32, #tpu.memory_space<vmem>>, %arg7: memref<!tpu.dma_semaphore, #tpu.memory_space<semaphore_mem>>) attributes {dimension_semantics = [#tpu.dimension_semantics<core_parallel>, #tpu.dimension_semantics<subcore_parallel>], iteration_bounds = array<i64: 2, 16>, scalar_prefetch = 0 : i64, scratch_operands = 3 : i64, tpu.core_type = #tpu.core_type<sc_vector_subcore>, window_params = [{transform_indices = #map}, {transform_indices = #map1}, {transform_indices = #map}]} {
    %mul3A = arith.constant 2 : i32
    %mul3A_0 = arith.muli %arg1, %mul3A : i32
    %add3A = arith.addi %mul3A_0, %arg0 : i32
    %mul3A_1 = arith.constant 4096 : i32
    %mul3A_2 = arith.muli %add3A, %mul3A_1 : i32
    %scan3A = arith.constant 0 : i32
    %scan3A_3 = arith.constant 0 : i32
    %scan3A_4 = arith.constant 32 : i32
    %scan3A_5 = arith.addi %scan3A_3, %scan3A_4 : i32
    %scan3A_6 = arith.constant 1 : i32
    scf.for %scan3A_8 = %scan3A_3 to %scan3A_5 step %scan3A_6  : i32 {
      %mul3A_9 = arith.constant 128 : i32
      %mul3A_10 = arith.muli %scan3A_8, %mul3A_9 : i32
      %add3A_11 = arith.addi %mul3A_2, %mul3A_10 : i32
      "tpu.region"() ({
        %run_scoped3A = tpu.sem_alloc : memref<!tpu.dma_semaphore, #tpu.memory_space<semaphore_mem>>
        %dma_start3A_16 = tpu.memref_slice %arg3[%add3A_11] : memref<131072xi32, #tpu.memory_space<hbm>> -> memref<128xi32, #tpu.memory_space<hbm>>
        %dma_start3A_17 = tpu.memref_slice %arg3[%add3A_11] : memref<131072xi32, #tpu.memory_space<hbm>> -> memref<128xi32, #tpu.memory_space<hbm>>
        tpu.enqueue_dma source(%dma_start3A_17 : memref<128xi32, #tpu.memory_space<hbm>>) target(%arg5 : memref<128xi32, #tpu.memory_space<vmem>>) target_semaphore(%run_scoped3A : memref<!tpu.dma_semaphore, #tpu.memory_space<semaphore_mem>>)
        %dma_wait3A_18 = tpu.memref_slice %arg3[%add3A_11] : memref<131072xi32, #tpu.memory_space<hbm>> -> memref<128xi32, #tpu.memory_space<hbm>>
        %dma_wait3A_19 = tpu.memref_slice %arg3[%add3A_11] : memref<131072xi32, #tpu.memory_space<hbm>> -> memref<128xi32, #tpu.memory_space<hbm>>
        tpu.wait_dma2 semaphore(%run_scoped3A : memref<!tpu.dma_semaphore, #tpu.memory_space<semaphore_mem>>) src(%dma_wait3A_19 : memref<128xi32, #tpu.memory_space<hbm>>) dst(%arg5 : memref<128xi32, #tpu.memory_space<vmem>>)
        tpu.yield
      }) : () -> ()
      %dma_start3A = arith.constant 0 : i32
      %dma_start3A_12 = arith.constant 0 : i32
      %dma_start3A_13 = tpu.memref_slice %arg2[%dma_start3A, %dma_start3A_12] : memref<131072x128xf32, #tpu.memory_space<hbm>> -> memref<131072x128xf32, #tpu.memory_space<hbm>>
      tpu.enqueue_indirect_dma source(%dma_start3A_13 : memref<131072x128xf32, #tpu.memory_space<hbm>>) target(%arg6 : memref<128x128xf32, #tpu.memory_space<vmem>>) offsets(%arg5 : memref<128xi32, #tpu.memory_space<vmem>>) semaphore(%arg7 : memref<!tpu.dma_semaphore, #tpu.memory_space<semaphore_mem>>)
      %dma_wait3A = arith.constant 0 : i32
      %dma_wait3A_14 = arith.constant 0 : i32
      %dma_wait3A_15 = tpu.memref_slice %arg2[%dma_wait3A, %dma_wait3A_14] : memref<131072x128xf32, #tpu.memory_space<hbm>> -> memref<131072x128xf32, #tpu.memory_space<hbm>>
      tpu.wait_indirect_dma semaphore(%arg7 : memref<!tpu.dma_semaphore, #tpu.memory_space<semaphore_mem>>) src(%dma_wait3A_15 : memref<131072x128xf32, #tpu.memory_space<hbm>>) dst(%arg6 : memref<128x128xf32, #tpu.memory_space<vmem>>)
      "tpu.region"() ({
        %run_scoped3A = tpu.sem_alloc : memref<!tpu.dma_semaphore, #tpu.memory_space<semaphore_mem>>
        %dma_start3A_16 = arith.constant 0 : i32
        %dma_start3A_17 = tpu.memref_slice %arg4[%add3A_11, %dma_start3A_16] : memref<131072x128xf32, #tpu.memory_space<hbm>> -> memref<128x128xf32, #tpu.memory_space<hbm>>
        %dma_start3A_18 = arith.constant 0 : i32
        %dma_start3A_19 = tpu.memref_slice %arg4[%add3A_11, %dma_start3A_18] : memref<131072x128xf32, #tpu.memory_space<hbm>> -> memref<128x128xf32, #tpu.memory_space<hbm>>
        tpu.enqueue_dma source(%arg6 : memref<128x128xf32, #tpu.memory_space<vmem>>) target(%dma_start3A_19 : memref<128x128xf32, #tpu.memory_space<hbm>>) target_semaphore(%run_scoped3A : memref<!tpu.dma_semaphore, #tpu.memory_space<semaphore_mem>>)
        %dma_wait3A_20 = arith.constant 0 : i32
        %dma_wait3A_21 = tpu.memref_slice %arg4[%add3A_11, %dma_wait3A_20] : memref<131072x128xf32, #tpu.memory_space<hbm>> -> memref<128x128xf32, #tpu.memory_space<hbm>>
        %dma_wait3A_22 = arith.constant 0 : i32
        %dma_wait3A_23 = tpu.memref_slice %arg4[%add3A_11, %dma_wait3A_22] : memref<131072x128xf32, #tpu.memory_space<hbm>> -> memref<128x128xf32, #tpu.memory_space<hbm>>
        tpu.wait_dma2 semaphore(%run_scoped3A : memref<!tpu.dma_semaphore, #tpu.memory_space<semaphore_mem>>) src(%arg6 : memref<128x128xf32, #tpu.memory_space<vmem>>) dst(%dma_wait3A_23 : memref<128x128xf32, #tpu.memory_space<hbm>>)
        tpu.yield
      }) : () -> ()
    }
    %scan3A_7 = arith.constant 32 : i32
    return
  }
}

#map = affine_map<(d0, d1) -> (0, 0)>
#map1 = affine_map<(d0, d1) -> (0)>
module attributes {stable_mosaic.version = 14 : i64} {
  func.func @gk(%arg0: i32, %arg1: i32, %arg2: memref<65536x128xf32, #tpu.memory_space<hbm>>, %arg3: memref<131072xi32, #tpu.memory_space<hbm>>, %arg4: memref<131072x128xf32, #tpu.memory_space<hbm>>, %arg5: memref<128xi32, #tpu.memory_space<vmem>>, %arg6: memref<128x128xf32, #tpu.memory_space<vmem>>, %arg7: memref<!tpu.dma_semaphore, #tpu.memory_space<semaphore_mem>>) attributes {dimension_semantics = [#tpu.dimension_semantics<core_parallel>, #tpu.dimension_semantics<subcore_parallel>], iteration_bounds = array<i64: 2, 16>, scalar_prefetch = 0 : i64, scratch_operands = 3 : i64, tpu.core_type = #tpu.core_type<sc_vector_subcore>, window_params = [{transform_indices = #map}, {transform_indices = #map1}, {transform_indices = #map}]} {
    %mul3A = arith.constant 2 : i32
    %mul3A_0 = arith.muli %arg1, %mul3A : i32
    %add3A = arith.addi %mul3A_0, %arg0 : i32
    %mul3A_1 = arith.constant 4096 : i32
    %mul3A_2 = arith.muli %add3A, %mul3A_1 : i32
    %scan3A = arith.constant 0 : i32
    %scan3A_3 = arith.constant 0 : i32
    %scan3A_4 = arith.constant 32 : i32
    %scan3A_5 = arith.addi %scan3A_3, %scan3A_4 : i32
    %scan3A_6 = arith.constant 1 : i32
    scf.for %scan3A_8 = %scan3A_3 to %scan3A_5 step %scan3A_6  : i32 {
      %mul3A_9 = arith.constant 128 : i32
      %mul3A_10 = arith.muli %scan3A_8, %mul3A_9 : i32
      %add3A_11 = arith.addi %mul3A_2, %mul3A_10 : i32
      "tpu.region"() ({
        %run_scoped3A = tpu.sem_alloc : memref<!tpu.dma_semaphore, #tpu.memory_space<semaphore_mem>>
        %dma_start3A_16 = tpu.memref_slice %arg3[%add3A_11] : memref<131072xi32, #tpu.memory_space<hbm>> -> memref<128xi32, #tpu.memory_space<hbm>>
        %dma_start3A_17 = tpu.memref_slice %arg3[%add3A_11] : memref<131072xi32, #tpu.memory_space<hbm>> -> memref<128xi32, #tpu.memory_space<hbm>>
        tpu.enqueue_dma source(%dma_start3A_17 : memref<128xi32, #tpu.memory_space<hbm>>) target(%arg5 : memref<128xi32, #tpu.memory_space<vmem>>) target_semaphore(%run_scoped3A : memref<!tpu.dma_semaphore, #tpu.memory_space<semaphore_mem>>)
        %dma_wait3A_18 = tpu.memref_slice %arg3[%add3A_11] : memref<131072xi32, #tpu.memory_space<hbm>> -> memref<128xi32, #tpu.memory_space<hbm>>
        %dma_wait3A_19 = tpu.memref_slice %arg3[%add3A_11] : memref<131072xi32, #tpu.memory_space<hbm>> -> memref<128xi32, #tpu.memory_space<hbm>>
        tpu.wait_dma2 semaphore(%run_scoped3A : memref<!tpu.dma_semaphore, #tpu.memory_space<semaphore_mem>>) src(%dma_wait3A_19 : memref<128xi32, #tpu.memory_space<hbm>>) dst(%arg5 : memref<128xi32, #tpu.memory_space<vmem>>)
        tpu.yield
      }) : () -> ()
      %dma_start3A = arith.constant 0 : i32
      %dma_start3A_12 = arith.constant 0 : i32
      %dma_start3A_13 = tpu.memref_slice %arg2[%dma_start3A, %dma_start3A_12] : memref<65536x128xf32, #tpu.memory_space<hbm>> -> memref<65536x128xf32, #tpu.memory_space<hbm>>
      tpu.enqueue_indirect_dma source(%dma_start3A_13 : memref<65536x128xf32, #tpu.memory_space<hbm>>) target(%arg6 : memref<128x128xf32, #tpu.memory_space<vmem>>) offsets(%arg5 : memref<128xi32, #tpu.memory_space<vmem>>) semaphore(%arg7 : memref<!tpu.dma_semaphore, #tpu.memory_space<semaphore_mem>>)
      %dma_wait3A = arith.constant 0 : i32
      %dma_wait3A_14 = arith.constant 0 : i32
      %dma_wait3A_15 = tpu.memref_slice %arg2[%dma_wait3A, %dma_wait3A_14] : memref<65536x128xf32, #tpu.memory_space<hbm>> -> memref<65536x128xf32, #tpu.memory_space<hbm>>
      tpu.wait_indirect_dma semaphore(%arg7 : memref<!tpu.dma_semaphore, #tpu.memory_space<semaphore_mem>>) src(%dma_wait3A_15 : memref<65536x128xf32, #tpu.memory_space<hbm>>) dst(%arg6 : memref<128x128xf32, #tpu.memory_space<vmem>>)
      "tpu.region"() ({
        %run_scoped3A = tpu.sem_alloc : memref<!tpu.dma_semaphore, #tpu.memory_space<semaphore_mem>>
        %dma_start3A_16 = arith.constant 0 : i32
        %dma_start3A_17 = tpu.memref_slice %arg4[%add3A_11, %dma_start3A_16] : memref<131072x128xf32, #tpu.memory_space<hbm>> -> memref<128x128xf32, #tpu.memory_space<hbm>>
        %dma_start3A_18 = arith.constant 0 : i32
        %dma_start3A_19 = tpu.memref_slice %arg4[%add3A_11, %dma_start3A_18] : memref<131072x128xf32, #tpu.memory_space<hbm>> -> memref<128x128xf32, #tpu.memory_space<hbm>>
        tpu.enqueue_dma source(%arg6 : memref<128x128xf32, #tpu.memory_space<vmem>>) target(%dma_start3A_19 : memref<128x128xf32, #tpu.memory_space<hbm>>) target_semaphore(%run_scoped3A : memref<!tpu.dma_semaphore, #tpu.memory_space<semaphore_mem>>)
        %dma_wait3A_20 = arith.constant 0 : i32
        %dma_wait3A_21 = tpu.memref_slice %arg4[%add3A_11, %dma_wait3A_20] : memref<131072x128xf32, #tpu.memory_space<hbm>> -> memref<128x128xf32, #tpu.memory_space<hbm>>
        %dma_wait3A_22 = arith.constant 0 : i32
        %dma_wait3A_23 = tpu.memref_slice %arg4[%add3A_11, %dma_wait3A_22] : memref<131072x128xf32, #tpu.memory_space<hbm>> -> memref<128x128xf32, #tpu.memory_space<hbm>>
        tpu.wait_dma2 semaphore(%run_scoped3A : memref<!tpu.dma_semaphore, #tpu.memory_space<semaphore_mem>>) src(%arg6 : memref<128x128xf32, #tpu.memory_space<vmem>>) dst(%dma_wait3A_23 : memref<128x128xf32, #tpu.memory_space<hbm>>)
        tpu.yield
      }) : () -> ()
    }
    %scan3A_7 = arith.constant 32 : i32
    return
  }
}

#map = affine_map<(d0, d1) -> (0, 0)>
#map1 = affine_map<(d0, d1) -> (0)>
module attributes {stable_mosaic.version = 14 : i64} {
  func.func @gk(%arg0: i32, %arg1: i32, %arg2: memref<65536x128xf32, #tpu.memory_space<hbm>>, %arg3: memref<131072xi32, #tpu.memory_space<hbm>>, %arg4: memref<131072x128xf32, #tpu.memory_space<hbm>>, %arg5: memref<128xi32, #tpu.memory_space<vmem>>, %arg6: memref<128x128xf32, #tpu.memory_space<vmem>>, %arg7: memref<!tpu.dma_semaphore, #tpu.memory_space<semaphore_mem>>) attributes {dimension_semantics = [#tpu.dimension_semantics<core_parallel>, #tpu.dimension_semantics<subcore_parallel>], iteration_bounds = array<i64: 2, 16>, scalar_prefetch = 0 : i64, scratch_operands = 3 : i64, tpu.core_type = #tpu.core_type<sc_vector_subcore>, window_params = [{transform_indices = #map}, {transform_indices = #map1}, {transform_indices = #map}]} {
    %mul3A = arith.constant 2 : i32
    %mul3A_0 = arith.muli %arg1, %mul3A : i32
    %add3A = arith.addi %mul3A_0, %arg0 : i32
    %mul3A_1 = arith.constant 4096 : i32
    %mul3A_2 = arith.muli %add3A, %mul3A_1 : i32
    %scan3A = arith.constant 0 : i32
    %scan3A_3 = arith.constant 0 : i32
    %scan3A_4 = arith.constant 32 : i32
    %scan3A_5 = arith.addi %scan3A_3, %scan3A_4 : i32
    %scan3A_6 = arith.constant 1 : i32
    scf.for %scan3A_8 = %scan3A_3 to %scan3A_5 step %scan3A_6  : i32 {
      %mul3A_9 = arith.constant 128 : i32
      %mul3A_10 = arith.muli %scan3A_8, %mul3A_9 : i32
      %add3A_11 = arith.addi %mul3A_2, %mul3A_10 : i32
      "tpu.region"() ({
        %run_scoped3A = tpu.sem_alloc : memref<!tpu.dma_semaphore, #tpu.memory_space<semaphore_mem>>
        %dma_start3A_16 = tpu.memref_slice %arg3[%add3A_11] : memref<131072xi32, #tpu.memory_space<hbm>> -> memref<128xi32, #tpu.memory_space<hbm>>
        %dma_start3A_17 = tpu.memref_slice %arg3[%add3A_11] : memref<131072xi32, #tpu.memory_space<hbm>> -> memref<128xi32, #tpu.memory_space<hbm>>
        tpu.enqueue_dma source(%dma_start3A_17 : memref<128xi32, #tpu.memory_space<hbm>>) target(%arg5 : memref<128xi32, #tpu.memory_space<vmem>>) target_semaphore(%run_scoped3A : memref<!tpu.dma_semaphore, #tpu.memory_space<semaphore_mem>>)
        %dma_wait3A_18 = tpu.memref_slice %arg3[%add3A_11] : memref<131072xi32, #tpu.memory_space<hbm>> -> memref<128xi32, #tpu.memory_space<hbm>>
        %dma_wait3A_19 = tpu.memref_slice %arg3[%add3A_11] : memref<131072xi32, #tpu.memory_space<hbm>> -> memref<128xi32, #tpu.memory_space<hbm>>
        tpu.wait_dma2 semaphore(%run_scoped3A : memref<!tpu.dma_semaphore, #tpu.memory_space<semaphore_mem>>) src(%dma_wait3A_19 : memref<128xi32, #tpu.memory_space<hbm>>) dst(%arg5 : memref<128xi32, #tpu.memory_space<vmem>>)
        tpu.yield
      }) : () -> ()
      %dma_start3A = arith.constant 0 : i32
      %dma_start3A_12 = arith.constant 0 : i32
      %dma_start3A_13 = tpu.memref_slice %arg2[%dma_start3A, %dma_start3A_12] : memref<65536x128xf32, #tpu.memory_space<hbm>> -> memref<65536x128xf32, #tpu.memory_space<hbm>>
      tpu.enqueue_indirect_dma source(%dma_start3A_13 : memref<65536x128xf32, #tpu.memory_space<hbm>>) target(%arg6 : memref<128x128xf32, #tpu.memory_space<vmem>>) offsets(%arg5 : memref<128xi32, #tpu.memory_space<vmem>>) semaphore(%arg7 : memref<!tpu.dma_semaphore, #tpu.memory_space<semaphore_mem>>)
      %dma_wait3A = arith.constant 0 : i32
      %dma_wait3A_14 = arith.constant 0 : i32
      %dma_wait3A_15 = tpu.memref_slice %arg2[%dma_wait3A, %dma_wait3A_14] : memref<65536x128xf32, #tpu.memory_space<hbm>> -> memref<65536x128xf32, #tpu.memory_space<hbm>>
      tpu.wait_indirect_dma semaphore(%arg7 : memref<!tpu.dma_semaphore, #tpu.memory_space<semaphore_mem>>) src(%dma_wait3A_15 : memref<65536x128xf32, #tpu.memory_space<hbm>>) dst(%arg6 : memref<128x128xf32, #tpu.memory_space<vmem>>)
      "tpu.region"() ({
        %run_scoped3A = tpu.sem_alloc : memref<!tpu.dma_semaphore, #tpu.memory_space<semaphore_mem>>
        %dma_start3A_16 = arith.constant 0 : i32
        %dma_start3A_17 = tpu.memref_slice %arg4[%add3A_11, %dma_start3A_16] : memref<131072x128xf32, #tpu.memory_space<hbm>> -> memref<128x128xf32, #tpu.memory_space<hbm>>
        %dma_start3A_18 = arith.constant 0 : i32
        %dma_start3A_19 = tpu.memref_slice %arg4[%add3A_11, %dma_start3A_18] : memref<131072x128xf32, #tpu.memory_space<hbm>> -> memref<128x128xf32, #tpu.memory_space<hbm>>
        tpu.enqueue_dma source(%arg6 : memref<128x128xf32, #tpu.memory_space<vmem>>) target(%dma_start3A_19 : memref<128x128xf32, #tpu.memory_space<hbm>>) target_semaphore(%run_scoped3A : memref<!tpu.dma_semaphore, #tpu.memory_space<semaphore_mem>>)
        %dma_wait3A_20 = arith.constant 0 : i32
        %dma_wait3A_21 = tpu.memref_slice %arg4[%add3A_11, %dma_wait3A_20] : memref<131072x128xf32, #tpu.memory_space<hbm>> -> memref<128x128xf32, #tpu.memory_space<hbm>>
        %dma_wait3A_22 = arith.constant 0 : i32
        %dma_wait3A_23 = tpu.memref_slice %arg4[%add3A_11, %dma_wait3A_22] : memref<131072x128xf32, #tpu.memory_space<hbm>> -> memref<128x128xf32, #tpu.memory_space<hbm>>
        tpu.wait_dma2 semaphore(%run_scoped3A : memref<!tpu.dma_semaphore, #tpu.memory_space<semaphore_mem>>) src(%arg6 : memref<128x128xf32, #tpu.memory_space<vmem>>) dst(%dma_wait3A_23 : memref<128x128xf32, #tpu.memory_space<hbm>>)
        tpu.yield
      }) : () -> ()
    }
    %scan3A_7 = arith.constant 32 : i32
    return
  }
}

module attributes {stable_mosaic.version = 14 : i64} {
  func.func @_stats_body(%arg0: i32, %arg1: memref<1x2048x64xf32, #tpu.memory_space<vmem>>, %arg2: memref<1x2048x64xf32, #tpu.memory_space<vmem>>, %arg3: memref<1x2048x64xf32, #tpu.memory_space<vmem>>, %arg4: memref<64x64xf32, #tpu.memory_space<vmem>>, %arg5: memref<1x2048x80xf32, #tpu.memory_space<vmem>>) attributes {dimension_semantics = [#tpu.dimension_semantics<arbitrary>], iteration_bounds = array<i64: 32>, scalar_prefetch = 0 : i64, scratch_operands = 0 : i64, tpu.core_type = #tpu.core_type<tc>, window_params = [{transform_indices = @transform_0, window_bounds = array<i64: 1, 2048, 64>}, {transform_indices = @transform_1, window_bounds = array<i64: 1, 2048, 64>}, {transform_indices = @transform_2, window_bounds = array<i64: 1, 2048, 64>}, {pipeline_mode = #tpu.pipeline_mode<synchronous>, transform_indices = @transform_3, window_bounds = array<i64: 64, 64>}, {transform_indices = @transform_4, window_bounds = array<i64: 1, 2048, 80>}]} {
    %get3A = arith.constant 0 : index
    %get3A_0 = arith.constant 0 : index
    %get3A_1 = arith.constant 0 : index
    %get3A_2 = vector.load %arg1[%get3A, %get3A_0, %get3A_1] : memref<1x2048x64xf32, #tpu.memory_space<vmem>>, vector<1x2048x64xf32>
    %get3A_3 = vector.shape_cast %get3A_2 : vector<1x2048x64xf32> to vector<2048x64xf32>
    %get3A_4 = arith.constant 0 : index
    %get3A_5 = arith.constant 0 : index
    %get3A_6 = arith.constant 0 : index
    %get3A_7 = vector.load %arg2[%get3A_4, %get3A_5, %get3A_6] : memref<1x2048x64xf32, #tpu.memory_space<vmem>>, vector<1x2048x64xf32>
    %get3A_8 = vector.shape_cast %get3A_7 : vector<1x2048x64xf32> to vector<2048x64xf32>
    %get3A_9 = arith.constant 0 : index
    %get3A_10 = arith.constant 0 : index
    %get3A_11 = arith.constant 0 : index
    %get3A_12 = vector.load %arg3[%get3A_9, %get3A_10, %get3A_11] : memref<1x2048x64xf32, #tpu.memory_space<vmem>>, vector<1x2048x64xf32>
    %get3A_13 = vector.shape_cast %get3A_12 : vector<1x2048x64xf32> to vector<2048x64xf32>
    %get3A_14 = arith.constant 0 : index
    %get3A_15 = arith.constant 0 : index
    %get3A_16 = vector.load %arg4[%get3A_14, %get3A_15] : memref<64x64xf32, #tpu.memory_space<vmem>>, vector<64x64xf32>
    %mul3A = arith.mulf %get3A_3, %get3A_3 : vector<2048x64xf32>
    %reduce_sum3A = arith.constant dense<0.000000e+00> : vector<2048xf32>
    %reduce_sum3A_17 = vector.multi_reduction <add>, %mul3A, %reduce_sum3A [1] : vector<2048x64xf32> to vector<2048xf32>
    %broadcast_in_dim3A = vector.shape_cast %reduce_sum3A_17 : vector<2048xf32> to vector<2048x1xf32>
    %mul3A_18 = arith.mulf %get3A_8, %get3A_8 : vector<2048x64xf32>
    %reduce_sum3A_19 = arith.constant dense<0.000000e+00> : vector<2048xf32>
    %reduce_sum3A_20 = vector.multi_reduction <add>, %mul3A_18, %reduce_sum3A_19 [1] : vector<2048x64xf32> to vector<2048xf32>
    %broadcast_in_dim3A_21 = vector.shape_cast %reduce_sum3A_20 : vector<2048xf32> to vector<2048x1xf32>
    %dot_general3A = arith.constant dense<0.000000e+00> : vector<2048x64xf32>
    %dot_general3A_22 = tpu.matmul %get3A_3, %get3A_16, %dot_general3A {dimension_numbers = #tpu.dot_dimension_numbers<[1], [1], [0], [0], [0, 0, 1, 0], [], []>, precision = #tpu.contract_precision<fp32>, transpose_lhs_hint = false} : vector<2048x64xf32>, vector<64x64xf32>, vector<2048x64xf32> -> vector<2048x64xf32>
    %mul3A_23 = arith.constant 0.353553385 : f32
    %mul3A_24 = vector.broadcast %mul3A_23 : f32 to vector<2048x64xf32>
    %mul3A_25 = arith.mulf %dot_general3A_22, %mul3A_24 : vector<2048x64xf32>
    %mul3A_26 = arith.constant 6.250000e-02 : f32
    %mul3A_27 = vector.broadcast %mul3A_26 : f32 to vector<2048x1xf32>
    %mul3A_28 = arith.mulf %broadcast_in_dim3A, %mul3A_27 : vector<2048x1xf32>
    %sub3A = vector.broadcast %mul3A_28 : vector<2048x1xf32> to vector<2048x64xf32>
    %sub3A_29 = arith.subf %mul3A_25, %sub3A : vector<2048x64xf32>
    %dot_general3A_30 = arith.constant dense<0.000000e+00> : vector<2048x64xf32>
    %dot_general3A_31 = tpu.matmul %get3A_8, %get3A_16, %dot_general3A_30 {dimension_numbers = #tpu.dot_dimension_numbers<[1], [1], [0], [0], [0, 0, 1, 0], [], []>, precision = #tpu.contract_precision<fp32>, transpose_lhs_hint = false} : vector<2048x64xf32>, vector<64x64xf32>, vector<2048x64xf32> -> vector<2048x64xf32>
    %mul3A_32 = arith.constant 0.353553385 : f32
    %mul3A_33 = vector.broadcast %mul3A_32 : f32 to vector<2048x64xf32>
    %mul3A_34 = arith.mulf %dot_general3A_31, %mul3A_33 : vector<2048x64xf32>
    %mul3A_35 = arith.constant 6.250000e-02 : f32
    %mul3A_36 = vector.broadcast %mul3A_35 : f32 to vector<2048x1xf32>
    %mul3A_37 = arith.mulf %broadcast_in_dim3A_21, %mul3A_36 : vector<2048x1xf32>
    %sub3A_38 = vector.broadcast %mul3A_37 : vector<2048x1xf32> to vector<2048x64xf32>
    %sub3A_39 = arith.subf %mul3A_34, %sub3A_38 : vector<2048x64xf32>
    %reduce_max3A = arith.constant dense<0xFF800000> : vector<2048xf32>
    %reduce_max3A_40 = vector.multi_reduction <maximumf>, %sub3A_29, %reduce_max3A [1] : vector<2048x64xf32> to vector<2048xf32>
    %broadcast_in_dim3A_41 = vector.shape_cast %reduce_max3A_40 : vector<2048xf32> to vector<2048x1xf32>
    %reduce_max3A_42 = vector.shape_cast %sub3A_39 : vector<2048x64xf32> to vector<1x2048x64xf32>
    %reduce_max3A_43 = arith.constant dense<0xFF800000> : vector<1xf32>
    %reduce_max3A_44 = vector.multi_reduction <maximumf>, %reduce_max3A_42, %reduce_max3A_43 [1, 2] : vector<1x2048x64xf32> to vector<1xf32>
    %reduce_max3A_45 = vector.shape_cast %reduce_max3A_44 : vector<1xf32> to vector<1x1x1xf32>
    %reduce_max3A_46 = vector.extract %reduce_max3A_45[0, 0, 0] : f32 from vector<1x1x1xf32>
    %sub3A_47 = vector.broadcast %broadcast_in_dim3A_41 : vector<2048x1xf32> to vector<2048x64xf32>
    %sub3A_48 = arith.subf %sub3A_29, %sub3A_47 : vector<2048x64xf32>
    %exp3A = math.exp %sub3A_48 : vector<2048x64xf32>
    %sub3A_49 = vector.broadcast %reduce_max3A_46 : f32 to vector<2048x64xf32>
    %sub3A_50 = arith.subf %sub3A_39, %sub3A_49 : vector<2048x64xf32>
    %exp3A_51 = math.exp %sub3A_50 : vector<2048x64xf32>
    %sub3A_52 = arith.constant 4.15888309 : f32
    %sub3A_53 = arith.subf %reduce_max3A_46, %sub3A_52 : f32
    %add3A = vector.broadcast %sub3A_53 : f32 to vector<2048x1xf32>
    %add3A_54 = arith.addf %broadcast_in_dim3A_41, %add3A : vector<2048x1xf32>
    %reduce_sum3A_55 = arith.constant dense<0.000000e+00> : vector<64xf32>
    %reduce_sum3A_56 = vector.multi_reduction <add>, %exp3A_51, %reduce_sum3A_55 [0] : vector<2048x64xf32> to vector<64xf32>
    %broadcast_in_dim3A_57 = vector.shape_cast %reduce_sum3A_56 : vector<64xf32> to vector<1x64xf32>
    %dot_general3A_58 = arith.constant dense<0.000000e+00> : vector<64x64xf32>
    %dot_general3A_59 = tpu.matmul %exp3A_51, %get3A_13, %dot_general3A_58 {dimension_numbers = #tpu.dot_dimension_numbers<[0], [0], [1], [1], [0, 1, 1, 1], [], []>, precision = #tpu.contract_precision<fp32>, transpose_lhs_hint = false} : vector<2048x64xf32>, vector<2048x64xf32>, vector<64x64xf32> -> vector<64x64xf32>
    %dot_general3A_60 = arith.constant dense<0.000000e+00> : vector<2048x64xf32>
    %dot_general3A_61 = tpu.matmul %exp3A, %dot_general3A_59, %dot_general3A_60 {dimension_numbers = #tpu.dot_dimension_numbers<[1], [0], [0], [1], [0, 0, 1, 1], [], []>, precision = #tpu.contract_precision<fp32>, transpose_lhs_hint = false} : vector<2048x64xf32>, vector<64x64xf32>, vector<2048x64xf32> -> vector<2048x64xf32>
    %dot_general3A_62 = arith.constant dense<0.000000e+00> : vector<2048x1xf32>
    %dot_general3A_63 = tpu.matmul %exp3A, %broadcast_in_dim3A_57, %dot_general3A_62 {dimension_numbers = #tpu.dot_dimension_numbers<[1], [1], [0], [0], [0, 0, 1, 0], [], []>, precision = #tpu.contract_precision<fp32>, transpose_lhs_hint = false} : vector<2048x64xf32>, vector<1x64xf32>, vector<2048x1xf32> -> vector<2048x1xf32>
    %broadcast_in_dim3A_64 = arith.constant 1.000000e+00 : f32
    %broadcast_in_dim3A_65 = vector.broadcast %broadcast_in_dim3A_64 : f32 to vector<2048x1xf32>
    %mul3A_66 = vector.broadcast %sub3A_53 : f32 to vector<2048x1xf32>
    %mul3A_67 = arith.mulf %broadcast_in_dim3A_65, %mul3A_66 : vector<2048x1xf32>
    %mul3A_68 = vector.broadcast %reduce_max3A_46 : f32 to vector<2048x1xf32>
    %mul3A_69 = arith.mulf %broadcast_in_dim3A_65, %mul3A_68 : vector<2048x1xf32>
    %broadcast_in_dim3A_70 = arith.constant 0.000000e+00 : f32
    %broadcast_in_dim3A_71 = vector.broadcast %broadcast_in_dim3A_70 : f32 to vector<2048x12xf32>
    %concatenate3A = tpu.concatenate %dot_general3A_61, %dot_general3A_63, %add3A_54, %mul3A_67, %mul3A_69, %broadcast_in_dim3A_71 in 1 : vector<2048x64xf32>, vector<2048x1xf32>, vector<2048x1xf32>, vector<2048x1xf32>, vector<2048x1xf32>, vector<2048x12xf32> -> vector<2048x80xf32>
    %swap3A = arith.constant 0 : index
    %swap3A_72 = arith.constant 0 : index
    %swap3A_73 = arith.constant 0 : index
    %swap3A_74 = vector.load %arg5[%swap3A, %swap3A_72, %swap3A_73] : memref<1x2048x80xf32, #tpu.memory_space<vmem>>, vector<1x2048x80xf32>
    %swap3A_75 = vector.shape_cast %swap3A_74 : vector<1x2048x80xf32> to vector<2048x80xf32>
    %swap3A_76 = vector.shape_cast %concatenate3A : vector<2048x80xf32> to vector<1x2048x80xf32>
    tpu.vector_store %arg5[%swap3A, %swap3A_72, %swap3A_73], %swap3A_76 {strides = array<i32>} : memref<1x2048x80xf32, #tpu.memory_space<vmem>>, vector<1x2048x80xf32>,
    return
  }
  func.func @transform_0(%arg0: i32) -> (i32, i32, i32) {
    %c0_i32 = arith.constant 0 : i32
    %c0_i32_0 = arith.constant 0 : i32
    %c0_i32_1 = arith.constant 0 : i32
    return %arg0, %c0_i32, %c0_i32_0 : i32, i32, i32
  }
  func.func @transform_1(%arg0: i32) -> (i32, i32, i32) {
    %c0_i32 = arith.constant 0 : i32
    %c0_i32_0 = arith.constant 0 : i32
    %c0_i32_1 = arith.constant 0 : i32
    return %arg0, %c0_i32, %c0_i32_0 : i32, i32, i32
  }
  func.func @transform_2(%arg0: i32) -> (i32, i32, i32) {
    %c0_i32 = arith.constant 0 : i32
    %c0_i32_0 = arith.constant 0 : i32
    %c0_i32_1 = arith.constant 0 : i32
    return %arg0, %c0_i32, %c0_i32_0 : i32, i32, i32
  }
  func.func @transform_3(%arg0: i32) -> (i32, i32) {
    %c0_i32 = arith.constant 0 : i32
    %c0_i32_0 = arith.constant 0 : i32
    %c0_i32_1 = arith.constant 0 : i32
    return %c0_i32, %c0_i32_0 : i32, i32
  }
  func.func @transform_4(%arg0: i32) -> (i32, i32, i32) {
    %c0_i32 = arith.constant 0 : i32
    %c0_i32_0 = arith.constant 0 : i32
    %c0_i32_1 = arith.constant 0 : i32
    return %arg0, %c0_i32, %c0_i32_0 : i32, i32, i32
  }
}

module attributes {stable_mosaic.version = 14 : i64} {
  func.func @_bucket_body(%arg0: i32, %arg1: memref<2048x128xf32, #tpu.memory_space<vmem>>, %arg2: memref<2048x128xf32, #tpu.memory_space<vmem>>, %arg3: memref<16x1x128xf32, #tpu.memory_space<vmem>>, %arg4: memref<16x1x128xf32, #tpu.memory_space<vmem>>, %arg5: memref<64x64xf32, #tpu.memory_space<vmem>>, %arg6: memref<2048x128xf32, #tpu.memory_space<vmem>>) attributes {dimension_semantics = [#tpu.dimension_semantics<arbitrary>], iteration_bounds = array<i64: 64>, scalar_prefetch = 0 : i64, scratch_operands = 0 : i64, tpu.core_type = #tpu.core_type<tc>, window_params = [{transform_indices = @transform_0, window_bounds = array<i64: 2048, 128>}, {transform_indices = @transform_1, window_bounds = array<i64: 2048, 128>}, {transform_indices = @transform_2, window_bounds = array<i64: 16, 1, 128>}, {transform_indices = @transform_3, window_bounds = array<i64: 16, 1, 128>}, {pipeline_mode = #tpu.pipeline_mode<synchronous>, transform_indices = @transform_4, window_bounds = array<i64: 64, 64>}, {transform_indices = @transform_5, window_bounds = array<i64: 2048, 128>}]} {
    %get3A = arith.constant 0 : index
    %get3A_0 = arith.constant 0 : index
    %get3A_1 = vector.load %arg5[%get3A, %get3A_0] : memref<64x64xf32, #tpu.memory_space<vmem>>, vector<64x64xf32>
    %get3A_2 = arith.constant 0 : index
    %get3A_3 = arith.constant 0 : index
    %get3A_4 = vector.load %arg1[%get3A_2, %get3A_3] : memref<2048x128xf32, #tpu.memory_space<vmem>>, vector<128x128xf32>
    %get3A_5 = arith.constant 0 : index
    %get3A_6 = arith.constant 0 : index
    %get3A_7 = vector.load %arg2[%get3A_5, %get3A_6] : memref<2048x128xf32, #tpu.memory_space<vmem>>, vector<128x128xf32>
    %get3A_8 = arith.constant 0 : index
    %get3A_9 = arith.constant 0 : index
    %get3A_10 = arith.constant 0 : index
    %get3A_11 = vector.load %arg3[%get3A_8, %get3A_9, %get3A_10] : memref<16x1x128xf32, #tpu.memory_space<vmem>>, vector<1x1x128xf32>
    %get3A_12 = vector.shape_cast %get3A_11 : vector<1x1x128xf32> to vector<1x128xf32>
    %get3A_13 = arith.constant 0 : index
    %get3A_14 = arith.constant 0 : index
    %get3A_15 = arith.constant 0 : index
    %get3A_16 = vector.load %arg4[%get3A_13, %get3A_14, %get3A_15] : memref<16x1x128xf32, #tpu.memory_space<vmem>>, vector<1x1x128xf32>
    %get3A_17 = vector.shape_cast %get3A_16 : vector<1x1x128xf32> to vector<1x128xf32>
    %slice3A = vector.extract_strided_slice %get3A_4 {offsets = [0, 0], sizes = [128, 64], strides = [1, 1]} : vector<128x128xf32> to vector<128x64xf32>
    %slice3A_18 = vector.extract_strided_slice %get3A_4 {offsets = [0, 64], sizes = [128, 1], strides = [1, 1]} : vector<128x128xf32> to vector<128x1xf32>
    %slice3A_19 = vector.extract_strided_slice %get3A_4 {offsets = [0, 65], sizes = [128, 1], strides = [1, 1]} : vector<128x128xf32> to vector<128x1xf32>
    %slice3A_20 = vector.extract_strided_slice %get3A_7 {offsets = [0, 0], sizes = [128, 64], strides = [1, 1]} : vector<128x128xf32> to vector<128x64xf32>
    %slice3A_21 = vector.extract_strided_slice %get3A_7 {offsets = [0, 64], sizes = [128, 64], strides = [1, 1]} : vector<128x128xf32> to vector<128x64xf32>
    %dot_general3A = arith.constant dense<0.000000e+00> : vector<128x128xf32>
    %dot_general3A_22 = tpu.matmul %slice3A, %slice3A_20, %dot_general3A {dimension_numbers = #tpu.dot_dimension_numbers<[1], [1], [0], [0], [0, 0, 1, 0], [], []>, precision = #tpu.contract_precision<fp32>, transpose_lhs_hint = false} : vector<128x64xf32>, vector<128x64xf32>, vector<128x128xf32> -> vector<128x128xf32>
    %mul3A = arith.constant 1.250000e-01 : f32
    %mul3A_23 = vector.broadcast %mul3A : f32 to vector<128x128xf32>
    %mul3A_24 = arith.mulf %dot_general3A_22, %mul3A_23 : vector<128x128xf32>
    %mul3A_25 = arith.mulf %slice3A, %slice3A : vector<128x64xf32>
    %reduce_sum3A = arith.constant dense<0.000000e+00> : vector<128xf32>
    %reduce_sum3A_26 = vector.multi_reduction <add>, %mul3A_25, %reduce_sum3A [1] : vector<128x64xf32> to vector<128xf32>
    %broadcast_in_dim3A = vector.shape_cast %reduce_sum3A_26 : vector<128xf32> to vector<128x1xf32>
    %mul3A_27 = arith.mulf %slice3A_20, %slice3A_20 : vector<128x64xf32>
    %reduce_sum3A_28 = arith.constant dense<0.000000e+00> : vector<128xf32>
    %reduce_sum3A_29 = vector.multi_reduction <add>, %mul3A_27, %reduce_sum3A_28 [1] : vector<128x64xf32> to vector<128xf32>
    %broadcast_in_dim3A_30 = vector.shape_cast %reduce_sum3A_29 : vector<128xf32> to vector<128x1xf32>
    %dot_general3A_31 = arith.constant dense<0.000000e+00> : vector<128x64xf32>
    %dot_general3A_32 = tpu.matmul %slice3A, %get3A_1, %dot_general3A_31 {dimension_numbers = #tpu.dot_dimension_numbers<[1], [1], [0], [0], [0, 0, 1, 0], [], []>, precision = #tpu.contract_precision<fp32>, transpose_lhs_hint = false} : vector<128x64xf32>, vector<64x64xf32>, vector<128x64xf32> -> vector<128x64xf32>
    %mul3A_33 = arith.constant 0.353553385 : f32
    %mul3A_34 = vector.broadcast %mul3A_33 : f32 to vector<128x64xf32>
    %mul3A_35 = arith.mulf %dot_general3A_32, %mul3A_34 : vector<128x64xf32>
    %mul3A_36 = arith.constant 6.250000e-02 : f32
    %mul3A_37 = vector.broadcast %mul3A_36 : f32 to vector<128x1xf32>
    %mul3A_38 = arith.mulf %broadcast_in_dim3A, %mul3A_37 : vector<128x1xf32>
    %sub3A = vector.broadcast %mul3A_38 : vector<128x1xf32> to vector<128x64xf32>
    %sub3A_39 = arith.subf %mul3A_35, %sub3A : vector<128x64xf32>
    %reduce_max3A = arith.constant dense<0xFF800000> : vector<128xf32>
    %reduce_max3A_40 = vector.multi_reduction <maximumf>, %sub3A_39, %reduce_max3A [1] : vector<128x64xf32> to vector<128xf32>
    %broadcast_in_dim3A_41 = vector.shape_cast %reduce_max3A_40 : vector<128xf32> to vector<128x1xf32>
    %sub3A_42 = vector.broadcast %broadcast_in_dim3A_41 : vector<128x1xf32> to vector<128x64xf32>
    %sub3A_43 = arith.subf %sub3A_39, %sub3A_42 : vector<128x64xf32>
    %exp3A = math.exp %sub3A_43 : vector<128x64xf32>
    %add3A = arith.addf %broadcast_in_dim3A_41, %slice3A_18 : vector<128x1xf32>
    %dot_general3A_44 = arith.constant dense<0.000000e+00> : vector<128x64xf32>
    %dot_general3A_45 = tpu.matmul %slice3A_20, %get3A_1, %dot_general3A_44 {dimension_numbers = #tpu.dot_dimension_numbers<[1], [1], [0], [0], [0, 0, 1, 0], [], []>, precision = #tpu.contract_precision<fp32>, transpose_lhs_hint = false} : vector<128x64xf32>, vector<64x64xf32>, vector<128x64xf32> -> vector<128x64xf32>
    %mul3A_46 = arith.constant 0.353553385 : f32
    %mul3A_47 = vector.broadcast %mul3A_46 : f32 to vector<128x64xf32>
    %mul3A_48 = arith.mulf %dot_general3A_45, %mul3A_47 : vector<128x64xf32>
    %mul3A_49 = arith.constant 6.250000e-02 : f32
    %mul3A_50 = vector.broadcast %mul3A_49 : f32 to vector<128x1xf32>
    %mul3A_51 = arith.mulf %broadcast_in_dim3A_30, %mul3A_50 : vector<128x1xf32>
    %sub3A_52 = vector.broadcast %mul3A_51 : vector<128x1xf32> to vector<128x64xf32>
    %sub3A_53 = arith.subf %mul3A_48, %sub3A_52 : vector<128x64xf32>
    %sub3A_54 = vector.broadcast %slice3A_19 : vector<128x1xf32> to vector<128x64xf32>
    %sub3A_55 = arith.subf %sub3A_53, %sub3A_54 : vector<128x64xf32>
    %exp3A_56 = math.exp %sub3A_55 : vector<128x64xf32>
    %dot_general3A_57 = arith.constant dense<0.000000e+00> : vector<128x128xf32>
    %dot_general3A_58 = tpu.matmul %exp3A, %exp3A_56, %dot_general3A_57 {dimension_numbers = #tpu.dot_dimension_numbers<[1], [1], [0], [0], [0, 0, 1, 0], [], []>, precision = #tpu.contract_precision<fp32>, transpose_lhs_hint = false} : vector<128x64xf32>, vector<128x64xf32>, vector<128x128xf32> -> vector<128x128xf32>
    %transpose3A = tpu.transpose %get3A_12, [1, 0] : vector<1x128xf32> -> vector<128x1xf32>
    %eq3A = vector.broadcast %transpose3A : vector<128x1xf32> to vector<128x128xf32>
    %eq3A_59 = vector.broadcast %get3A_17 : vector<1x128xf32> to vector<128x128xf32>
    %eq3A_60 = arith.cmpf oeq, %eq3A, %eq3A_59 : vector<128x128xf32>
    %convert_element_type3A = arith.extui %eq3A_60 : vector<128x128xi1> to vector<128x128xi32>
    %convert_element_type3A_61 = arith.sitofp %convert_element_type3A : vector<128x128xi32> to vector<128x128xf32>
    %add3A_62 = arith.constant 1.000000e+00 : f32
    %add3A_63 = vector.broadcast %add3A_62 : f32 to vector<128x128xf32>
    %add3A_64 = arith.addf %add3A_63, %convert_element_type3A_61 : vector<128x128xf32>
    %log3A = math.log %add3A_64 : vector<128x128xf32>
    %sub3A_65 = arith.subf %mul3A_24, %log3A : vector<128x128xf32>
    %div3A = arith.divf %dot_general3A_58, %add3A_64 : vector<128x128xf32>
    %reduce_max3A_66 = arith.constant dense<0xFF800000> : vector<128xf32>
    %reduce_max3A_67 = vector.multi_reduction <maximumf>, %sub3A_65, %reduce_max3A_66 [1] : vector<128x128xf32> to vector<128xf32>
    %broadcast_in_dim3A_68 = vector.shape_cast %reduce_max3A_67 : vector<128xf32> to vector<128x1xf32>
    %max3A = arith.maximumf %broadcast_in_dim3A_68, %add3A : vector<128x1xf32>
    %sub3A_69 = vector.broadcast %max3A : vector<128x1xf32> to vector<128x128xf32>
    %sub3A_70 = arith.subf %sub3A_65, %sub3A_69 : vector<128x128xf32>
    %exp3A_71 = math.exp %sub3A_70 : vector<128x128xf32>
    %sub3A_72 = arith.subf %add3A, %max3A : vector<128x1xf32>
    %exp3A_73 = math.exp %sub3A_72 : vector<128x1xf32>
    %mul3A_74 = vector.broadcast %exp3A_73 : vector<128x1xf32> to vector<128x128xf32>
    %mul3A_75 = arith.mulf %div3A, %mul3A_74 : vector<128x128xf32>
    %sub3A_76 = arith.subf %exp3A_71, %mul3A_75 : vector<128x128xf32>
    %reduce_sum3A_77 = arith.constant dense<0.000000e+00> : vector<128xf32>
    %reduce_sum3A_78 = vector.multi_reduction <add>, %sub3A_76, %reduce_sum3A_77 [1] : vector<128x128xf32> to vector<128xf32>
    %broadcast_in_dim3A_79 = vector.shape_cast %reduce_sum3A_78 : vector<128xf32> to vector<128x1xf32>
    %dot_general3A_80 = arith.constant dense<0.000000e+00> : vector<128x64xf32>
    %dot_general3A_81 = tpu.matmul %sub3A_76, %slice3A_21, %dot_general3A_80 {dimension_numbers = #tpu.dot_dimension_numbers<[1], [0], [0], [1], [0, 0, 1, 1], [], []>, precision = #tpu.contract_precision<fp32>, transpose_lhs_hint = false} : vector<128x128xf32>, vector<128x64xf32>, vector<128x64xf32> -> vector<128x64xf32>
    %broadcast_in_dim3A_82 = arith.constant 0.000000e+00 : f32
    %broadcast_in_dim3A_83 = vector.broadcast %broadcast_in_dim3A_82 : f32 to vector<128x62xf32>
    %concatenate3A = tpu.concatenate %dot_general3A_81, %max3A, %broadcast_in_dim3A_79, %broadcast_in_dim3A_83 in 1 : vector<128x64xf32>, vector<128x1xf32>, vector<128x1xf32>, vector<128x62xf32> -> vector<128x128xf32>
    %swap3A = arith.constant 0 : index
    %swap3A_84 = arith.constant 0 : index
    %swap3A_85 = vector.load %arg6[%swap3A, %swap3A_84] : memref<2048x128xf32, #tpu.memory_space<vmem>>, vector<128x128xf32>
    tpu.vector_store %arg6[%swap3A, %swap3A_84], %concatenate3A {strides = array<i32>} : memref<2048x128xf32, #tpu.memory_space<vmem>>, vector<128x128xf32>,
    %get3A_86 = arith.constant 128 : index
    %get3A_87 = arith.constant 0 : index
    %get3A_88 = vector.load %arg1[%get3A_86, %get3A_87] : memref<2048x128xf32, #tpu.memory_space<vmem>>, vector<128x128xf32>
    %get3A_89 = arith.constant 128 : index
    %get3A_90 = arith.constant 0 : index
    %get3A_91 = vector.load %arg2[%get3A_89, %get3A_90] : memref<2048x128xf32, #tpu.memory_space<vmem>>, vector<128x128xf32>
    %get3A_92 = arith.constant 1 : index
    %get3A_93 = arith.constant 0 : index
    %get3A_94 = arith.constant 0 : index
    %get3A_95 = vector.load %arg3[%get3A_92, %get3A_93, %get3A_94] : memref<16x1x128xf32, #tpu.memory_space<vmem>>, vector<1x1x128xf32>
    %get3A_96 = vector.shape_cast %get3A_95 : vector<1x1x128xf32> to vector<1x128xf32>
    %get3A_97 = arith.constant 1 : index
    %get3A_98 = arith.constant 0 : index
    %get3A_99 = arith.constant 0 : index
    %get3A_100 = vector.load %arg4[%get3A_97, %get3A_98, %get3A_99] : memref<16x1x128xf32, #tpu.memory_space<vmem>>, vector<1x1x128xf32>
    %get3A_101 = vector.shape_cast %get3A_100 : vector<1x1x128xf32> to vector<1x128xf32>
    %slice3A_102 = vector.extract_strided_slice %get3A_88 {offsets = [0, 0], sizes = [128, 64], strides = [1, 1]} : vector<128x128xf32> to vector<128x64xf32>
    %slice3A_103 = vector.extract_strided_slice %get3A_88 {offsets = [0, 64], sizes = [128, 1], strides = [1, 1]} : vector<128x128xf32> to vector<128x1xf32>
    %slice3A_104 = vector.extract_strided_slice %get3A_88 {offsets = [0, 65], sizes = [128, 1], strides = [1, 1]} : vector<128x128xf32> to vector<128x1xf32>
    %slice3A_105 = vector.extract_strided_slice %get3A_91 {offsets = [0, 0], sizes = [128, 64], strides = [1, 1]} : vector<128x128xf32> to vector<128x64xf32>
    %slice3A_106 = vector.extract_strided_slice %get3A_91 {offsets = [0, 64], sizes = [128, 64], strides = [1, 1]} : vector<128x128xf32> to vector<128x64xf32>
    %dot_general3A_107 = arith.constant dense<0.000000e+00> : vector<128x128xf32>
    %dot_general3A_108 = tpu.matmul %slice3A_102, %slice3A_105, %dot_general3A_107 {dimension_numbers = #tpu.dot_dimension_numbers<[1], [1], [0], [0], [0, 0, 1, 0], [], []>, precision = #tpu.contract_precision<fp32>, transpose_lhs_hint = false} : vector<128x64xf32>, vector<128x64xf32>, vector<128x128xf32> -> vector<128x128xf32>
    %mul3A_109 = arith.constant 1.250000e-01 : f32
    %mul3A_110 = vector.broadcast %mul3A_109 : f32 to vector<128x128xf32>
    %mul3A_111 = arith.mulf %dot_general3A_108, %mul3A_110 : vector<128x128xf32>
    %mul3A_112 = arith.mulf %slice3A_102, %slice3A_102 : vector<128x64xf32>
    %reduce_sum3A_113 = arith.constant dense<0.000000e+00> : vector<128xf32>
    %reduce_sum3A_114 = vector.multi_reduction <add>, %mul3A_112, %reduce_sum3A_113 [1] : vector<128x64xf32> to vector<128xf32>
    %broadcast_in_dim3A_115 = vector.shape_cast %reduce_sum3A_114 : vector<128xf32> to vector<128x1xf32>
    %mul3A_116 = arith.mulf %slice3A_105, %slice3A_105 : vector<128x64xf32>
    %reduce_sum3A_117 = arith.constant dense<0.000000e+00> : vector<128xf32>
    %reduce_sum3A_118 = vector.multi_reduction <add>, %mul3A_116, %reduce_sum3A_117 [1] : vector<128x64xf32> to vector<128xf32>
    %broadcast_in_dim3A_119 = vector.shape_cast %reduce_sum3A_118 : vector<128xf32> to vector<128x1xf32>
    %dot_general3A_120 = arith.constant dense<0.000000e+00> : vector<128x64xf32>
    %dot_general3A_121 = tpu.matmul %slice3A_102, %get3A_1, %dot_general3A_120 {dimension_numbers = #tpu.dot_dimension_numbers<[1], [1], [0], [0], [0, 0, 1, 0], [], []>, precision = #tpu.contract_precision<fp32>, transpose_lhs_hint = false} : vector<128x64xf32>, vector<64x64xf32>, vector<128x64xf32> -> vector<128x64xf32>
    %mul3A_122 = arith.constant 0.353553385 : f32
    %mul3A_123 = vector.broadcast %mul3A_122 : f32 to vector<128x64xf32>
    %mul3A_124 = arith.mulf %dot_general3A_121, %mul3A_123 : vector<128x64xf32>
    %mul3A_125 = arith.constant 6.250000e-02 : f32
    %mul3A_126 = vector.broadcast %mul3A_125 : f32 to vector<128x1xf32>
    %mul3A_127 = arith.mulf %broadcast_in_dim3A_115, %mul3A_126 : vector<128x1xf32>
    %sub3A_128 = vector.broadcast %mul3A_127 : vector<128x1xf32> to vector<128x64xf32>
    %sub3A_129 = arith.subf %mul3A_124, %sub3A_128 : vector<128x64xf32>
    %reduce_max3A_130 = arith.constant dense<0xFF800000> : vector<128xf32>
    %reduce_max3A_131 = vector.multi_reduction <maximumf>, %sub3A_129, %reduce_max3A_130 [1] : vector<128x64xf32> to vector<128xf32>
    %broadcast_in_dim3A_132 = vector.shape_cast %reduce_max3A_131 : vector<128xf32> to vector<128x1xf32>
    %sub3A_133 = vector.broadcast %broadcast_in_dim3A_132 : vector<128x1xf32> to vector<128x64xf32>
    %sub3A_134 = arith.subf %sub3A_129, %sub3A_133 : vector<128x64xf32>
    %exp3A_135 = math.exp %sub3A_134 : vector<128x64xf32>
    %add3A_136 = arith.addf %broadcast_in_dim3A_132, %slice3A_103 : vector<128x1xf32>
    %dot_general3A_137 = arith.constant dense<0.000000e+00> : vector<128x64xf32>
    %dot_general3A_138 = tpu.matmul %slice3A_105, %get3A_1, %dot_general3A_137 {dimension_numbers = #tpu.dot_dimension_numbers<[1], [1], [0], [0], [0, 0, 1, 0], [], []>, precision = #tpu.contract_precision<fp32>, transpose_lhs_hint = false} : vector<128x64xf32>, vector<64x64xf32>, vector<128x64xf32> -> vector<128x64xf32>
    %mul3A_139 = arith.constant 0.353553385 : f32
    %mul3A_140 = vector.broadcast %mul3A_139 : f32 to vector<128x64xf32>
    %mul3A_141 = arith.mulf %dot_general3A_138, %mul3A_140 : vector<128x64xf32>
    %mul3A_142 = arith.constant 6.250000e-02 : f32
    %mul3A_143 = vector.broadcast %mul3A_142 : f32 to vector<128x1xf32>
    %mul3A_144 = arith.mulf %broadcast_in_dim3A_119, %mul3A_143 : vector<128x1xf32>
    %sub3A_145 = vector.broadcast %mul3A_144 : vector<128x1xf32> to vector<128x64xf32>
    %sub3A_146 = arith.subf %mul3A_141, %sub3A_145 : vector<128x64xf32>
    %sub3A_147 = vector.broadcast %slice3A_104 : vector<128x1xf32> to vector<128x64xf32>
    %sub3A_148 = arith.subf %sub3A_146, %sub3A_147 : vector<128x64xf32>
    %exp3A_149 = math.exp %sub3A_148 : vector<128x64xf32>
    %dot_general3A_150 = arith.constant dense<0.000000e+00> : vector<128x128xf32>
    %dot_general3A_151 = tpu.matmul %exp3A_135, %exp3A_149, %dot_general3A_150 {dimension_numbers = #tpu.dot_dimension_numbers<[1], [1], [0], [0], [0, 0, 1, 0], [], []>, precision = #tpu.contract_precision<fp32>, transpose_lhs_hint = false} : vector<128x64xf32>, vector<128x64xf32>, vector<128x128xf32> -> vector<128x128xf32>
    %transpose3A_152 = tpu.transpose %get3A_96, [1, 0] : vector<1x128xf32> -> vector<128x1xf32>
    %eq3A_153 = vector.broadcast %transpose3A_152 : vector<128x1xf32> to vector<128x128xf32>
    %eq3A_154 = vector.broadcast %get3A_101 : vector<1x128xf32> to vector<128x128xf32>
    %eq3A_155 = arith.cmpf oeq, %eq3A_153, %eq3A_154 : vector<128x128xf32>
    %convert_element_type3A_156 = arith.extui %eq3A_155 : vector<128x128xi1> to vector<128x128xi32>
    %convert_element_type3A_157 = arith.sitofp %convert_element_type3A_156 : vector<128x128xi32> to vector<128x128xf32>
    %add3A_158 = arith.constant 1.000000e+00 : f32
    %add3A_159 = vector.broadcast %add3A_158 : f32 to vector<128x128xf32>
    %add3A_160 = arith.addf %add3A_159, %convert_element_type3A_157 : vector<128x128xf32>
    %log3A_161 = math.log %add3A_160 : vector<128x128xf32>
    %sub3A_162 = arith.subf %mul3A_111, %log3A_161 : vector<128x128xf32>
    %div3A_163 = arith.divf %dot_general3A_151, %add3A_160 : vector<128x128xf32>
    %reduce_max3A_164 = arith.constant dense<0xFF800000> : vector<128xf32>
    %reduce_max3A_165 = vector.multi_reduction <maximumf>, %sub3A_162, %reduce_max3A_164 [1] : vector<128x128xf32> to vector<128xf32>
    %broadcast_in_dim3A_166 = vector.shape_cast %reduce_max3A_165 : vector<128xf32> to vector<128x1xf32>
    %max3A_167 = arith.maximumf %broadcast_in_dim3A_166, %add3A_136 : vector<128x1xf32>
    %sub3A_168 = vector.broadcast %max3A_167 : vector<128x1xf32> to vector<128x128xf32>
    %sub3A_169 = arith.subf %sub3A_162, %sub3A_168 : vector<128x128xf32>
    %exp3A_170 = math.exp %sub3A_169 : vector<128x128xf32>
    %sub3A_171 = arith.subf %add3A_136, %max3A_167 : vector<128x1xf32>
    %exp3A_172 = math.exp %sub3A_171 : vector<128x1xf32>
    %mul3A_173 = vector.broadcast %exp3A_172 : vector<128x1xf32> to vector<128x128xf32>
    %mul3A_174 = arith.mulf %div3A_163, %mul3A_173 : vector<128x128xf32>
    %sub3A_175 = arith.subf %exp3A_170, %mul3A_174 : vector<128x128xf32>
    %reduce_sum3A_176 = arith.constant dense<0.000000e+00> : vector<128xf32>
    %reduce_sum3A_177 = vector.multi_reduction <add>, %sub3A_175, %reduce_sum3A_176 [1] : vector<128x128xf32> to vector<128xf32>
    %broadcast_in_dim3A_178 = vector.shape_cast %reduce_sum3A_177 : vector<128xf32> to vector<128x1xf32>
    %dot_general3A_179 = arith.constant dense<0.000000e+00> : vector<128x64xf32>
    %dot_general3A_180 = tpu.matmul %sub3A_175, %slice3A_106, %dot_general3A_179 {dimension_numbers = #tpu.dot_dimension_numbers<[1], [0], [0], [1], [0, 0, 1, 1], [], []>, precision = #tpu.contract_precision<fp32>, transpose_lhs_hint = false} : vector<128x128xf32>, vector<128x64xf32>, vector<128x64xf32> -> vector<128x64xf32>
    %broadcast_in_dim3A_181 = arith.constant 0.000000e+00 : f32
    %broadcast_in_dim3A_182 = vector.broadcast %broadcast_in_dim3A_181 : f32 to vector<128x62xf32>
    %concatenate3A_183 = tpu.concatenate %dot_general3A_180, %max3A_167, %broadcast_in_dim3A_178, %broadcast_in_dim3A_182 in 1 : vector<128x64xf32>, vector<128x1xf32>, vector<128x1xf32>, vector<128x62xf32> -> vector<128x128xf32>
    %swap3A_184 = arith.constant 128 : index
    %swap3A_185 = arith.constant 0 : index
    %swap3A_186 = vector.load %arg6[%swap3A_184, %swap3A_185] : memref<2048x128xf32, #tpu.memory_space<vmem>>, vector<128x128xf32>
    tpu.vector_store %arg6[%swap3A_184, %swap3A_185], %concatenate3A_183 {strides = array<i32>} : memref<2048x128xf32, #tpu.memory_space<vmem>>, vector<128x128xf32>,
    %get3A_187 = arith.constant 256 : index
    %get3A_188 = arith.constant 0 : index
    %get3A_189 = vector.load %arg1[%get3A_187, %get3A_188] : memref<2048x128xf32, #tpu.memory_space<vmem>>, vector<128x128xf32>
    %get3A_190 = arith.constant 256 : index
    %get3A_191 = arith.constant 0 : index
    %get3A_192 = vector.load %arg2[%get3A_190, %get3A_191] : memref<2048x128xf32, #tpu.memory_space<vmem>>, vector<128x128xf32>
    %get3A_193 = arith.constant 2 : index
    %get3A_194 = arith.constant 0 : index
    %get3A_195 = arith.constant 0 : index
    %get3A_196 = vector.load %arg3[%get3A_193, %get3A_194, %get3A_195] : memref<16x1x128xf32, #tpu.memory_space<vmem>>, vector<1x1x128xf32>
    %get3A_197 = vector.shape_cast %get3A_196 : vector<1x1x128xf32> to vector<1x128xf32>
    %get3A_198 = arith.constant 2 : index
    %get3A_199 = arith.constant 0 : index
    %get3A_200 = arith.constant 0 : index
    %get3A_201 = vector.load %arg4[%get3A_198, %get3A_199, %get3A_200] : memref<16x1x128xf32, #tpu.memory_space<vmem>>, vector<1x1x128xf32>
    %get3A_202 = vector.shape_cast %get3A_201 : vector<1x1x128xf32> to vector<1x128xf32>
    %slice3A_203 = vector.extract_strided_slice %get3A_189 {offsets = [0, 0], sizes = [128, 64], strides = [1, 1]} : vector<128x128xf32> to vector<128x64xf32>
    %slice3A_204 = vector.extract_strided_slice %get3A_189 {offsets = [0, 64], sizes = [128, 1], strides = [1, 1]} : vector<128x128xf32> to vector<128x1xf32>
    %slice3A_205 = vector.extract_strided_slice %get3A_189 {offsets = [0, 65], sizes = [128, 1], strides = [1, 1]} : vector<128x128xf32> to vector<128x1xf32>
    %slice3A_206 = vector.extract_strided_slice %get3A_192 {offsets = [0, 0], sizes = [128, 64], strides = [1, 1]} : vector<128x128xf32> to vector<128x64xf32>
    %slice3A_207 = vector.extract_strided_slice %get3A_192 {offsets = [0, 64], sizes = [128, 64], strides = [1, 1]} : vector<128x128xf32> to vector<128x64xf32>
    %dot_general3A_208 = arith.constant dense<0.000000e+00> : vector<128x128xf32>
    %dot_general3A_209 = tpu.matmul %slice3A_203, %slice3A_206, %dot_general3A_208 {dimension_numbers = #tpu.dot_dimension_numbers<[1], [1], [0], [0], [0, 0, 1, 0], [], []>, precision = #tpu.contract_precision<fp32>, transpose_lhs_hint = false} : vector<128x64xf32>, vector<128x64xf32>, vector<128x128xf32> -> vector<128x128xf32>
    %mul3A_210 = arith.constant 1.250000e-01 : f32
    %mul3A_211 = vector.broadcast %mul3A_210 : f32 to vector<128x128xf32>
    %mul3A_212 = arith.mulf %dot_general3A_209, %mul3A_211 : vector<128x128xf32>
    %mul3A_213 = arith.mulf %slice3A_203, %slice3A_203 : vector<128x64xf32>
    %reduce_sum3A_214 = arith.constant dense<0.000000e+00> : vector<128xf32>
    %reduce_sum3A_215 = vector.multi_reduction <add>, %mul3A_213, %reduce_sum3A_214 [1] : vector<128x64xf32> to vector<128xf32>
    %broadcast_in_dim3A_216 = vector.shape_cast %reduce_sum3A_215 : vector<128xf32> to vector<128x1xf32>
    %mul3A_217 = arith.mulf %slice3A_206, %slice3A_206 : vector<128x64xf32>
    %reduce_sum3A_218 = arith.constant dense<0.000000e+00> : vector<128xf32>
    %reduce_sum3A_219 = vector.multi_reduction <add>, %mul3A_217, %reduce_sum3A_218 [1] : vector<128x64xf32> to vector<128xf32>
    %broadcast_in_dim3A_220 = vector.shape_cast %reduce_sum3A_219 : vector<128xf32> to vector<128x1xf32>
    %dot_general3A_221 = arith.constant dense<0.000000e+00> : vector<128x64xf32>
    %dot_general3A_222 = tpu.matmul %slice3A_203, %get3A_1, %dot_general3A_221 {dimension_numbers = #tpu.dot_dimension_numbers<[1], [1], [0], [0], [0, 0, 1, 0], [], []>, precision = #tpu.contract_precision<fp32>, transpose_lhs_hint = false} : vector<128x64xf32>, vector<64x64xf32>, vector<128x64xf32> -> vector<128x64xf32>
    %mul3A_223 = arith.constant 0.353553385 : f32
    %mul3A_224 = vector.broadcast %mul3A_223 : f32 to vector<128x64xf32>
    %mul3A_225 = arith.mulf %dot_general3A_222, %mul3A_224 : vector<128x64xf32>
    %mul3A_226 = arith.constant 6.250000e-02 : f32
    %mul3A_227 = vector.broadcast %mul3A_226 : f32 to vector<128x1xf32>
    %mul3A_228 = arith.mulf %broadcast_in_dim3A_216, %mul3A_227 : vector<128x1xf32>
    %sub3A_229 = vector.broadcast %mul3A_228 : vector<128x1xf32> to vector<128x64xf32>
    %sub3A_230 = arith.subf %mul3A_225, %sub3A_229 : vector<128x64xf32>
    %reduce_max3A_231 = arith.constant dense<0xFF800000> : vector<128xf32>
    %reduce_max3A_232 = vector.multi_reduction <maximumf>, %sub3A_230, %reduce_max3A_231 [1] : vector<128x64xf32> to vector<128xf32>
    %broadcast_in_dim3A_233 = vector.shape_cast %reduce_max3A_232 : vector<128xf32> to vector<128x1xf32>
    %sub3A_234 = vector.broadcast %broadcast_in_dim3A_233 : vector<128x1xf32> to vector<128x64xf32>
    %sub3A_235 = arith.subf %sub3A_230, %sub3A_234 : vector<128x64xf32>
    %exp3A_236 = math.exp %sub3A_235 : vector<128x64xf32>
    %add3A_237 = arith.addf %broadcast_in_dim3A_233, %slice3A_204 : vector<128x1xf32>
    %dot_general3A_238 = arith.constant dense<0.000000e+00> : vector<128x64xf32>
    %dot_general3A_239 = tpu.matmul %slice3A_206, %get3A_1, %dot_general3A_238 {dimension_numbers = #tpu.dot_dimension_numbers<[1], [1], [0], [0], [0, 0, 1, 0], [], []>, precision = #tpu.contract_precision<fp32>, transpose_lhs_hint = false} : vector<128x64xf32>, vector<64x64xf32>, vector<128x64xf32> -> vector<128x64xf32>
    %mul3A_240 = arith.constant 0.353553385 : f32
    %mul3A_241 = vector.broadcast %mul3A_240 : f32 to vector<128x64xf32>
    %mul3A_242 = arith.mulf %dot_general3A_239, %mul3A_241 : vector<128x64xf32>
    %mul3A_243 = arith.constant 6.250000e-02 : f32
    %mul3A_244 = vector.broadcast %mul3A_243 : f32 to vector<128x1xf32>
    %mul3A_245 = arith.mulf %broadcast_in_dim3A_220, %mul3A_244 : vector<128x1xf32>
    %sub3A_246 = vector.broadcast %mul3A_245 : vector<128x1xf32> to vector<128x64xf32>
    %sub3A_247 = arith.subf %mul3A_242, %sub3A_246 : vector<128x64xf32>
    %sub3A_248 = vector.broadcast %slice3A_205 : vector<128x1xf32> to vector<128x64xf32>
    %sub3A_249 = arith.subf %sub3A_247, %sub3A_248 : vector<128x64xf32>
    %exp3A_250 = math.exp %sub3A_249 : vector<128x64xf32>
    %dot_general3A_251 = arith.constant dense<0.000000e+00> : vector<128x128xf32>
    %dot_general3A_252 = tpu.matmul %exp3A_236, %exp3A_250, %dot_general3A_251 {dimension_numbers = #tpu.dot_dimension_numbers<[1], [1], [0], [0], [0, 0, 1, 0], [], []>, precision = #tpu.contract_precision<fp32>, transpose_lhs_hint = false} : vector<128x64xf32>, vector<128x64xf32>, vector<128x128xf32> -> vector<128x128xf32>
    %transpose3A_253 = tpu.transpose %get3A_197, [1, 0] : vector<1x128xf32> -> vector<128x1xf32>
    %eq3A_254 = vector.broadcast %transpose3A_253 : vector<128x1xf32> to vector<128x128xf32>
    %eq3A_255 = vector.broadcast %get3A_202 : vector<1x128xf32> to vector<128x128xf32>
    %eq3A_256 = arith.cmpf oeq, %eq3A_254, %eq3A_255 : vector<128x128xf32>
    %convert_element_type3A_257 = arith.extui %eq3A_256 : vector<128x128xi1> to vector<128x128xi32>
    %convert_element_type3A_258 = arith.sitofp %convert_element_type3A_257 : vector<128x128xi32> to vector<128x128xf32>
    %add3A_259 = arith.constant 1.000000e+00 : f32
    %add3A_260 = vector.broadcast %add3A_259 : f32 to vector<128x128xf32>
    %add3A_261 = arith.addf %add3A_260, %convert_element_type3A_258 : vector<128x128xf32>
    %log3A_262 = math.log %add3A_261 : vector<128x128xf32>
    %sub3A_263 = arith.subf %mul3A_212, %log3A_262 : vector<128x128xf32>
    %div3A_264 = arith.divf %dot_general3A_252, %add3A_261 : vector<128x128xf32>
    %reduce_max3A_265 = arith.constant dense<0xFF800000> : vector<128xf32>
    %reduce_max3A_266 = vector.multi_reduction <maximumf>, %sub3A_263, %reduce_max3A_265 [1] : vector<128x128xf32> to vector<128xf32>
    %broadcast_in_dim3A_267 = vector.shape_cast %reduce_max3A_266 : vector<128xf32> to vector<128x1xf32>
    %max3A_268 = arith.maximumf %broadcast_in_dim3A_267, %add3A_237 : vector<128x1xf32>
    %sub3A_269 = vector.broadcast %max3A_268 : vector<128x1xf32> to vector<128x128xf32>
    %sub3A_270 = arith.subf %sub3A_263, %sub3A_269 : vector<128x128xf32>
    %exp3A_271 = math.exp %sub3A_270 : vector<128x128xf32>
    %sub3A_272 = arith.subf %add3A_237, %max3A_268 : vector<128x1xf32>
    %exp3A_273 = math.exp %sub3A_272 : vector<128x1xf32>
    %mul3A_274 = vector.broadcast %exp3A_273 : vector<128x1xf32> to vector<128x128xf32>
    %mul3A_275 = arith.mulf %div3A_264, %mul3A_274 : vector<128x128xf32>
    %sub3A_276 = arith.subf %exp3A_271, %mul3A_275 : vector<128x128xf32>
    %reduce_sum3A_277 = arith.constant dense<0.000000e+00> : vector<128xf32>
    %reduce_sum3A_278 = vector.multi_reduction <add>, %sub3A_276, %reduce_sum3A_277 [1] : vector<128x128xf32> to vector<128xf32>
    %broadcast_in_dim3A_279 = vector.shape_cast %reduce_sum3A_278 : vector<128xf32> to vector<128x1xf32>
    %dot_general3A_280 = arith.constant dense<0.000000e+00> : vector<128x64xf32>
    %dot_general3A_281 = tpu.matmul %sub3A_276, %slice3A_207, %dot_general3A_280 {dimension_numbers = #tpu.dot_dimension_numbers<[1], [0], [0], [1], [0, 0, 1, 1], [], []>, precision = #tpu.contract_precision<fp32>, transpose_lhs_hint = false} : vector<128x128xf32>, vector<128x64xf32>, vector<128x64xf32> -> vector<128x64xf32>
    %broadcast_in_dim3A_282 = arith.constant 0.000000e+00 : f32
    %broadcast_in_dim3A_283 = vector.broadcast %broadcast_in_dim3A_282 : f32 to vector<128x62xf32>
    %concatenate3A_284 = tpu.concatenate %dot_general3A_281, %max3A_268, %broadcast_in_dim3A_279, %broadcast_in_dim3A_283 in 1 : vector<128x64xf32>, vector<128x1xf32>, vector<128x1xf32>, vector<128x62xf32> -> vector<128x128xf32>
    %swap3A_285 = arith.constant 256 : index
    %swap3A_286 = arith.constant 0 : index
    %swap3A_287 = vector.load %arg6[%swap3A_285, %swap3A_286] : memref<2048x128xf32, #tpu.memory_space<vmem>>, vector<128x128xf32>
    tpu.vector_store %arg6[%swap3A_285, %swap3A_286], %concatenate3A_284 {strides = array<i32>} : memref<2048x128xf32, #tpu.memory_space<vmem>>, vector<128x128xf32>,
    %get3A_288 = arith.constant 384 : index
    %get3A_289 = arith.constant 0 : index
    %get3A_290 = vector.load %arg1[%get3A_288, %get3A_289] : memref<2048x128xf32, #tpu.memory_space<vmem>>, vector<128x128xf32>
    %get3A_291 = arith.constant 384 : index
    %get3A_292 = arith.constant 0 : index
    %get3A_293 = vector.load %arg2[%get3A_291, %get3A_292] : memref<2048x128xf32, #tpu.memory_space<vmem>>, vector<128x128xf32>
    %get3A_294 = arith.constant 3 : index
    %get3A_295 = arith.constant 0 : index
    %get3A_296 = arith.constant 0 : index
    %get3A_297 = vector.load %arg3[%get3A_294, %get3A_295, %get3A_296] : memref<16x1x128xf32, #tpu.memory_space<vmem>>, vector<1x1x128xf32>
    %get3A_298 = vector.shape_cast %get3A_297 : vector<1x1x128xf32> to vector<1x128xf32>
    %get3A_299 = arith.constant 3 : index
    %get3A_300 = arith.constant 0 : index
    %get3A_301 = arith.constant 0 : index
    %get3A_302 = vector.load %arg4[%get3A_299, %get3A_300, %get3A_301] : memref<16x1x128xf32, #tpu.memory_space<vmem>>, vector<1x1x128xf32>
    %get3A_303 = vector.shape_cast %get3A_302 : vector<1x1x128xf32> to vector<1x128xf32>
    %slice3A_304 = vector.extract_strided_slice %get3A_290 {offsets = [0, 0], sizes = [128, 64], strides = [1, 1]} : vector<128x128xf32> to vector<128x64xf32>
    %slice3A_305 = vector.extract_strided_slice %get3A_290 {offsets = [0, 64], sizes = [128, 1], strides = [1, 1]} : vector<128x128xf32> to vector<128x1xf32>
    %slice3A_306 = vector.extract_strided_slice %get3A_290 {offsets = [0, 65], sizes = [128, 1], strides = [1, 1]} : vector<128x128xf32> to vector<128x1xf32>
    %slice3A_307 = vector.extract_strided_slice %get3A_293 {offsets = [0, 0], sizes = [128, 64], strides = [1, 1]} : vector<128x128xf32> to vector<128x64xf32>
    %slice3A_308 = vector.extract_strided_slice %get3A_293 {offsets = [0, 64], sizes = [128, 64], strides = [1, 1]} : vector<128x128xf32> to vector<128x64xf32>
    %dot_general3A_309 = arith.constant dense<0.000000e+00> : vector<128x128xf32>
    %dot_general3A_310 = tpu.matmul %slice3A_304, %slice3A_307, %dot_general3A_309 {dimension_numbers = #tpu.dot_dimension_numbers<[1], [1], [0], [0], [0, 0, 1, 0], [], []>, precision = #tpu.contract_precision<fp32>, transpose_lhs_hint = false} : vector<128x64xf32>, vector<128x64xf32>, vector<128x128xf32> -> vector<128x128xf32>
    %mul3A_311 = arith.constant 1.250000e-01 : f32
    %mul3A_312 = vector.broadcast %mul3A_311 : f32 to vector<128x128xf32>
    %mul3A_313 = arith.mulf %dot_general3A_310, %mul3A_312 : vector<128x128xf32>
    %mul3A_314 = arith.mulf %slice3A_304, %slice3A_304 : vector<128x64xf32>
    %reduce_sum3A_315 = arith.constant dense<0.000000e+00> : vector<128xf32>
    %reduce_sum3A_316 = vector.multi_reduction <add>, %mul3A_314, %reduce_sum3A_315 [1] : vector<128x64xf32> to vector<128xf32>
    %broadcast_in_dim3A_317 = vector.shape_cast %reduce_sum3A_316 : vector<128xf32> to vector<128x1xf32>
    %mul3A_318 = arith.mulf %slice3A_307, %slice3A_307 : vector<128x64xf32>
    %reduce_sum3A_319 = arith.constant dense<0.000000e+00> : vector<128xf32>
    %reduce_sum3A_320 = vector.multi_reduction <add>, %mul3A_318, %reduce_sum3A_319 [1] : vector<128x64xf32> to vector<128xf32>
    %broadcast_in_dim3A_321 = vector.shape_cast %reduce_sum3A_320 : vector<128xf32> to vector<128x1xf32>
    %dot_general3A_322 = arith.constant dense<0.000000e+00> : vector<128x64xf32>
    %dot_general3A_323 = tpu.matmul %slice3A_304, %get3A_1, %dot_general3A_322 {dimension_numbers = #tpu.dot_dimension_numbers<[1], [1], [0], [0], [0, 0, 1, 0], [], []>, precision = #tpu.contract_precision<fp32>, transpose_lhs_hint = false} : vector<128x64xf32>, vector<64x64xf32>, vector<128x64xf32> -> vector<128x64xf32>
    %mul3A_324 = arith.constant 0.353553385 : f32
    %mul3A_325 = vector.broadcast %mul3A_324 : f32 to vector<128x64xf32>
    %mul3A_326 = arith.mulf %dot_general3A_323, %mul3A_325 : vector<128x64xf32>
    %mul3A_327 = arith.constant 6.250000e-02 : f32
    %mul3A_328 = vector.broadcast %mul3A_327 : f32 to vector<128x1xf32>
    %mul3A_329 = arith.mulf %broadcast_in_dim3A_317, %mul3A_328 : vector<128x1xf32>
    %sub3A_330 = vector.broadcast %mul3A_329 : vector<128x1xf32> to vector<128x64xf32>
    %sub3A_331 = arith.subf %mul3A_326, %sub3A_330 : vector<128x64xf32>
    %reduce_max3A_332 = arith.constant dense<0xFF800000> : vector<128xf32>
    %reduce_max3A_333 = vector.multi_reduction <maximumf>, %sub3A_331, %reduce_max3A_332 [1] : vector<128x64xf32> to vector<128xf32>
    %broadcast_in_dim3A_334 = vector.shape_cast %reduce_max3A_333 : vector<128xf32> to vector<128x1xf32>
    %sub3A_335 = vector.broadcast %broadcast_in_dim3A_334 : vector<128x1xf32> to vector<128x64xf32>
    %sub3A_336 = arith.subf %sub3A_331, %sub3A_335 : vector<128x64xf32>
    %exp3A_337 = math.exp %sub3A_336 : vector<128x64xf32>
    %add3A_338 = arith.addf %broadcast_in_dim3A_334, %slice3A_305 : vector<128x1xf32>
    %dot_general3A_339 = arith.constant dense<0.000000e+00> : vector<128x64xf32>
    %dot_general3A_340 = tpu.matmul %slice3A_307, %get3A_1, %dot_general3A_339 {dimension_numbers = #tpu.dot_dimension_numbers<[1], [1], [0], [0], [0, 0, 1, 0], [], []>, precision = #tpu.contract_precision<fp32>, transpose_lhs_hint = false} : vector<128x64xf32>, vector<64x64xf32>, vector<128x64xf32> -> vector<128x64xf32>
    %mul3A_341 = arith.constant 0.353553385 : f32
    %mul3A_342 = vector.broadcast %mul3A_341 : f32 to vector<128x64xf32>
    %mul3A_343 = arith.mulf %dot_general3A_340, %mul3A_342 : vector<128x64xf32>
    %mul3A_344 = arith.constant 6.250000e-02 : f32
    %mul3A_345 = vector.broadcast %mul3A_344 : f32 to vector<128x1xf32>
    %mul3A_346 = arith.mulf %broadcast_in_dim3A_321, %mul3A_345 : vector<128x1xf32>
    %sub3A_347 = vector.broadcast %mul3A_346 : vector<128x1xf32> to vector<128x64xf32>
    %sub3A_348 = arith.subf %mul3A_343, %sub3A_347 : vector<128x64xf32>
    %sub3A_349 = vector.broadcast %slice3A_306 : vector<128x1xf32> to vector<128x64xf32>
    %sub3A_350 = arith.subf %sub3A_348, %sub3A_349 : vector<128x64xf32>
    %exp3A_351 = math.exp %sub3A_350 : vector<128x64xf32>
    %dot_general3A_352 = arith.constant dense<0.000000e+00> : vector<128x128xf32>
    %dot_general3A_353 = tpu.matmul %exp3A_337, %exp3A_351, %dot_general3A_352 {dimension_numbers = #tpu.dot_dimension_numbers<[1], [1], [0], [0], [0, 0, 1, 0], [], []>, precision = #tpu.contract_precision<fp32>, transpose_lhs_hint = false} : vector<128x64xf32>, vector<128x64xf32>, vector<128x128xf32> -> vector<128x128xf32>
    %transpose3A_354 = tpu.transpose %get3A_298, [1, 0] : vector<1x128xf32> -> vector<128x1xf32>
    %eq3A_355 = vector.broadcast %transpose3A_354 : vector<128x1xf32> to vector<128x128xf32>
    %eq3A_356 = vector.broadcast %get3A_303 : vector<1x128xf32> to vector<128x128xf32>
    %eq3A_357 = arith.cmpf oeq, %eq3A_355, %eq3A_356 : vector<128x128xf32>
    %convert_element_type3A_358 = arith.extui %eq3A_357 : vector<128x128xi1> to vector<128x128xi32>
    %convert_element_type3A_359 = arith.sitofp %convert_element_type3A_358 : vector<128x128xi32> to vector<128x128xf32>
    %add3A_360 = arith.constant 1.000000e+00 : f32
    %add3A_361 = vector.broadcast %add3A_360 : f32 to vector<128x128xf32>
    %add3A_362 = arith.addf %add3A_361, %convert_element_type3A_359 : vector<128x128xf32>
    %log3A_363 = math.log %add3A_362 : vector<128x128xf32>
    %sub3A_364 = arith.subf %mul3A_313, %log3A_363 : vector<128x128xf32>
    %div3A_365 = arith.divf %dot_general3A_353, %add3A_362 : vector<128x128xf32>
    %reduce_max3A_366 = arith.constant dense<0xFF800000> : vector<128xf32>
    %reduce_max3A_367 = vector.multi_reduction <maximumf>, %sub3A_364, %reduce_max3A_366 [1] : vector<128x128xf32> to vector<128xf32>
    %broadcast_in_dim3A_368 = vector.shape_cast %reduce_max3A_367 : vector<128xf32> to vector<128x1xf32>
    %max3A_369 = arith.maximumf %broadcast_in_dim3A_368, %add3A_338 : vector<128x1xf32>
    %sub3A_370 = vector.broadcast %max3A_369 : vector<128x1xf32> to vector<128x128xf32>
    %sub3A_371 = arith.subf %sub3A_364, %sub3A_370 : vector<128x128xf32>
    %exp3A_372 = math.exp %sub3A_371 : vector<128x128xf32>
    %sub3A_373 = arith.subf %add3A_338, %max3A_369 : vector<128x1xf32>
    %exp3A_374 = math.exp %sub3A_373 : vector<128x1xf32>
    %mul3A_375 = vector.broadcast %exp3A_374 : vector<128x1xf32> to vector<128x128xf32>
    %mul3A_376 = arith.mulf %div3A_365, %mul3A_375 : vector<128x128xf32>
    %sub3A_377 = arith.subf %exp3A_372, %mul3A_376 : vector<128x128xf32>
    %reduce_sum3A_378 = arith.constant dense<0.000000e+00> : vector<128xf32>
    %reduce_sum3A_379 = vector.multi_reduction <add>, %sub3A_377, %reduce_sum3A_378 [1] : vector<128x128xf32> to vector<128xf32>
    %broadcast_in_dim3A_380 = vector.shape_cast %reduce_sum3A_379 : vector<128xf32> to vector<128x1xf32>
    %dot_general3A_381 = arith.constant dense<0.000000e+00> : vector<128x64xf32>
    %dot_general3A_382 = tpu.matmul %sub3A_377, %slice3A_308, %dot_general3A_381 {dimension_numbers = #tpu.dot_dimension_numbers<[1], [0], [0], [1], [0, 0, 1, 1], [], []>, precision = #tpu.contract_precision<fp32>, transpose_lhs_hint = false} : vector<128x128xf32>, vector<128x64xf32>, vector<128x64xf32> -> vector<128x64xf32>
    %broadcast_in_dim3A_383 = arith.constant 0.000000e+00 : f32
    %broadcast_in_dim3A_384 = vector.broadcast %broadcast_in_dim3A_383 : f32 to vector<128x62xf32>
    %concatenate3A_385 = tpu.concatenate %dot_general3A_382, %max3A_369, %broadcast_in_dim3A_380, %broadcast_in_dim3A_384 in 1 : vector<128x64xf32>, vector<128x1xf32>, vector<128x1xf32>, vector<128x62xf32> -> vector<128x128xf32>
    %swap3A_386 = arith.constant 384 : index
    %swap3A_387 = arith.constant 0 : index
    %swap3A_388 = vector.load %arg6[%swap3A_386, %swap3A_387] : memref<2048x128xf32, #tpu.memory_space<vmem>>, vector<128x128xf32>
    tpu.vector_store %arg6[%swap3A_386, %swap3A_387], %concatenate3A_385 {strides = array<i32>} : memref<2048x128xf32, #tpu.memory_space<vmem>>, vector<128x128xf32>,
    %get3A_389 = arith.constant 512 : index
    %get3A_390 = arith.constant 0 : index
    %get3A_391 = vector.load %arg1[%get3A_389, %get3A_390] : memref<2048x128xf32, #tpu.memory_space<vmem>>, vector<128x128xf32>
    %get3A_392 = arith.constant 512 : index
    %get3A_393 = arith.constant 0 : index
    %get3A_394 = vector.load %arg2[%get3A_392, %get3A_393] : memref<2048x128xf32, #tpu.memory_space<vmem>>, vector<128x128xf32>
    %get3A_395 = arith.constant 4 : index
    %get3A_396 = arith.constant 0 : index
    %get3A_397 = arith.constant 0 : index
    %get3A_398 = vector.load %arg3[%get3A_395, %get3A_396, %get3A_397] : memref<16x1x128xf32, #tpu.memory_space<vmem>>, vector<1x1x128xf32>
    %get3A_399 = vector.shape_cast %get3A_398 : vector<1x1x128xf32> to vector<1x128xf32>
    %get3A_400 = arith.constant 4 : index
    %get3A_401 = arith.constant 0 : index
    %get3A_402 = arith.constant 0 : index
    %get3A_403 = vector.load %arg4[%get3A_400, %get3A_401, %get3A_402] : memref<16x1x128xf32, #tpu.memory_space<vmem>>, vector<1x1x128xf32>
    %get3A_404 = vector.shape_cast %get3A_403 : vector<1x1x128xf32> to vector<1x128xf32>
    %slice3A_405 = vector.extract_strided_slice %get3A_391 {offsets = [0, 0], sizes = [128, 64], strides = [1, 1]} : vector<128x128xf32> to vector<128x64xf32>
    %slice3A_406 = vector.extract_strided_slice %get3A_391 {offsets = [0, 64], sizes = [128, 1], strides = [1, 1]} : vector<128x128xf32> to vector<128x1xf32>
    %slice3A_407 = vector.extract_strided_slice %get3A_391 {offsets = [0, 65], sizes = [128, 1], strides = [1, 1]} : vector<128x128xf32> to vector<128x1xf32>
    %slice3A_408 = vector.extract_strided_slice %get3A_394 {offsets = [0, 0], sizes = [128, 64], strides = [1, 1]} : vector<128x128xf32> to vector<128x64xf32>
    %slice3A_409 = vector.extract_strided_slice %get3A_394 {offsets = [0, 64], sizes = [128, 64], strides = [1, 1]} : vector<128x128xf32> to vector<128x64xf32>
    %dot_general3A_410 = arith.constant dense<0.000000e+00> : vector<128x128xf32>
    %dot_general3A_411 = tpu.matmul %slice3A_405, %slice3A_408, %dot_general3A_410 {dimension_numbers = #tpu.dot_dimension_numbers<[1], [1], [0], [0], [0, 0, 1, 0], [], []>, precision = #tpu.contract_precision<fp32>, transpose_lhs_hint = false} : vector<128x64xf32>, vector<128x64xf32>, vector<128x128xf32> -> vector<128x128xf32>
    %mul3A_412 = arith.constant 1.250000e-01 : f32
    %mul3A_413 = vector.broadcast %mul3A_412 : f32 to vector<128x128xf32>
    %mul3A_414 = arith.mulf %dot_general3A_411, %mul3A_413 : vector<128x128xf32>
    %mul3A_415 = arith.mulf %slice3A_405, %slice3A_405 : vector<128x64xf32>
    %reduce_sum3A_416 = arith.constant dense<0.000000e+00> : vector<128xf32>
    %reduce_sum3A_417 = vector.multi_reduction <add>, %mul3A_415, %reduce_sum3A_416 [1] : vector<128x64xf32> to vector<128xf32>
    %broadcast_in_dim3A_418 = vector.shape_cast %reduce_sum3A_417 : vector<128xf32> to vector<128x1xf32>
    %mul3A_419 = arith.mulf %slice3A_408, %slice3A_408 : vector<128x64xf32>
    %reduce_sum3A_420 = arith.constant dense<0.000000e+00> : vector<128xf32>
    %reduce_sum3A_421 = vector.multi_reduction <add>, %mul3A_419, %reduce_sum3A_420 [1] : vector<128x64xf32> to vector<128xf32>
    %broadcast_in_dim3A_422 = vector.shape_cast %reduce_sum3A_421 : vector<128xf32> to vector<128x1xf32>
    %dot_general3A_423 = arith.constant dense<0.000000e+00> : vector<128x64xf32>
    %dot_general3A_424 = tpu.matmul %slice3A_405, %get3A_1, %dot_general3A_423 {dimension_numbers = #tpu.dot_dimension_numbers<[1], [1], [0], [0], [0, 0, 1, 0], [], []>, precision = #tpu.contract_precision<fp32>, transpose_lhs_hint = false} : vector<128x64xf32>, vector<64x64xf32>, vector<128x64xf32> -> vector<128x64xf32>
    %mul3A_425 = arith.constant 0.353553385 : f32
    %mul3A_426 = vector.broadcast %mul3A_425 : f32 to vector<128x64xf32>
    %mul3A_427 = arith.mulf %dot_general3A_424, %mul3A_426 : vector<128x64xf32>
    %mul3A_428 = arith.constant 6.250000e-02 : f32
    %mul3A_429 = vector.broadcast %mul3A_428 : f32 to vector<128x1xf32>
    %mul3A_430 = arith.mulf %broadcast_in_dim3A_418, %mul3A_429 : vector<128x1xf32>
    %sub3A_431 = vector.broadcast %mul3A_430 : vector<128x1xf32> to vector<128x64xf32>
    %sub3A_432 = arith.subf %mul3A_427, %sub3A_431 : vector<128x64xf32>
    %reduce_max3A_433 = arith.constant dense<0xFF800000> : vector<128xf32>
    %reduce_max3A_434 = vector.multi_reduction <maximumf>, %sub3A_432, %reduce_max3A_433 [1] : vector<128x64xf32> to vector<128xf32>
    %broadcast_in_dim3A_435 = vector.shape_cast %reduce_max3A_434 : vector<128xf32> to vector<128x1xf32>
    %sub3A_436 = vector.broadcast %broadcast_in_dim3A_435 : vector<128x1xf32> to vector<128x64xf32>
    %sub3A_437 = arith.subf %sub3A_432, %sub3A_436 : vector<128x64xf32>
    %exp3A_438 = math.exp %sub3A_437 : vector<128x64xf32>
    %add3A_439 = arith.addf %broadcast_in_dim3A_435, %slice3A_406 : vector<128x1xf32>
    %dot_general3A_440 = arith.constant dense<0.000000e+00> : vector<128x64xf32>
    %dot_general3A_441 = tpu.matmul %slice3A_408, %get3A_1, %dot_general3A_440 {dimension_numbers = #tpu.dot_dimension_numbers<[1], [1], [0], [0], [0, 0, 1, 0], [], []>, precision = #tpu.contract_precision<fp32>, transpose_lhs_hint = false} : vector<128x64xf32>, vector<64x64xf32>, vector<128x64xf32> -> vector<128x64xf32>
    %mul3A_442 = arith.constant 0.353553385 : f32
    %mul3A_443 = vector.broadcast %mul3A_442 : f32 to vector<128x64xf32>
    %mul3A_444 = arith.mulf %dot_general3A_441, %mul3A_443 : vector<128x64xf32>
    %mul3A_445 = arith.constant 6.250000e-02 : f32
    %mul3A_446 = vector.broadcast %mul3A_445 : f32 to vector<128x1xf32>
    %mul3A_447 = arith.mulf %broadcast_in_dim3A_422, %mul3A_446 : vector<128x1xf32>
    %sub3A_448 = vector.broadcast %mul3A_447 : vector<128x1xf32> to vector<128x64xf32>
    %sub3A_449 = arith.subf %mul3A_444, %sub3A_448 : vector<128x64xf32>
    %sub3A_450 = vector.broadcast %slice3A_407 : vector<128x1xf32> to vector<128x64xf32>
    %sub3A_451 = arith.subf %sub3A_449, %sub3A_450 : vector<128x64xf32>
    %exp3A_452 = math.exp %sub3A_451 : vector<128x64xf32>
    %dot_general3A_453 = arith.constant dense<0.000000e+00> : vector<128x128xf32>
    %dot_general3A_454 = tpu.matmul %exp3A_438, %exp3A_452, %dot_general3A_453 {dimension_numbers = #tpu.dot_dimension_numbers<[1], [1], [0], [0], [0, 0, 1, 0], [], []>, precision = #tpu.contract_precision<fp32>, transpose_lhs_hint = false} : vector<128x64xf32>, vector<128x64xf32>, vector<128x128xf32> -> vector<128x128xf32>
    %transpose3A_455 = tpu.transpose %get3A_399, [1, 0] : vector<1x128xf32> -> vector<128x1xf32>
    %eq3A_456 = vector.broadcast %transpose3A_455 : vector<128x1xf32> to vector<128x128xf32>
    %eq3A_457 = vector.broadcast %get3A_404 : vector<1x128xf32> to vector<128x128xf32>
    %eq3A_458 = arith.cmpf oeq, %eq3A_456, %eq3A_457 : vector<128x128xf32>
    %convert_element_type3A_459 = arith.extui %eq3A_458 : vector<128x128xi1> to vector<128x128xi32>
    %convert_element_type3A_460 = arith.sitofp %convert_element_type3A_459 : vector<128x128xi32> to vector<128x128xf32>
    %add3A_461 = arith.constant 1.000000e+00 : f32
    %add3A_462 = vector.broadcast %add3A_461 : f32 to vector<128x128xf32>
    %add3A_463 = arith.addf %add3A_462, %convert_element_type3A_460 : vector<128x128xf32>
    %log3A_464 = math.log %add3A_463 : vector<128x128xf32>
    %sub3A_465 = arith.subf %mul3A_414, %log3A_464 : vector<128x128xf32>
    %div3A_466 = arith.divf %dot_general3A_454, %add3A_463 : vector<128x128xf32>
    %reduce_max3A_467 = arith.constant dense<0xFF800000> : vector<128xf32>
    %reduce_max3A_468 = vector.multi_reduction <maximumf>, %sub3A_465, %reduce_max3A_467 [1] : vector<128x128xf32> to vector<128xf32>
    %broadcast_in_dim3A_469 = vector.shape_cast %reduce_max3A_468 : vector<128xf32> to vector<128x1xf32>
    %max3A_470 = arith.maximumf %broadcast_in_dim3A_469, %add3A_439 : vector<128x1xf32>
    %sub3A_471 = vector.broadcast %max3A_470 : vector<128x1xf32> to vector<128x128xf32>
    %sub3A_472 = arith.subf %sub3A_465, %sub3A_471 : vector<128x128xf32>
    %exp3A_473 = math.exp %sub3A_472 : vector<128x128xf32>
    %sub3A_474 = arith.subf %add3A_439, %max3A_470 : vector<128x1xf32>
    %exp3A_475 = math.exp %sub3A_474 : vector<128x1xf32>
    %mul3A_476 = vector.broadcast %exp3A_475 : vector<128x1xf32> to vector<128x128xf32>
    %mul3A_477 = arith.mulf %div3A_466, %mul3A_476 : vector<128x128xf32>
    %sub3A_478 = arith.subf %exp3A_473, %mul3A_477 : vector<128x128xf32>
    %reduce_sum3A_479 = arith.constant dense<0.000000e+00> : vector<128xf32>
    %reduce_sum3A_480 = vector.multi_reduction <add>, %sub3A_478, %reduce_sum3A_479 [1] : vector<128x128xf32> to vector<128xf32>
    %broadcast_in_dim3A_481 = vector.shape_cast %reduce_sum3A_480 : vector<128xf32> to vector<128x1xf32>
    %dot_general3A_482 = arith.constant dense<0.000000e+00> : vector<128x64xf32>
    %dot_general3A_483 = tpu.matmul %sub3A_478, %slice3A_409, %dot_general3A_482 {dimension_numbers = #tpu.dot_dimension_numbers<[1], [0], [0], [1], [0, 0, 1, 1], [], []>, precision = #tpu.contract_precision<fp32>, transpose_lhs_hint = false} : vector<128x128xf32>, vector<128x64xf32>, vector<128x64xf32> -> vector<128x64xf32>
    %broadcast_in_dim3A_484 = arith.constant 0.000000e+00 : f32
    %broadcast_in_dim3A_485 = vector.broadcast %broadcast_in_dim3A_484 : f32 to vector<128x62xf32>
    %concatenate3A_486 = tpu.concatenate %dot_general3A_483, %max3A_470, %broadcast_in_dim3A_481, %broadcast_in_dim3A_485 in 1 : vector<128x64xf32>, vector<128x1xf32>, vector<128x1xf32>, vector<128x62xf32> -> vector<128x128xf32>
    %swap3A_487 = arith.constant 512 : index
    %swap3A_488 = arith.constant 0 : index
    %swap3A_489 = vector.load %arg6[%swap3A_487, %swap3A_488] : memref<2048x128xf32, #tpu.memory_space<vmem>>, vector<128x128xf32>
    tpu.vector_store %arg6[%swap3A_487, %swap3A_488], %concatenate3A_486 {strides = array<i32>} : memref<2048x128xf32, #tpu.memory_space<vmem>>, vector<128x128xf32>,
    %get3A_490 = arith.constant 640 : index
    %get3A_491 = arith.constant 0 : index
    %get3A_492 = vector.load %arg1[%get3A_490, %get3A_491] : memref<2048x128xf32, #tpu.memory_space<vmem>>, vector<128x128xf32>
    %get3A_493 = arith.constant 640 : index
    %get3A_494 = arith.constant 0 : index
    %get3A_495 = vector.load %arg2[%get3A_493, %get3A_494] : memref<2048x128xf32, #tpu.memory_space<vmem>>, vector<128x128xf32>
    %get3A_496 = arith.constant 5 : index
    %get3A_497 = arith.constant 0 : index
    %get3A_498 = arith.constant 0 : index
    %get3A_499 = vector.load %arg3[%get3A_496, %get3A_497, %get3A_498] : memref<16x1x128xf32, #tpu.memory_space<vmem>>, vector<1x1x128xf32>
    %get3A_500 = vector.shape_cast %get3A_499 : vector<1x1x128xf32> to vector<1x128xf32>
    %get3A_501 = arith.constant 5 : index
    %get3A_502 = arith.constant 0 : index
    %get3A_503 = arith.constant 0 : index
    %get3A_504 = vector.load %arg4[%get3A_501, %get3A_502, %get3A_503] : memref<16x1x128xf32, #tpu.memory_space<vmem>>, vector<1x1x128xf32>
    %get3A_505 = vector.shape_cast %get3A_504 : vector<1x1x128xf32> to vector<1x128xf32>
    %slice3A_506 = vector.extract_strided_slice %get3A_492 {offsets = [0, 0], sizes = [128, 64], strides = [1, 1]} : vector<128x128xf32> to vector<128x64xf32>
    %slice3A_507 = vector.extract_strided_slice %get3A_492 {offsets = [0, 64], sizes = [128, 1], strides = [1, 1]} : vector<128x128xf32> to vector<128x1xf32>
    %slice3A_508 = vector.extract_strided_slice %get3A_492 {offsets = [0, 65], sizes = [128, 1], strides = [1, 1]} : vector<128x128xf32> to vector<128x1xf32>
    %slice3A_509 = vector.extract_strided_slice %get3A_495 {offsets = [0, 0], sizes = [128, 64], strides = [1, 1]} : vector<128x128xf32> to vector<128x64xf32>
    %slice3A_510 = vector.extract_strided_slice %get3A_495 {offsets = [0, 64], sizes = [128, 64], strides = [1, 1]} : vector<128x128xf32> to vector<128x64xf32>
    %dot_general3A_511 = arith.constant dense<0.000000e+00> : vector<128x128xf32>
    %dot_general3A_512 = tpu.matmul %slice3A_506, %slice3A_509, %dot_general3A_511 {dimension_numbers = #tpu.dot_dimension_numbers<[1], [1], [0], [0], [0, 0, 1, 0], [], []>, precision = #tpu.contract_precision<fp32>, transpose_lhs_hint = false} : vector<128x64xf32>, vector<128x64xf32>, vector<128x128xf32> -> vector<128x128xf32>
    %mul3A_513 = arith.constant 1.250000e-01 : f32
    %mul3A_514 = vector.broadcast %mul3A_513 : f32 to vector<128x128xf32>
    %mul3A_515 = arith.mulf %dot_general3A_512, %mul3A_514 : vector<128x128xf32>
    %mul3A_516 = arith.mulf %slice3A_506, %slice3A_506 : vector<128x64xf32>
    %reduce_sum3A_517 = arith.constant dense<0.000000e+00> : vector<128xf32>
    %reduce_sum3A_518 = vector.multi_reduction <add>, %mul3A_516, %reduce_sum3A_517 [1] : vector<128x64xf32> to vector<128xf32>
    %broadcast_in_dim3A_519 = vector.shape_cast %reduce_sum3A_518 : vector<128xf32> to vector<128x1xf32>
    %mul3A_520 = arith.mulf %slice3A_509, %slice3A_509 : vector<128x64xf32>
    %reduce_sum3A_521 = arith.constant dense<0.000000e+00> : vector<128xf32>
    %reduce_sum3A_522 = vector.multi_reduction <add>, %mul3A_520, %reduce_sum3A_521 [1] : vector<128x64xf32> to vector<128xf32>
    %broadcast_in_dim3A_523 = vector.shape_cast %reduce_sum3A_522 : vector<128xf32> to vector<128x1xf32>
    %dot_general3A_524 = arith.constant dense<0.000000e+00> : vector<128x64xf32>
    %dot_general3A_525 = tpu.matmul %slice3A_506, %get3A_1, %dot_general3A_524 {dimension_numbers = #tpu.dot_dimension_numbers<[1], [1], [0], [0], [0, 0, 1, 0], [], []>, precision = #tpu.contract_precision<fp32>, transpose_lhs_hint = false} : vector<128x64xf32>, vector<64x64xf32>, vector<128x64xf32> -> vector<128x64xf32>
    %mul3A_526 = arith.constant 0.353553385 : f32
    %mul3A_527 = vector.broadcast %mul3A_526 : f32 to vector<128x64xf32>
    %mul3A_528 = arith.mulf %dot_general3A_525, %mul3A_527 : vector<128x64xf32>
    %mul3A_529 = arith.constant 6.250000e-02 : f32
    %mul3A_530 = vector.broadcast %mul3A_529 : f32 to vector<128x1xf32>
    %mul3A_531 = arith.mulf %broadcast_in_dim3A_519, %mul3A_530 : vector<128x1xf32>
    %sub3A_532 = vector.broadcast %mul3A_531 : vector<128x1xf32> to vector<128x64xf32>
    %sub3A_533 = arith.subf %mul3A_528, %sub3A_532 : vector<128x64xf32>
    %reduce_max3A_534 = arith.constant dense<0xFF800000> : vector<128xf32>
    %reduce_max3A_535 = vector.multi_reduction <maximumf>, %sub3A_533, %reduce_max3A_534 [1] : vector<128x64xf32> to vector<128xf32>
    %broadcast_in_dim3A_536 = vector.shape_cast %reduce_max3A_535 : vector<128xf32> to vector<128x1xf32>
    %sub3A_537 = vector.broadcast %broadcast_in_dim3A_536 : vector<128x1xf32> to vector<128x64xf32>
    %sub3A_538 = arith.subf %sub3A_533, %sub3A_537 : vector<128x64xf32>
    %exp3A_539 = math.exp %sub3A_538 : vector<128x64xf32>
    %add3A_540 = arith.addf %broadcast_in_dim3A_536, %slice3A_507 : vector<128x1xf32>
    %dot_general3A_541 = arith.constant dense<0.000000e+00> : vector<128x64xf32>
    %dot_general3A_542 = tpu.matmul %slice3A_509, %get3A_1, %dot_general3A_541 {dimension_numbers = #tpu.dot_dimension_numbers<[1], [1], [0], [0], [0, 0, 1, 0], [], []>, precision = #tpu.contract_precision<fp32>, transpose_lhs_hint = false} : vector<128x64xf32>, vector<64x64xf32>, vector<128x64xf32> -> vector<128x64xf32>
    %mul3A_543 = arith.constant 0.353553385 : f32
    %mul3A_544 = vector.broadcast %mul3A_543 : f32 to vector<128x64xf32>
    %mul3A_545 = arith.mulf %dot_general3A_542, %mul3A_544 : vector<128x64xf32>
    %mul3A_546 = arith.constant 6.250000e-02 : f32
    %mul3A_547 = vector.broadcast %mul3A_546 : f32 to vector<128x1xf32>
    %mul3A_548 = arith.mulf %broadcast_in_dim3A_523, %mul3A_547 : vector<128x1xf32>
    %sub3A_549 = vector.broadcast %mul3A_548 : vector<128x1xf32> to vector<128x64xf32>
    %sub3A_550 = arith.subf %mul3A_545, %sub3A_549 : vector<128x64xf32>
    %sub3A_551 = vector.broadcast %slice3A_508 : vector<128x1xf32> to vector<128x64xf32>
    %sub3A_552 = arith.subf %sub3A_550, %sub3A_551 : vector<128x64xf32>
    %exp3A_553 = math.exp %sub3A_552 : vector<128x64xf32>
    %dot_general3A_554 = arith.constant dense<0.000000e+00> : vector<128x128xf32>
    %dot_general3A_555 = tpu.matmul %exp3A_539, %exp3A_553, %dot_general3A_554 {dimension_numbers = #tpu.dot_dimension_numbers<[1], [1], [0], [0], [0, 0, 1, 0], [], []>, precision = #tpu.contract_precision<fp32>, transpose_lhs_hint = false} : vector<128x64xf32>, vector<128x64xf32>, vector<128x128xf32> -> vector<128x128xf32>
    %transpose3A_556 = tpu.transpose %get3A_500, [1, 0] : vector<1x128xf32> -> vector<128x1xf32>
    %eq3A_557 = vector.broadcast %transpose3A_556 : vector<128x1xf32> to vector<128x128xf32>
    %eq3A_558 = vector.broadcast %get3A_505 : vector<1x128xf32> to vector<128x128xf32>
    %eq3A_559 = arith.cmpf oeq, %eq3A_557, %eq3A_558 : vector<128x128xf32>
    %convert_element_type3A_560 = arith.extui %eq3A_559 : vector<128x128xi1> to vector<128x128xi32>
    %convert_element_type3A_561 = arith.sitofp %convert_element_type3A_560 : vector<128x128xi32> to vector<128x128xf32>
    %add3A_562 = arith.constant 1.000000e+00 : f32
    %add3A_563 = vector.broadcast %add3A_562 : f32 to vector<128x128xf32>
    %add3A_564 = arith.addf %add3A_563, %convert_element_type3A_561 : vector<128x128xf32>
    %log3A_565 = math.log %add3A_564 : vector<128x128xf32>
    %sub3A_566 = arith.subf %mul3A_515, %log3A_565 : vector<128x128xf32>
    %div3A_567 = arith.divf %dot_general3A_555, %add3A_564 : vector<128x128xf32>
    %reduce_max3A_568 = arith.constant dense<0xFF800000> : vector<128xf32>
    %reduce_max3A_569 = vector.multi_reduction <maximumf>, %sub3A_566, %reduce_max3A_568 [1] : vector<128x128xf32> to vector<128xf32>
    %broadcast_in_dim3A_570 = vector.shape_cast %reduce_max3A_569 : vector<128xf32> to vector<128x1xf32>
    %max3A_571 = arith.maximumf %broadcast_in_dim3A_570, %add3A_540 : vector<128x1xf32>
    %sub3A_572 = vector.broadcast %max3A_571 : vector<128x1xf32> to vector<128x128xf32>
    %sub3A_573 = arith.subf %sub3A_566, %sub3A_572 : vector<128x128xf32>
    %exp3A_574 = math.exp %sub3A_573 : vector<128x128xf32>
    %sub3A_575 = arith.subf %add3A_540, %max3A_571 : vector<128x1xf32>
    %exp3A_576 = math.exp %sub3A_575 : vector<128x1xf32>
    %mul3A_577 = vector.broadcast %exp3A_576 : vector<128x1xf32> to vector<128x128xf32>
    %mul3A_578 = arith.mulf %div3A_567, %mul3A_577 : vector<128x128xf32>
    %sub3A_579 = arith.subf %exp3A_574, %mul3A_578 : vector<128x128xf32>
    %reduce_sum3A_580 = arith.constant dense<0.000000e+00> : vector<128xf32>
    %reduce_sum3A_581 = vector.multi_reduction <add>, %sub3A_579, %reduce_sum3A_580 [1] : vector<128x128xf32> to vector<128xf32>
    %broadcast_in_dim3A_582 = vector.shape_cast %reduce_sum3A_581 : vector<128xf32> to vector<128x1xf32>
    %dot_general3A_583 = arith.constant dense<0.000000e+00> : vector<128x64xf32>
    %dot_general3A_584 = tpu.matmul %sub3A_579, %slice3A_510, %dot_general3A_583 {dimension_numbers = #tpu.dot_dimension_numbers<[1], [0], [0], [1], [0, 0, 1, 1], [], []>, precision = #tpu.contract_precision<fp32>, transpose_lhs_hint = false} : vector<128x128xf32>, vector<128x64xf32>, vector<128x64xf32> -> vector<128x64xf32>
    %broadcast_in_dim3A_585 = arith.constant 0.000000e+00 : f32
    %broadcast_in_dim3A_586 = vector.broadcast %broadcast_in_dim3A_585 : f32 to vector<128x62xf32>
    %concatenate3A_587 = tpu.concatenate %dot_general3A_584, %max3A_571, %broadcast_in_dim3A_582, %broadcast_in_dim3A_586 in 1 : vector<128x64xf32>, vector<128x1xf32>, vector<128x1xf32>, vector<128x62xf32> -> vector<128x128xf32>
    %swap3A_588 = arith.constant 640 : index
    %swap3A_589 = arith.constant 0 : index
    %swap3A_590 = vector.load %arg6[%swap3A_588, %swap3A_589] : memref<2048x128xf32, #tpu.memory_space<vmem>>, vector<128x128xf32>
    tpu.vector_store %arg6[%swap3A_588, %swap3A_589], %concatenate3A_587 {strides = array<i32>} : memref<2048x128xf32, #tpu.memory_space<vmem>>, vector<128x128xf32>,
    %get3A_591 = arith.constant 768 : index
    %get3A_592 = arith.constant 0 : index
    %get3A_593 = vector.load %arg1[%get3A_591, %get3A_592] : memref<2048x128xf32, #tpu.memory_space<vmem>>, vector<128x128xf32>
    %get3A_594 = arith.constant 768 : index
    %get3A_595 = arith.constant 0 : index
    %get3A_596 = vector.load %arg2[%get3A_594, %get3A_595] : memref<2048x128xf32, #tpu.memory_space<vmem>>, vector<128x128xf32>
    %get3A_597 = arith.constant 6 : index
    %get3A_598 = arith.constant 0 : index
    %get3A_599 = arith.constant 0 : index
    %get3A_600 = vector.load %arg3[%get3A_597, %get3A_598, %get3A_599] : memref<16x1x128xf32, #tpu.memory_space<vmem>>, vector<1x1x128xf32>
    %get3A_601 = vector.shape_cast %get3A_600 : vector<1x1x128xf32> to vector<1x128xf32>
    %get3A_602 = arith.constant 6 : index
    %get3A_603 = arith.constant 0 : index
    %get3A_604 = arith.constant 0 : index
    %get3A_605 = vector.load %arg4[%get3A_602, %get3A_603, %get3A_604] : memref<16x1x128xf32, #tpu.memory_space<vmem>>, vector<1x1x128xf32>
    %get3A_606 = vector.shape_cast %get3A_605 : vector<1x1x128xf32> to vector<1x128xf32>
    %slice3A_607 = vector.extract_strided_slice %get3A_593 {offsets = [0, 0], sizes = [128, 64], strides = [1, 1]} : vector<128x128xf32> to vector<128x64xf32>
    %slice3A_608 = vector.extract_strided_slice %get3A_593 {offsets = [0, 64], sizes = [128, 1], strides = [1, 1]} : vector<128x128xf32> to vector<128x1xf32>
    %slice3A_609 = vector.extract_strided_slice %get3A_593 {offsets = [0, 65], sizes = [128, 1], strides = [1, 1]} : vector<128x128xf32> to vector<128x1xf32>
    %slice3A_610 = vector.extract_strided_slice %get3A_596 {offsets = [0, 0], sizes = [128, 64], strides = [1, 1]} : vector<128x128xf32> to vector<128x64xf32>
    %slice3A_611 = vector.extract_strided_slice %get3A_596 {offsets = [0, 64], sizes = [128, 64], strides = [1, 1]} : vector<128x128xf32> to vector<128x64xf32>
    %dot_general3A_612 = arith.constant dense<0.000000e+00> : vector<128x128xf32>
    %dot_general3A_613 = tpu.matmul %slice3A_607, %slice3A_610, %dot_general3A_612 {dimension_numbers = #tpu.dot_dimension_numbers<[1], [1], [0], [0], [0, 0, 1, 0], [], []>, precision = #tpu.contract_precision<fp32>, transpose_lhs_hint = false} : vector<128x64xf32>, vector<128x64xf32>, vector<128x128xf32> -> vector<128x128xf32>
    %mul3A_614 = arith.constant 1.250000e-01 : f32
    %mul3A_615 = vector.broadcast %mul3A_614 : f32 to vector<128x128xf32>
    %mul3A_616 = arith.mulf %dot_general3A_613, %mul3A_615 : vector<128x128xf32>
    %mul3A_617 = arith.mulf %slice3A_607, %slice3A_607 : vector<128x64xf32>
    %reduce_sum3A_618 = arith.constant dense<0.000000e+00> : vector<128xf32>
    %reduce_sum3A_619 = vector.multi_reduction <add>, %mul3A_617, %reduce_sum3A_618 [1] : vector<128x64xf32> to vector<128xf32>
    %broadcast_in_dim3A_620 = vector.shape_cast %reduce_sum3A_619 : vector<128xf32> to vector<128x1xf32>
    %mul3A_621 = arith.mulf %slice3A_610, %slice3A_610 : vector<128x64xf32>
    %reduce_sum3A_622 = arith.constant dense<0.000000e+00> : vector<128xf32>
    %reduce_sum3A_623 = vector.multi_reduction <add>, %mul3A_621, %reduce_sum3A_622 [1] : vector<128x64xf32> to vector<128xf32>
    %broadcast_in_dim3A_624 = vector.shape_cast %reduce_sum3A_623 : vector<128xf32> to vector<128x1xf32>
    %dot_general3A_625 = arith.constant dense<0.000000e+00> : vector<128x64xf32>
    %dot_general3A_626 = tpu.matmul %slice3A_607, %get3A_1, %dot_general3A_625 {dimension_numbers = #tpu.dot_dimension_numbers<[1], [1], [0], [0], [0, 0, 1, 0], [], []>, precision = #tpu.contract_precision<fp32>, transpose_lhs_hint = false} : vector<128x64xf32>, vector<64x64xf32>, vector<128x64xf32> -> vector<128x64xf32>
    %mul3A_627 = arith.constant 0.353553385 : f32
    %mul3A_628 = vector.broadcast %mul3A_627 : f32 to vector<128x64xf32>
    %mul3A_629 = arith.mulf %dot_general3A_626, %mul3A_628 : vector<128x64xf32>
    %mul3A_630 = arith.constant 6.250000e-02 : f32
    %mul3A_631 = vector.broadcast %mul3A_630 : f32 to vector<128x1xf32>
    %mul3A_632 = arith.mulf %broadcast_in_dim3A_620, %mul3A_631 : vector<128x1xf32>
    %sub3A_633 = vector.broadcast %mul3A_632 : vector<128x1xf32> to vector<128x64xf32>
    %sub3A_634 = arith.subf %mul3A_629, %sub3A_633 : vector<128x64xf32>
    %reduce_max3A_635 = arith.constant dense<0xFF800000> : vector<128xf32>
    %reduce_max3A_636 = vector.multi_reduction <maximumf>, %sub3A_634, %reduce_max3A_635 [1] : vector<128x64xf32> to vector<128xf32>
    %broadcast_in_dim3A_637 = vector.shape_cast %reduce_max3A_636 : vector<128xf32> to vector<128x1xf32>
    %sub3A_638 = vector.broadcast %broadcast_in_dim3A_637 : vector<128x1xf32> to vector<128x64xf32>
    %sub3A_639 = arith.subf %sub3A_634, %sub3A_638 : vector<128x64xf32>
    %exp3A_640 = math.exp %sub3A_639 : vector<128x64xf32>
    %add3A_641 = arith.addf %broadcast_in_dim3A_637, %slice3A_608 : vector<128x1xf32>
    %dot_general3A_642 = arith.constant dense<0.000000e+00> : vector<128x64xf32>
    %dot_general3A_643 = tpu.matmul %slice3A_610, %get3A_1, %dot_general3A_642 {dimension_numbers = #tpu.dot_dimension_numbers<[1], [1], [0], [0], [0, 0, 1, 0], [], []>, precision = #tpu.contract_precision<fp32>, transpose_lhs_hint = false} : vector<128x64xf32>, vector<64x64xf32>, vector<128x64xf32> -> vector<128x64xf32>
    %mul3A_644 = arith.constant 0.353553385 : f32
    %mul3A_645 = vector.broadcast %mul3A_644 : f32 to vector<128x64xf32>
    %mul3A_646 = arith.mulf %dot_general3A_643, %mul3A_645 : vector<128x64xf32>
    %mul3A_647 = arith.constant 6.250000e-02 : f32
    %mul3A_648 = vector.broadcast %mul3A_647 : f32 to vector<128x1xf32>
    %mul3A_649 = arith.mulf %broadcast_in_dim3A_624, %mul3A_648 : vector<128x1xf32>
    %sub3A_650 = vector.broadcast %mul3A_649 : vector<128x1xf32> to vector<128x64xf32>
    %sub3A_651 = arith.subf %mul3A_646, %sub3A_650 : vector<128x64xf32>
    %sub3A_652 = vector.broadcast %slice3A_609 : vector<128x1xf32> to vector<128x64xf32>
    %sub3A_653 = arith.subf %sub3A_651, %sub3A_652 : vector<128x64xf32>
    %exp3A_654 = math.exp %sub3A_653 : vector<128x64xf32>
    %dot_general3A_655 = arith.constant dense<0.000000e+00> : vector<128x128xf32>
    %dot_general3A_656 = tpu.matmul %exp3A_640, %exp3A_654, %dot_general3A_655 {dimension_numbers = #tpu.dot_dimension_numbers<[1], [1], [0], [0], [0, 0, 1, 0], [], []>, precision = #tpu.contract_precision<fp32>, transpose_lhs_hint = false} : vector<128x64xf32>, vector<128x64xf32>, vector<128x128xf32> -> vector<128x128xf32>
    %transpose3A_657 = tpu.transpose %get3A_601, [1, 0] : vector<1x128xf32> -> vector<128x1xf32>
    %eq3A_658 = vector.broadcast %transpose3A_657 : vector<128x1xf32> to vector<128x128xf32>
    %eq3A_659 = vector.broadcast %get3A_606 : vector<1x128xf32> to vector<128x128xf32>
    %eq3A_660 = arith.cmpf oeq, %eq3A_658, %eq3A_659 : vector<128x128xf32>
    %convert_element_type3A_661 = arith.extui %eq3A_660 : vector<128x128xi1> to vector<128x128xi32>
    %convert_element_type3A_662 = arith.sitofp %convert_element_type3A_661 : vector<128x128xi32> to vector<128x128xf32>
    %add3A_663 = arith.constant 1.000000e+00 : f32
    %add3A_664 = vector.broadcast %add3A_663 : f32 to vector<128x128xf32>
    %add3A_665 = arith.addf %add3A_664, %convert_element_type3A_662 : vector<128x128xf32>
    %log3A_666 = math.log %add3A_665 : vector<128x128xf32>
    %sub3A_667 = arith.subf %mul3A_616, %log3A_666 : vector<128x128xf32>
    %div3A_668 = arith.divf %dot_general3A_656, %add3A_665 : vector<128x128xf32>
    %reduce_max3A_669 = arith.constant dense<0xFF800000> : vector<128xf32>
    %reduce_max3A_670 = vector.multi_reduction <maximumf>, %sub3A_667, %reduce_max3A_669 [1] : vector<128x128xf32> to vector<128xf32>
    %broadcast_in_dim3A_671 = vector.shape_cast %reduce_max3A_670 : vector<128xf32> to vector<128x1xf32>
    %max3A_672 = arith.maximumf %broadcast_in_dim3A_671, %add3A_641 : vector<128x1xf32>
    %sub3A_673 = vector.broadcast %max3A_672 : vector<128x1xf32> to vector<128x128xf32>
    %sub3A_674 = arith.subf %sub3A_667, %sub3A_673 : vector<128x128xf32>
    %exp3A_675 = math.exp %sub3A_674 : vector<128x128xf32>
    %sub3A_676 = arith.subf %add3A_641, %max3A_672 : vector<128x1xf32>
    %exp3A_677 = math.exp %sub3A_676 : vector<128x1xf32>
    %mul3A_678 = vector.broadcast %exp3A_677 : vector<128x1xf32> to vector<128x128xf32>
    %mul3A_679 = arith.mulf %div3A_668, %mul3A_678 : vector<128x128xf32>
    %sub3A_680 = arith.subf %exp3A_675, %mul3A_679 : vector<128x128xf32>
    %reduce_sum3A_681 = arith.constant dense<0.000000e+00> : vector<128xf32>
    %reduce_sum3A_682 = vector.multi_reduction <add>, %sub3A_680, %reduce_sum3A_681 [1] : vector<128x128xf32> to vector<128xf32>
    %broadcast_in_dim3A_683 = vector.shape_cast %reduce_sum3A_682 : vector<128xf32> to vector<128x1xf32>
    %dot_general3A_684 = arith.constant dense<0.000000e+00> : vector<128x64xf32>
    %dot_general3A_685 = tpu.matmul %sub3A_680, %slice3A_611, %dot_general3A_684 {dimension_numbers = #tpu.dot_dimension_numbers<[1], [0], [0], [1], [0, 0, 1, 1], [], []>, precision = #tpu.contract_precision<fp32>, transpose_lhs_hint = false} : vector<128x128xf32>, vector<128x64xf32>, vector<128x64xf32> -> vector<128x64xf32>
    %broadcast_in_dim3A_686 = arith.constant 0.000000e+00 : f32
    %broadcast_in_dim3A_687 = vector.broadcast %broadcast_in_dim3A_686 : f32 to vector<128x62xf32>
    %concatenate3A_688 = tpu.concatenate %dot_general3A_685, %max3A_672, %broadcast_in_dim3A_683, %broadcast_in_dim3A_687 in 1 : vector<128x64xf32>, vector<128x1xf32>, vector<128x1xf32>, vector<128x62xf32> -> vector<128x128xf32>
    %swap3A_689 = arith.constant 768 : index
    %swap3A_690 = arith.constant 0 : index
    %swap3A_691 = vector.load %arg6[%swap3A_689, %swap3A_690] : memref<2048x128xf32, #tpu.memory_space<vmem>>, vector<128x128xf32>
    tpu.vector_store %arg6[%swap3A_689, %swap3A_690], %concatenate3A_688 {strides = array<i32>} : memref<2048x128xf32, #tpu.memory_space<vmem>>, vector<128x128xf32>,
    %get3A_692 = arith.constant 896 : index
    %get3A_693 = arith.constant 0 : index
    %get3A_694 = vector.load %arg1[%get3A_692, %get3A_693] : memref<2048x128xf32, #tpu.memory_space<vmem>>, vector<128x128xf32>
    %get3A_695 = arith.constant 896 : index
    %get3A_696 = arith.constant 0 : index
    %get3A_697 = vector.load %arg2[%get3A_695, %get3A_696] : memref<2048x128xf32, #tpu.memory_space<vmem>>, vector<128x128xf32>
    %get3A_698 = arith.constant 7 : index
    %get3A_699 = arith.constant 0 : index
    %get3A_700 = arith.constant 0 : index
    %get3A_701 = vector.load %arg3[%get3A_698, %get3A_699, %get3A_700] : memref<16x1x128xf32, #tpu.memory_space<vmem>>, vector<1x1x128xf32>
    %get3A_702 = vector.shape_cast %get3A_701 : vector<1x1x128xf32> to vector<1x128xf32>
    %get3A_703 = arith.constant 7 : index
    %get3A_704 = arith.constant 0 : index
    %get3A_705 = arith.constant 0 : index
    %get3A_706 = vector.load %arg4[%get3A_703, %get3A_704, %get3A_705] : memref<16x1x128xf32, #tpu.memory_space<vmem>>, vector<1x1x128xf32>
    %get3A_707 = vector.shape_cast %get3A_706 : vector<1x1x128xf32> to vector<1x128xf32>
    %slice3A_708 = vector.extract_strided_slice %get3A_694 {offsets = [0, 0], sizes = [128, 64], strides = [1, 1]} : vector<128x128xf32> to vector<128x64xf32>
    %slice3A_709 = vector.extract_strided_slice %get3A_694 {offsets = [0, 64], sizes = [128, 1], strides = [1, 1]} : vector<128x128xf32> to vector<128x1xf32>
    %slice3A_710 = vector.extract_strided_slice %get3A_694 {offsets = [0, 65], sizes = [128, 1], strides = [1, 1]} : vector<128x128xf32> to vector<128x1xf32>
    %slice3A_711 = vector.extract_strided_slice %get3A_697 {offsets = [0, 0], sizes = [128, 64], strides = [1, 1]} : vector<128x128xf32> to vector<128x64xf32>
    %slice3A_712 = vector.extract_strided_slice %get3A_697 {offsets = [0, 64], sizes = [128, 64], strides = [1, 1]} : vector<128x128xf32> to vector<128x64xf32>
    %dot_general3A_713 = arith.constant dense<0.000000e+00> : vector<128x128xf32>
    %dot_general3A_714 = tpu.matmul %slice3A_708, %slice3A_711, %dot_general3A_713 {dimension_numbers = #tpu.dot_dimension_numbers<[1], [1], [0], [0], [0, 0, 1, 0], [], []>, precision = #tpu.contract_precision<fp32>, transpose_lhs_hint = false} : vector<128x64xf32>, vector<128x64xf32>, vector<128x128xf32> -> vector<128x128xf32>
    %mul3A_715 = arith.constant 1.250000e-01 : f32
    %mul3A_716 = vector.broadcast %mul3A_715 : f32 to vector<128x128xf32>
    %mul3A_717 = arith.mulf %dot_general3A_714, %mul3A_716 : vector<128x128xf32>
    %mul3A_718 = arith.mulf %slice3A_708, %slice3A_708 : vector<128x64xf32>
    %reduce_sum3A_719 = arith.constant dense<0.000000e+00> : vector<128xf32>
    %reduce_sum3A_720 = vector.multi_reduction <add>, %mul3A_718, %reduce_sum3A_719 [1] : vector<128x64xf32> to vector<128xf32>
    %broadcast_in_dim3A_721 = vector.shape_cast %reduce_sum3A_720 : vector<128xf32> to vector<128x1xf32>
    %mul3A_722 = arith.mulf %slice3A_711, %slice3A_711 : vector<128x64xf32>
    %reduce_sum3A_723 = arith.constant dense<0.000000e+00> : vector<128xf32>
    %reduce_sum3A_724 = vector.multi_reduction <add>, %mul3A_722, %reduce_sum3A_723 [1] : vector<128x64xf32> to vector<128xf32>
    %broadcast_in_dim3A_725 = vector.shape_cast %reduce_sum3A_724 : vector<128xf32> to vector<128x1xf32>
    %dot_general3A_726 = arith.constant dense<0.000000e+00> : vector<128x64xf32>
    %dot_general3A_727 = tpu.matmul %slice3A_708, %get3A_1, %dot_general3A_726 {dimension_numbers = #tpu.dot_dimension_numbers<[1], [1], [0], [0], [0, 0, 1, 0], [], []>, precision = #tpu.contract_precision<fp32>, transpose_lhs_hint = false} : vector<128x64xf32>, vector<64x64xf32>, vector<128x64xf32> -> vector<128x64xf32>
    %mul3A_728 = arith.constant 0.353553385 : f32
    %mul3A_729 = vector.broadcast %mul3A_728 : f32 to vector<128x64xf32>
    %mul3A_730 = arith.mulf %dot_general3A_727, %mul3A_729 : vector<128x64xf32>
    %mul3A_731 = arith.constant 6.250000e-02 : f32
    %mul3A_732 = vector.broadcast %mul3A_731 : f32 to vector<128x1xf32>
    %mul3A_733 = arith.mulf %broadcast_in_dim3A_721, %mul3A_732 : vector<128x1xf32>
    %sub3A_734 = vector.broadcast %mul3A_733 : vector<128x1xf32> to vector<128x64xf32>
    %sub3A_735 = arith.subf %mul3A_730, %sub3A_734 : vector<128x64xf32>
    %reduce_max3A_736 = arith.constant dense<0xFF800000> : vector<128xf32>
    %reduce_max3A_737 = vector.multi_reduction <maximumf>, %sub3A_735, %reduce_max3A_736 [1] : vector<128x64xf32> to vector<128xf32>
    %broadcast_in_dim3A_738 = vector.shape_cast %reduce_max3A_737 : vector<128xf32> to vector<128x1xf32>
    %sub3A_739 = vector.broadcast %broadcast_in_dim3A_738 : vector<128x1xf32> to vector<128x64xf32>
    %sub3A_740 = arith.subf %sub3A_735, %sub3A_739 : vector<128x64xf32>
    %exp3A_741 = math.exp %sub3A_740 : vector<128x64xf32>
    %add3A_742 = arith.addf %broadcast_in_dim3A_738, %slice3A_709 : vector<128x1xf32>
    %dot_general3A_743 = arith.constant dense<0.000000e+00> : vector<128x64xf32>
    %dot_general3A_744 = tpu.matmul %slice3A_711, %get3A_1, %dot_general3A_743 {dimension_numbers = #tpu.dot_dimension_numbers<[1], [1], [0], [0], [0, 0, 1, 0], [], []>, precision = #tpu.contract_precision<fp32>, transpose_lhs_hint = false} : vector<128x64xf32>, vector<64x64xf32>, vector<128x64xf32> -> vector<128x64xf32>
    %mul3A_745 = arith.constant 0.353553385 : f32
    %mul3A_746 = vector.broadcast %mul3A_745 : f32 to vector<128x64xf32>
    %mul3A_747 = arith.mulf %dot_general3A_744, %mul3A_746 : vector<128x64xf32>
    %mul3A_748 = arith.constant 6.250000e-02 : f32
    %mul3A_749 = vector.broadcast %mul3A_748 : f32 to vector<128x1xf32>
    %mul3A_750 = arith.mulf %broadcast_in_dim3A_725, %mul3A_749 : vector<128x1xf32>
    %sub3A_751 = vector.broadcast %mul3A_750 : vector<128x1xf32> to vector<128x64xf32>
    %sub3A_752 = arith.subf %mul3A_747, %sub3A_751 : vector<128x64xf32>
    %sub3A_753 = vector.broadcast %slice3A_710 : vector<128x1xf32> to vector<128x64xf32>
    %sub3A_754 = arith.subf %sub3A_752, %sub3A_753 : vector<128x64xf32>
    %exp3A_755 = math.exp %sub3A_754 : vector<128x64xf32>
    %dot_general3A_756 = arith.constant dense<0.000000e+00> : vector<128x128xf32>
    %dot_general3A_757 = tpu.matmul %exp3A_741, %exp3A_755, %dot_general3A_756 {dimension_numbers = #tpu.dot_dimension_numbers<[1], [1], [0], [0], [0, 0, 1, 0], [], []>, precision = #tpu.contract_precision<fp32>, transpose_lhs_hint = false} : vector<128x64xf32>, vector<128x64xf32>, vector<128x128xf32> -> vector<128x128xf32>
    %transpose3A_758 = tpu.transpose %get3A_702, [1, 0] : vector<1x128xf32> -> vector<128x1xf32>
    %eq3A_759 = vector.broadcast %transpose3A_758 : vector<128x1xf32> to vector<128x128xf32>
    %eq3A_760 = vector.broadcast %get3A_707 : vector<1x128xf32> to vector<128x128xf32>
    %eq3A_761 = arith.cmpf oeq, %eq3A_759, %eq3A_760 : vector<128x128xf32>
    %convert_element_type3A_762 = arith.extui %eq3A_761 : vector<128x128xi1> to vector<128x128xi32>
    %convert_element_type3A_763 = arith.sitofp %convert_element_type3A_762 : vector<128x128xi32> to vector<128x128xf32>
    %add3A_764 = arith.constant 1.000000e+00 : f32
    %add3A_765 = vector.broadcast %add3A_764 : f32 to vector<128x128xf32>
    %add3A_766 = arith.addf %add3A_765, %convert_element_type3A_763 : vector<128x128xf32>
    %log3A_767 = math.log %add3A_766 : vector<128x128xf32>
    %sub3A_768 = arith.subf %mul3A_717, %log3A_767 : vector<128x128xf32>
    %div3A_769 = arith.divf %dot_general3A_757, %add3A_766 : vector<128x128xf32>
    %reduce_max3A_770 = arith.constant dense<0xFF800000> : vector<128xf32>
    %reduce_max3A_771 = vector.multi_reduction <maximumf>, %sub3A_768, %reduce_max3A_770 [1] : vector<128x128xf32> to vector<128xf32>
    %broadcast_in_dim3A_772 = vector.shape_cast %reduce_max3A_771 : vector<128xf32> to vector<128x1xf32>
    %max3A_773 = arith.maximumf %broadcast_in_dim3A_772, %add3A_742 : vector<128x1xf32>
    %sub3A_774 = vector.broadcast %max3A_773 : vector<128x1xf32> to vector<128x128xf32>
    %sub3A_775 = arith.subf %sub3A_768, %sub3A_774 : vector<128x128xf32>
    %exp3A_776 = math.exp %sub3A_775 : vector<128x128xf32>
    %sub3A_777 = arith.subf %add3A_742, %max3A_773 : vector<128x1xf32>
    %exp3A_778 = math.exp %sub3A_777 : vector<128x1xf32>
    %mul3A_779 = vector.broadcast %exp3A_778 : vector<128x1xf32> to vector<128x128xf32>
    %mul3A_780 = arith.mulf %div3A_769, %mul3A_779 : vector<128x128xf32>
    %sub3A_781 = arith.subf %exp3A_776, %mul3A_780 : vector<128x128xf32>
    %reduce_sum3A_782 = arith.constant dense<0.000000e+00> : vector<128xf32>
    %reduce_sum3A_783 = vector.multi_reduction <add>, %sub3A_781, %reduce_sum3A_782 [1] : vector<128x128xf32> to vector<128xf32>
    %broadcast_in_dim3A_784 = vector.shape_cast %reduce_sum3A_783 : vector<128xf32> to vector<128x1xf32>
    %dot_general3A_785 = arith.constant dense<0.000000e+00> : vector<128x64xf32>
    %dot_general3A_786 = tpu.matmul %sub3A_781, %slice3A_712, %dot_general3A_785 {dimension_numbers = #tpu.dot_dimension_numbers<[1], [0], [0], [1], [0, 0, 1, 1], [], []>, precision = #tpu.contract_precision<fp32>, transpose_lhs_hint = false} : vector<128x128xf32>, vector<128x64xf32>, vector<128x64xf32> -> vector<128x64xf32>
    %broadcast_in_dim3A_787 = arith.constant 0.000000e+00 : f32
    %broadcast_in_dim3A_788 = vector.broadcast %broadcast_in_dim3A_787 : f32 to vector<128x62xf32>
    %concatenate3A_789 = tpu.concatenate %dot_general3A_786, %max3A_773, %broadcast_in_dim3A_784, %broadcast_in_dim3A_788 in 1 : vector<128x64xf32>, vector<128x1xf32>, vector<128x1xf32>, vector<128x62xf32> -> vector<128x128xf32>
    %swap3A_790 = arith.constant 896 : index
    %swap3A_791 = arith.constant 0 : index
    %swap3A_792 = vector.load %arg6[%swap3A_790, %swap3A_791] : memref<2048x128xf32, #tpu.memory_space<vmem>>, vector<128x128xf32>
    tpu.vector_store %arg6[%swap3A_790, %swap3A_791], %concatenate3A_789 {strides = array<i32>} : memref<2048x128xf32, #tpu.memory_space<vmem>>, vector<128x128xf32>,
    %get3A_793 = arith.constant 1024 : index
    %get3A_794 = arith.constant 0 : index
    %get3A_795 = vector.load %arg1[%get3A_793, %get3A_794] : memref<2048x128xf32, #tpu.memory_space<vmem>>, vector<128x128xf32>
    %get3A_796 = arith.constant 1024 : index
    %get3A_797 = arith.constant 0 : index
    %get3A_798 = vector.load %arg2[%get3A_796, %get3A_797] : memref<2048x128xf32, #tpu.memory_space<vmem>>, vector<128x128xf32>
    %get3A_799 = arith.constant 8 : index
    %get3A_800 = arith.constant 0 : index
    %get3A_801 = arith.constant 0 : index
    %get3A_802 = vector.load %arg3[%get3A_799, %get3A_800, %get3A_801] : memref<16x1x128xf32, #tpu.memory_space<vmem>>, vector<1x1x128xf32>
    %get3A_803 = vector.shape_cast %get3A_802 : vector<1x1x128xf32> to vector<1x128xf32>
    %get3A_804 = arith.constant 8 : index
    %get3A_805 = arith.constant 0 : index
    %get3A_806 = arith.constant 0 : index
    %get3A_807 = vector.load %arg4[%get3A_804, %get3A_805, %get3A_806] : memref<16x1x128xf32, #tpu.memory_space<vmem>>, vector<1x1x128xf32>
    %get3A_808 = vector.shape_cast %get3A_807 : vector<1x1x128xf32> to vector<1x128xf32>
    %slice3A_809 = vector.extract_strided_slice %get3A_795 {offsets = [0, 0], sizes = [128, 64], strides = [1, 1]} : vector<128x128xf32> to vector<128x64xf32>
    %slice3A_810 = vector.extract_strided_slice %get3A_795 {offsets = [0, 64], sizes = [128, 1], strides = [1, 1]} : vector<128x128xf32> to vector<128x1xf32>
    %slice3A_811 = vector.extract_strided_slice %get3A_795 {offsets = [0, 65], sizes = [128, 1], strides = [1, 1]} : vector<128x128xf32> to vector<128x1xf32>
    %slice3A_812 = vector.extract_strided_slice %get3A_798 {offsets = [0, 0], sizes = [128, 64], strides = [1, 1]} : vector<128x128xf32> to vector<128x64xf32>
    %slice3A_813 = vector.extract_strided_slice %get3A_798 {offsets = [0, 64], sizes = [128, 64], strides = [1, 1]} : vector<128x128xf32> to vector<128x64xf32>
    %dot_general3A_814 = arith.constant dense<0.000000e+00> : vector<128x128xf32>
    %dot_general3A_815 = tpu.matmul %slice3A_809, %slice3A_812, %dot_general3A_814 {dimension_numbers = #tpu.dot_dimension_numbers<[1], [1], [0], [0], [0, 0, 1, 0], [], []>, precision = #tpu.contract_precision<fp32>, transpose_lhs_hint = false} : vector<128x64xf32>, vector<128x64xf32>, vector<128x128xf32> -> vector<128x128xf32>
    %mul3A_816 = arith.constant 1.250000e-01 : f32
    %mul3A_817 = vector.broadcast %mul3A_816 : f32 to vector<128x128xf32>
    %mul3A_818 = arith.mulf %dot_general3A_815, %mul3A_817 : vector<128x128xf32>
    %mul3A_819 = arith.mulf %slice3A_809, %slice3A_809 : vector<128x64xf32>
    %reduce_sum3A_820 = arith.constant dense<0.000000e+00> : vector<128xf32>
    %reduce_sum3A_821 = vector.multi_reduction <add>, %mul3A_819, %reduce_sum3A_820 [1] : vector<128x64xf32> to vector<128xf32>
    %broadcast_in_dim3A_822 = vector.shape_cast %reduce_sum3A_821 : vector<128xf32> to vector<128x1xf32>
    %mul3A_823 = arith.mulf %slice3A_812, %slice3A_812 : vector<128x64xf32>
    %reduce_sum3A_824 = arith.constant dense<0.000000e+00> : vector<128xf32>
    %reduce_sum3A_825 = vector.multi_reduction <add>, %mul3A_823, %reduce_sum3A_824 [1] : vector<128x64xf32> to vector<128xf32>
    %broadcast_in_dim3A_826 = vector.shape_cast %reduce_sum3A_825 : vector<128xf32> to vector<128x1xf32>
    %dot_general3A_827 = arith.constant dense<0.000000e+00> : vector<128x64xf32>
    %dot_general3A_828 = tpu.matmul %slice3A_809, %get3A_1, %dot_general3A_827 {dimension_numbers = #tpu.dot_dimension_numbers<[1], [1], [0], [0], [0, 0, 1, 0], [], []>, precision = #tpu.contract_precision<fp32>, transpose_lhs_hint = false} : vector<128x64xf32>, vector<64x64xf32>, vector<128x64xf32> -> vector<128x64xf32>
    %mul3A_829 = arith.constant 0.353553385 : f32
    %mul3A_830 = vector.broadcast %mul3A_829 : f32 to vector<128x64xf32>
    %mul3A_831 = arith.mulf %dot_general3A_828, %mul3A_830 : vector<128x64xf32>
    %mul3A_832 = arith.constant 6.250000e-02 : f32
    %mul3A_833 = vector.broadcast %mul3A_832 : f32 to vector<128x1xf32>
    %mul3A_834 = arith.mulf %broadcast_in_dim3A_822, %mul3A_833 : vector<128x1xf32>
    %sub3A_835 = vector.broadcast %mul3A_834 : vector<128x1xf32> to vector<128x64xf32>
    %sub3A_836 = arith.subf %mul3A_831, %sub3A_835 : vector<128x64xf32>
    %reduce_max3A_837 = arith.constant dense<0xFF800000> : vector<128xf32>
    %reduce_max3A_838 = vector.multi_reduction <maximumf>, %sub3A_836, %reduce_max3A_837 [1] : vector<128x64xf32> to vector<128xf32>
    %broadcast_in_dim3A_839 = vector.shape_cast %reduce_max3A_838 : vector<128xf32> to vector<128x1xf32>
    %sub3A_840 = vector.broadcast %broadcast_in_dim3A_839 : vector<128x1xf32> to vector<128x64xf32>
    %sub3A_841 = arith.subf %sub3A_836, %sub3A_840 : vector<128x64xf32>
    %exp3A_842 = math.exp %sub3A_841 : vector<128x64xf32>
    %add3A_843 = arith.addf %broadcast_in_dim3A_839, %slice3A_810 : vector<128x1xf32>
    %dot_general3A_844 = arith.constant dense<0.000000e+00> : vector<128x64xf32>
    %dot_general3A_845 = tpu.matmul %slice3A_812, %get3A_1, %dot_general3A_844 {dimension_numbers = #tpu.dot_dimension_numbers<[1], [1], [0], [0], [0, 0, 1, 0], [], []>, precision = #tpu.contract_precision<fp32>, transpose_lhs_hint = false} : vector<128x64xf32>, vector<64x64xf32>, vector<128x64xf32> -> vector<128x64xf32>
    %mul3A_846 = arith.constant 0.353553385 : f32
    %mul3A_847 = vector.broadcast %mul3A_846 : f32 to vector<128x64xf32>
    %mul3A_848 = arith.mulf %dot_general3A_845, %mul3A_847 : vector<128x64xf32>
    %mul3A_849 = arith.constant 6.250000e-02 : f32
    %mul3A_850 = vector.broadcast %mul3A_849 : f32 to vector<128x1xf32>
    %mul3A_851 = arith.mulf %broadcast_in_dim3A_826, %mul3A_850 : vector<128x1xf32>
    %sub3A_852 = vector.broadcast %mul3A_851 : vector<128x1xf32> to vector<128x64xf32>
    %sub3A_853 = arith.subf %mul3A_848, %sub3A_852 : vector<128x64xf32>
    %sub3A_854 = vector.broadcast %slice3A_811 : vector<128x1xf32> to vector<128x64xf32>
    %sub3A_855 = arith.subf %sub3A_853, %sub3A_854 : vector<128x64xf32>
    %exp3A_856 = math.exp %sub3A_855 : vector<128x64xf32>
    %dot_general3A_857 = arith.constant dense<0.000000e+00> : vector<128x128xf32>
    %dot_general3A_858 = tpu.matmul %exp3A_842, %exp3A_856, %dot_general3A_857 {dimension_numbers = #tpu.dot_dimension_numbers<[1], [1], [0], [0], [0, 0, 1, 0], [], []>, precision = #tpu.contract_precision<fp32>, transpose_lhs_hint = false} : vector<128x64xf32>, vector<128x64xf32>, vector<128x128xf32> -> vector<128x128xf32>
    %transpose3A_859 = tpu.transpose %get3A_803, [1, 0] : vector<1x128xf32> -> vector<128x1xf32>
    %eq3A_860 = vector.broadcast %transpose3A_859 : vector<128x1xf32> to vector<128x128xf32>
    %eq3A_861 = vector.broadcast %get3A_808 : vector<1x128xf32> to vector<128x128xf32>
    %eq3A_862 = arith.cmpf oeq, %eq3A_860, %eq3A_861 : vector<128x128xf32>
    %convert_element_type3A_863 = arith.extui %eq3A_862 : vector<128x128xi1> to vector<128x128xi32>
    %convert_element_type3A_864 = arith.sitofp %convert_element_type3A_863 : vector<128x128xi32> to vector<128x128xf32>
    %add3A_865 = arith.constant 1.000000e+00 : f32
    %add3A_866 = vector.broadcast %add3A_865 : f32 to vector<128x128xf32>
    %add3A_867 = arith.addf %add3A_866, %convert_element_type3A_864 : vector<128x128xf32>
    %log3A_868 = math.log %add3A_867 : vector<128x128xf32>
    %sub3A_869 = arith.subf %mul3A_818, %log3A_868 : vector<128x128xf32>
    %div3A_870 = arith.divf %dot_general3A_858, %add3A_867 : vector<128x128xf32>
    %reduce_max3A_871 = arith.constant dense<0xFF800000> : vector<128xf32>
    %reduce_max3A_872 = vector.multi_reduction <maximumf>, %sub3A_869, %reduce_max3A_871 [1] : vector<128x128xf32> to vector<128xf32>
    %broadcast_in_dim3A_873 = vector.shape_cast %reduce_max3A_872 : vector<128xf32> to vector<128x1xf32>
    %max3A_874 = arith.maximumf %broadcast_in_dim3A_873, %add3A_843 : vector<128x1xf32>
    %sub3A_875 = vector.broadcast %max3A_874 : vector<128x1xf32> to vector<128x128xf32>
    %sub3A_876 = arith.subf %sub3A_869, %sub3A_875 : vector<128x128xf32>
    %exp3A_877 = math.exp %sub3A_876 : vector<128x128xf32>
    %sub3A_878 = arith.subf %add3A_843, %max3A_874 : vector<128x1xf32>
    %exp3A_879 = math.exp %sub3A_878 : vector<128x1xf32>
    %mul3A_880 = vector.broadcast %exp3A_879 : vector<128x1xf32> to vector<128x128xf32>
    %mul3A_881 = arith.mulf %div3A_870, %mul3A_880 : vector<128x128xf32>
    %sub3A_882 = arith.subf %exp3A_877, %mul3A_881 : vector<128x128xf32>
    %reduce_sum3A_883 = arith.constant dense<0.000000e+00> : vector<128xf32>
    %reduce_sum3A_884 = vector.multi_reduction <add>, %sub3A_882, %reduce_sum3A_883 [1] : vector<128x128xf32> to vector<128xf32>
    %broadcast_in_dim3A_885 = vector.shape_cast %reduce_sum3A_884 : vector<128xf32> to vector<128x1xf32>
    %dot_general3A_886 = arith.constant dense<0.000000e+00> : vector<128x64xf32>
    %dot_general3A_887 = tpu.matmul %sub3A_882, %slice3A_813, %dot_general3A_886 {dimension_numbers = #tpu.dot_dimension_numbers<[1], [0], [0], [1], [0, 0, 1, 1], [], []>, precision = #tpu.contract_precision<fp32>, transpose_lhs_hint = false} : vector<128x128xf32>, vector<128x64xf32>, vector<128x64xf32> -> vector<128x64xf32>
    %broadcast_in_dim3A_888 = arith.constant 0.000000e+00 : f32
    %broadcast_in_dim3A_889 = vector.broadcast %broadcast_in_dim3A_888 : f32 to vector<128x62xf32>
    %concatenate3A_890 = tpu.concatenate %dot_general3A_887, %max3A_874, %broadcast_in_dim3A_885, %broadcast_in_dim3A_889 in 1 : vector<128x64xf32>, vector<128x1xf32>, vector<128x1xf32>, vector<128x62xf32> -> vector<128x128xf32>
    %swap3A_891 = arith.constant 1024 : index
    %swap3A_892 = arith.constant 0 : index
    %swap3A_893 = vector.load %arg6[%swap3A_891, %swap3A_892] : memref<2048x128xf32, #tpu.memory_space<vmem>>, vector<128x128xf32>
    tpu.vector_store %arg6[%swap3A_891, %swap3A_892], %concatenate3A_890 {strides = array<i32>} : memref<2048x128xf32, #tpu.memory_space<vmem>>, vector<128x128xf32>,
    %get3A_894 = arith.constant 1152 : index
    %get3A_895 = arith.constant 0 : index
    %get3A_896 = vector.load %arg1[%get3A_894, %get3A_895] : memref<2048x128xf32, #tpu.memory_space<vmem>>, vector<128x128xf32>
    %get3A_897 = arith.constant 1152 : index
    %get3A_898 = arith.constant 0 : index
    %get3A_899 = vector.load %arg2[%get3A_897, %get3A_898] : memref<2048x128xf32, #tpu.memory_space<vmem>>, vector<128x128xf32>
    %get3A_900 = arith.constant 9 : index
    %get3A_901 = arith.constant 0 : index
    %get3A_902 = arith.constant 0 : index
    %get3A_903 = vector.load %arg3[%get3A_900, %get3A_901, %get3A_902] : memref<16x1x128xf32, #tpu.memory_space<vmem>>, vector<1x1x128xf32>
    %get3A_904 = vector.shape_cast %get3A_903 : vector<1x1x128xf32> to vector<1x128xf32>
    %get3A_905 = arith.constant 9 : index
    %get3A_906 = arith.constant 0 : index
    %get3A_907 = arith.constant 0 : index
    %get3A_908 = vector.load %arg4[%get3A_905, %get3A_906, %get3A_907] : memref<16x1x128xf32, #tpu.memory_space<vmem>>, vector<1x1x128xf32>
    %get3A_909 = vector.shape_cast %get3A_908 : vector<1x1x128xf32> to vector<1x128xf32>
    %slice3A_910 = vector.extract_strided_slice %get3A_896 {offsets = [0, 0], sizes = [128, 64], strides = [1, 1]} : vector<128x128xf32> to vector<128x64xf32>
    %slice3A_911 = vector.extract_strided_slice %get3A_896 {offsets = [0, 64], sizes = [128, 1], strides = [1, 1]} : vector<128x128xf32> to vector<128x1xf32>
    %slice3A_912 = vector.extract_strided_slice %get3A_896 {offsets = [0, 65], sizes = [128, 1], strides = [1, 1]} : vector<128x128xf32> to vector<128x1xf32>
    %slice3A_913 = vector.extract_strided_slice %get3A_899 {offsets = [0, 0], sizes = [128, 64], strides = [1, 1]} : vector<128x128xf32> to vector<128x64xf32>
    %slice3A_914 = vector.extract_strided_slice %get3A_899 {offsets = [0, 64], sizes = [128, 64], strides = [1, 1]} : vector<128x128xf32> to vector<128x64xf32>
    %dot_general3A_915 = arith.constant dense<0.000000e+00> : vector<128x128xf32>
    %dot_general3A_916 = tpu.matmul %slice3A_910, %slice3A_913, %dot_general3A_915 {dimension_numbers = #tpu.dot_dimension_numbers<[1], [1], [0], [0], [0, 0, 1, 0], [], []>, precision = #tpu.contract_precision<fp32>, transpose_lhs_hint = false} : vector<128x64xf32>, vector<128x64xf32>, vector<128x128xf32> -> vector<128x128xf32>
    %mul3A_917 = arith.constant 1.250000e-01 : f32
    %mul3A_918 = vector.broadcast %mul3A_917 : f32 to vector<128x128xf32>
    %mul3A_919 = arith.mulf %dot_general3A_916, %mul3A_918 : vector<128x128xf32>
    %mul3A_920 = arith.mulf %slice3A_910, %slice3A_910 : vector<128x64xf32>
    %reduce_sum3A_921 = arith.constant dense<0.000000e+00> : vector<128xf32>
    %reduce_sum3A_922 = vector.multi_reduction <add>, %mul3A_920, %reduce_sum3A_921 [1] : vector<128x64xf32> to vector<128xf32>
    %broadcast_in_dim3A_923 = vector.shape_cast %reduce_sum3A_922 : vector<128xf32> to vector<128x1xf32>
    %mul3A_924 = arith.mulf %slice3A_913, %slice3A_913 : vector<128x64xf32>
    %reduce_sum3A_925 = arith.constant dense<0.000000e+00> : vector<128xf32>
    %reduce_sum3A_926 = vector.multi_reduction <add>, %mul3A_924, %reduce_sum3A_925 [1] : vector<128x64xf32> to vector<128xf32>
    %broadcast_in_dim3A_927 = vector.shape_cast %reduce_sum3A_926 : vector<128xf32> to vector<128x1xf32>
    %dot_general3A_928 = arith.constant dense<0.000000e+00> : vector<128x64xf32>
    %dot_general3A_929 = tpu.matmul %slice3A_910, %get3A_1, %dot_general3A_928 {dimension_numbers = #tpu.dot_dimension_numbers<[1], [1], [0], [0], [0, 0, 1, 0], [], []>, precision = #tpu.contract_precision<fp32>, transpose_lhs_hint = false} : vector<128x64xf32>, vector<64x64xf32>, vector<128x64xf32> -> vector<128x64xf32>
    %mul3A_930 = arith.constant 0.353553385 : f32
    %mul3A_931 = vector.broadcast %mul3A_930 : f32 to vector<128x64xf32>
    %mul3A_932 = arith.mulf %dot_general3A_929, %mul3A_931 : vector<128x64xf32>
    %mul3A_933 = arith.constant 6.250000e-02 : f32
    %mul3A_934 = vector.broadcast %mul3A_933 : f32 to vector<128x1xf32>
    %mul3A_935 = arith.mulf %broadcast_in_dim3A_923, %mul3A_934 : vector<128x1xf32>
    %sub3A_936 = vector.broadcast %mul3A_935 : vector<128x1xf32> to vector<128x64xf32>
    %sub3A_937 = arith.subf %mul3A_932, %sub3A_936 : vector<128x64xf32>
    %reduce_max3A_938 = arith.constant dense<0xFF800000> : vector<128xf32>
    %reduce_max3A_939 = vector.multi_reduction <maximumf>, %sub3A_937, %reduce_max3A_938 [1] : vector<128x64xf32> to vector<128xf32>
    %broadcast_in_dim3A_940 = vector.shape_cast %reduce_max3A_939 : vector<128xf32> to vector<128x1xf32>
    %sub3A_941 = vector.broadcast %broadcast_in_dim3A_940 : vector<128x1xf32> to vector<128x64xf32>
    %sub3A_942 = arith.subf %sub3A_937, %sub3A_941 : vector<128x64xf32>
    %exp3A_943 = math.exp %sub3A_942 : vector<128x64xf32>
    %add3A_944 = arith.addf %broadcast_in_dim3A_940, %slice3A_911 : vector<128x1xf32>
    %dot_general3A_945 = arith.constant dense<0.000000e+00> : vector<128x64xf32>
    %dot_general3A_946 = tpu.matmul %slice3A_913, %get3A_1, %dot_general3A_945 {dimension_numbers = #tpu.dot_dimension_numbers<[1], [1], [0], [0], [0, 0, 1, 0], [], []>, precision = #tpu.contract_precision<fp32>, transpose_lhs_hint = false} : vector<128x64xf32>, vector<64x64xf32>, vector<128x64xf32> -> vector<128x64xf32>
    %mul3A_947 = arith.constant 0.353553385 : f32
    %mul3A_948 = vector.broadcast %mul3A_947 : f32 to vector<128x64xf32>
    %mul3A_949 = arith.mulf %dot_general3A_946, %mul3A_948 : vector<128x64xf32>
    %mul3A_950 = arith.constant 6.250000e-02 : f32
    %mul3A_951 = vector.broadcast %mul3A_950 : f32 to vector<128x1xf32>
    %mul3A_952 = arith.mulf %broadcast_in_dim3A_927, %mul3A_951 : vector<128x1xf32>
    %sub3A_953 = vector.broadcast %mul3A_952 : vector<128x1xf32> to vector<128x64xf32>
    %sub3A_954 = arith.subf %mul3A_949, %sub3A_953 : vector<128x64xf32>
    %sub3A_955 = vector.broadcast %slice3A_912 : vector<128x1xf32> to vector<128x64xf32>
    %sub3A_956 = arith.subf %sub3A_954, %sub3A_955 : vector<128x64xf32>
    %exp3A_957 = math.exp %sub3A_956 : vector<128x64xf32>
    %dot_general3A_958 = arith.constant dense<0.000000e+00> : vector<128x128xf32>
    %dot_general3A_959 = tpu.matmul %exp3A_943, %exp3A_957, %dot_general3A_958 {dimension_numbers = #tpu.dot_dimension_numbers<[1], [1], [0], [0], [0, 0, 1, 0], [], []>, precision = #tpu.contract_precision<fp32>, transpose_lhs_hint = false} : vector<128x64xf32>, vector<128x64xf32>, vector<128x128xf32> -> vector<128x128xf32>
    %transpose3A_960 = tpu.transpose %get3A_904, [1, 0] : vector<1x128xf32> -> vector<128x1xf32>
    %eq3A_961 = vector.broadcast %transpose3A_960 : vector<128x1xf32> to vector<128x128xf32>
    %eq3A_962 = vector.broadcast %get3A_909 : vector<1x128xf32> to vector<128x128xf32>
    %eq3A_963 = arith.cmpf oeq, %eq3A_961, %eq3A_962 : vector<128x128xf32>
    %convert_element_type3A_964 = arith.extui %eq3A_963 : vector<128x128xi1> to vector<128x128xi32>
    %convert_element_type3A_965 = arith.sitofp %convert_element_type3A_964 : vector<128x128xi32> to vector<128x128xf32>
    %add3A_966 = arith.constant 1.000000e+00 : f32
    %add3A_967 = vector.broadcast %add3A_966 : f32 to vector<128x128xf32>
    %add3A_968 = arith.addf %add3A_967, %convert_element_type3A_965 : vector<128x128xf32>
    %log3A_969 = math.log %add3A_968 : vector<128x128xf32>
    %sub3A_970 = arith.subf %mul3A_919, %log3A_969 : vector<128x128xf32>
    %div3A_971 = arith.divf %dot_general3A_959, %add3A_968 : vector<128x128xf32>
    %reduce_max3A_972 = arith.constant dense<0xFF800000> : vector<128xf32>
    %reduce_max3A_973 = vector.multi_reduction <maximumf>, %sub3A_970, %reduce_max3A_972 [1] : vector<128x128xf32> to vector<128xf32>
    %broadcast_in_dim3A_974 = vector.shape_cast %reduce_max3A_973 : vector<128xf32> to vector<128x1xf32>
    %max3A_975 = arith.maximumf %broadcast_in_dim3A_974, %add3A_944 : vector<128x1xf32>
    %sub3A_976 = vector.broadcast %max3A_975 : vector<128x1xf32> to vector<128x128xf32>
    %sub3A_977 = arith.subf %sub3A_970, %sub3A_976 : vector<128x128xf32>
    %exp3A_978 = math.exp %sub3A_977 : vector<128x128xf32>
    %sub3A_979 = arith.subf %add3A_944, %max3A_975 : vector<128x1xf32>
    %exp3A_980 = math.exp %sub3A_979 : vector<128x1xf32>
    %mul3A_981 = vector.broadcast %exp3A_980 : vector<128x1xf32> to vector<128x128xf32>
    %mul3A_982 = arith.mulf %div3A_971, %mul3A_981 : vector<128x128xf32>
    %sub3A_983 = arith.subf %exp3A_978, %mul3A_982 : vector<128x128xf32>
    %reduce_sum3A_984 = arith.constant dense<0.000000e+00> : vector<128xf32>
    %reduce_sum3A_985 = vector.multi_reduction <add>, %sub3A_983, %reduce_sum3A_984 [1] : vector<128x128xf32> to vector<128xf32>
    %broadcast_in_dim3A_986 = vector.shape_cast %reduce_sum3A_985 : vector<128xf32> to vector<128x1xf32>
    %dot_general3A_987 = arith.constant dense<0.000000e+00> : vector<128x64xf32>
    %dot_general3A_988 = tpu.matmul %sub3A_983, %slice3A_914, %dot_general3A_987 {dimension_numbers = #tpu.dot_dimension_numbers<[1], [0], [0], [1], [0, 0, 1, 1], [], []>, precision = #tpu.contract_precision<fp32>, transpose_lhs_hint = false} : vector<128x128xf32>, vector<128x64xf32>, vector<128x64xf32> -> vector<128x64xf32>
    %broadcast_in_dim3A_989 = arith.constant 0.000000e+00 : f32
    %broadcast_in_dim3A_990 = vector.broadcast %broadcast_in_dim3A_989 : f32 to vector<128x62xf32>
    %concatenate3A_991 = tpu.concatenate %dot_general3A_988, %max3A_975, %broadcast_in_dim3A_986, %broadcast_in_dim3A_990 in 1 : vector<128x64xf32>, vector<128x1xf32>, vector<128x1xf32>, vector<128x62xf32> -> vector<128x128xf32>
    %swap3A_992 = arith.constant 1152 : index
    %swap3A_993 = arith.constant 0 : index
    %swap3A_994 = vector.load %arg6[%swap3A_992, %swap3A_993] : memref<2048x128xf32, #tpu.memory_space<vmem>>, vector<128x128xf32>
    tpu.vector_store %arg6[%swap3A_992, %swap3A_993], %concatenate3A_991 {strides = array<i32>} : memref<2048x128xf32, #tpu.memory_space<vmem>>, vector<128x128xf32>,
    %get3A_995 = arith.constant 1280 : index
    %get3A_996 = arith.constant 0 : index
    %get3A_997 = vector.load %arg1[%get3A_995, %get3A_996] : memref<2048x128xf32, #tpu.memory_space<vmem>>, vector<128x128xf32>
    %get3A_998 = arith.constant 1280 : index
    %get3A_999 = arith.constant 0 : index
    %get3A_1000 = vector.load %arg2[%get3A_998, %get3A_999] : memref<2048x128xf32, #tpu.memory_space<vmem>>, vector<128x128xf32>
    %get3A_1001 = arith.constant 10 : index
    %get3A_1002 = arith.constant 0 : index
    %get3A_1003 = arith.constant 0 : index
    %get3A_1004 = vector.load %arg3[%get3A_1001, %get3A_1002, %get3A_1003] : memref<16x1x128xf32, #tpu.memory_space<vmem>>, vector<1x1x128xf32>
    %get3A_1005 = vector.shape_cast %get3A_1004 : vector<1x1x128xf32> to vector<1x128xf32>
    %get3A_1006 = arith.constant 10 : index
    %get3A_1007 = arith.constant 0 : index
    %get3A_1008 = arith.constant 0 : index
    %get3A_1009 = vector.load %arg4[%get3A_1006, %get3A_1007, %get3A_1008] : memref<16x1x128xf32, #tpu.memory_space<vmem>>, vector<1x1x128xf32>
    %get3A_1010 = vector.shape_cast %get3A_1009 : vector<1x1x128xf32> to vector<1x128xf32>
    %slice3A_1011 = vector.extract_strided_slice %get3A_997 {offsets = [0, 0], sizes = [128, 64], strides = [1, 1]} : vector<128x128xf32> to vector<128x64xf32>
    %slice3A_1012 = vector.extract_strided_slice %get3A_997 {offsets = [0, 64], sizes = [128, 1], strides = [1, 1]} : vector<128x128xf32> to vector<128x1xf32>
    %slice3A_1013 = vector.extract_strided_slice %get3A_997 {offsets = [0, 65], sizes = [128, 1], strides = [1, 1]} : vector<128x128xf32> to vector<128x1xf32>
    %slice3A_1014 = vector.extract_strided_slice %get3A_1000 {offsets = [0, 0], sizes = [128, 64], strides = [1, 1]} : vector<128x128xf32> to vector<128x64xf32>
    %slice3A_1015 = vector.extract_strided_slice %get3A_1000 {offsets = [0, 64], sizes = [128, 64], strides = [1, 1]} : vector<128x128xf32> to vector<128x64xf32>
    %dot_general3A_1016 = arith.constant dense<0.000000e+00> : vector<128x128xf32>
    %dot_general3A_1017 = tpu.matmul %slice3A_1011, %slice3A_1014, %dot_general3A_1016 {dimension_numbers = #tpu.dot_dimension_numbers<[1], [1], [0], [0], [0, 0, 1, 0], [], []>, precision = #tpu.contract_precision<fp32>, transpose_lhs_hint = false} : vector<128x64xf32>, vector<128x64xf32>, vector<128x128xf32> -> vector<128x128xf32>
    %mul3A_1018 = arith.constant 1.250000e-01 : f32
    %mul3A_1019 = vector.broadcast %mul3A_1018 : f32 to vector<128x128xf32>
    %mul3A_1020 = arith.mulf %dot_general3A_1017, %mul3A_1019 : vector<128x128xf32>
    %mul3A_1021 = arith.mulf %slice3A_1011, %slice3A_1011 : vector<128x64xf32>
    %reduce_sum3A_1022 = arith.constant dense<0.000000e+00> : vector<128xf32>
    %reduce_sum3A_1023 = vector.multi_reduction <add>, %mul3A_1021, %reduce_sum3A_1022 [1] : vector<128x64xf32> to vector<128xf32>
    %broadcast_in_dim3A_1024 = vector.shape_cast %reduce_sum3A_1023 : vector<128xf32> to vector<128x1xf32>
    %mul3A_1025 = arith.mulf %slice3A_1014, %slice3A_1014 : vector<128x64xf32>
    %reduce_sum3A_1026 = arith.constant dense<0.000000e+00> : vector<128xf32>
    %reduce_sum3A_1027 = vector.multi_reduction <add>, %mul3A_1025, %reduce_sum3A_1026 [1] : vector<128x64xf32> to vector<128xf32>
    %broadcast_in_dim3A_1028 = vector.shape_cast %reduce_sum3A_1027 : vector<128xf32> to vector<128x1xf32>
    %dot_general3A_1029 = arith.constant dense<0.000000e+00> : vector<128x64xf32>
    %dot_general3A_1030 = tpu.matmul %slice3A_1011, %get3A_1, %dot_general3A_1029 {dimension_numbers = #tpu.dot_dimension_numbers<[1], [1], [0], [0], [0, 0, 1, 0], [], []>, precision = #tpu.contract_precision<fp32>, transpose_lhs_hint = false} : vector<128x64xf32>, vector<64x64xf32>, vector<128x64xf32> -> vector<128x64xf32>
    %mul3A_1031 = arith.constant 0.353553385 : f32
    %mul3A_1032 = vector.broadcast %mul3A_1031 : f32 to vector<128x64xf32>
    %mul3A_1033 = arith.mulf %dot_general3A_1030, %mul3A_1032 : vector<128x64xf32>
    %mul3A_1034 = arith.constant 6.250000e-02 : f32
    %mul3A_1035 = vector.broadcast %mul3A_1034 : f32 to vector<128x1xf32>
    %mul3A_1036 = arith.mulf %broadcast_in_dim3A_1024, %mul3A_1035 : vector<128x1xf32>
    %sub3A_1037 = vector.broadcast %mul3A_1036 : vector<128x1xf32> to vector<128x64xf32>
    %sub3A_1038 = arith.subf %mul3A_1033, %sub3A_1037 : vector<128x64xf32>
    %reduce_max3A_1039 = arith.constant dense<0xFF800000> : vector<128xf32>
    %reduce_max3A_1040 = vector.multi_reduction <maximumf>, %sub3A_1038, %reduce_max3A_1039 [1] : vector<128x64xf32> to vector<128xf32>
    %broadcast_in_dim3A_1041 = vector.shape_cast %reduce_max3A_1040 : vector<128xf32> to vector<128x1xf32>
    %sub3A_1042 = vector.broadcast %broadcast_in_dim3A_1041 : vector<128x1xf32> to vector<128x64xf32>
    %sub3A_1043 = arith.subf %sub3A_1038, %sub3A_1042 : vector<128x64xf32>
    %exp3A_1044 = math.exp %sub3A_1043 : vector<128x64xf32>
    %add3A_1045 = arith.addf %broadcast_in_dim3A_1041, %slice3A_1012 : vector<128x1xf32>
    %dot_general3A_1046 = arith.constant dense<0.000000e+00> : vector<128x64xf32>
    %dot_general3A_1047 = tpu.matmul %slice3A_1014, %get3A_1, %dot_general3A_1046 {dimension_numbers = #tpu.dot_dimension_numbers<[1], [1], [0], [0], [0, 0, 1, 0], [], []>, precision = #tpu.contract_precision<fp32>, transpose_lhs_hint = false} : vector<128x64xf32>, vector<64x64xf32>, vector<128x64xf32> -> vector<128x64xf32>
    %mul3A_1048 = arith.constant 0.353553385 : f32
    %mul3A_1049 = vector.broadcast %mul3A_1048 : f32 to vector<128x64xf32>
    %mul3A_1050 = arith.mulf %dot_general3A_1047, %mul3A_1049 : vector<128x64xf32>
    %mul3A_1051 = arith.constant 6.250000e-02 : f32
    %mul3A_1052 = vector.broadcast %mul3A_1051 : f32 to vector<128x1xf32>
    %mul3A_1053 = arith.mulf %broadcast_in_dim3A_1028, %mul3A_1052 : vector<128x1xf32>
    %sub3A_1054 = vector.broadcast %mul3A_1053 : vector<128x1xf32> to vector<128x64xf32>
    %sub3A_1055 = arith.subf %mul3A_1050, %sub3A_1054 : vector<128x64xf32>
    %sub3A_1056 = vector.broadcast %slice3A_1013 : vector<128x1xf32> to vector<128x64xf32>
    %sub3A_1057 = arith.subf %sub3A_1055, %sub3A_1056 : vector<128x64xf32>
    %exp3A_1058 = math.exp %sub3A_1057 : vector<128x64xf32>
    %dot_general3A_1059 = arith.constant dense<0.000000e+00> : vector<128x128xf32>
    %dot_general3A_1060 = tpu.matmul %exp3A_1044, %exp3A_1058, %dot_general3A_1059 {dimension_numbers = #tpu.dot_dimension_numbers<[1], [1], [0], [0], [0, 0, 1, 0], [], []>, precision = #tpu.contract_precision<fp32>, transpose_lhs_hint = false} : vector<128x64xf32>, vector<128x64xf32>, vector<128x128xf32> -> vector<128x128xf32>
    %transpose3A_1061 = tpu.transpose %get3A_1005, [1, 0] : vector<1x128xf32> -> vector<128x1xf32>
    %eq3A_1062 = vector.broadcast %transpose3A_1061 : vector<128x1xf32> to vector<128x128xf32>
    %eq3A_1063 = vector.broadcast %get3A_1010 : vector<1x128xf32> to vector<128x128xf32>
    %eq3A_1064 = arith.cmpf oeq, %eq3A_1062, %eq3A_1063 : vector<128x128xf32>
    %convert_element_type3A_1065 = arith.extui %eq3A_1064 : vector<128x128xi1> to vector<128x128xi32>
    %convert_element_type3A_1066 = arith.sitofp %convert_element_type3A_1065 : vector<128x128xi32> to vector<128x128xf32>
    %add3A_1067 = arith.constant 1.000000e+00 : f32
    %add3A_1068 = vector.broadcast %add3A_1067 : f32 to vector<128x128xf32>
    %add3A_1069 = arith.addf %add3A_1068, %convert_element_type3A_1066 : vector<128x128xf32>
    %log3A_1070 = math.log %add3A_1069 : vector<128x128xf32>
    %sub3A_1071 = arith.subf %mul3A_1020, %log3A_1070 : vector<128x128xf32>
    %div3A_1072 = arith.divf %dot_general3A_1060, %add3A_1069 : vector<128x128xf32>
    %reduce_max3A_1073 = arith.constant dense<0xFF800000> : vector<128xf32>
    %reduce_max3A_1074 = vector.multi_reduction <maximumf>, %sub3A_1071, %reduce_max3A_1073 [1] : vector<128x128xf32> to vector<128xf32>
    %broadcast_in_dim3A_1075 = vector.shape_cast %reduce_max3A_1074 : vector<128xf32> to vector<128x1xf32>
    %max3A_1076 = arith.maximumf %broadcast_in_dim3A_1075, %add3A_1045 : vector<128x1xf32>
    %sub3A_1077 = vector.broadcast %max3A_1076 : vector<128x1xf32> to vector<128x128xf32>
    %sub3A_1078 = arith.subf %sub3A_1071, %sub3A_1077 : vector<128x128xf32>
    %exp3A_1079 = math.exp %sub3A_1078 : vector<128x128xf32>
    %sub3A_1080 = arith.subf %add3A_1045, %max3A_1076 : vector<128x1xf32>
    %exp3A_1081 = math.exp %sub3A_1080 : vector<128x1xf32>
    %mul3A_1082 = vector.broadcast %exp3A_1081 : vector<128x1xf32> to vector<128x128xf32>
    %mul3A_1083 = arith.mulf %div3A_1072, %mul3A_1082 : vector<128x128xf32>
    %sub3A_1084 = arith.subf %exp3A_1079, %mul3A_1083 : vector<128x128xf32>
    %reduce_sum3A_1085 = arith.constant dense<0.000000e+00> : vector<128xf32>
    %reduce_sum3A_1086 = vector.multi_reduction <add>, %sub3A_1084, %reduce_sum3A_1085 [1] : vector<128x128xf32> to vector<128xf32>
    %broadcast_in_dim3A_1087 = vector.shape_cast %reduce_sum3A_1086 : vector<128xf32> to vector<128x1xf32>
    %dot_general3A_1088 = arith.constant dense<0.000000e+00> : vector<128x64xf32>
    %dot_general3A_1089 = tpu.matmul %sub3A_1084, %slice3A_1015, %dot_general3A_1088 {dimension_numbers = #tpu.dot_dimension_numbers<[1], [0], [0], [1], [0, 0, 1, 1], [], []>, precision = #tpu.contract_precision<fp32>, transpose_lhs_hint = false} : vector<128x128xf32>, vector<128x64xf32>, vector<128x64xf32> -> vector<128x64xf32>
    %broadcast_in_dim3A_1090 = arith.constant 0.000000e+00 : f32
    %broadcast_in_dim3A_1091 = vector.broadcast %broadcast_in_dim3A_1090 : f32 to vector<128x62xf32>
    %concatenate3A_1092 = tpu.concatenate %dot_general3A_1089, %max3A_1076, %broadcast_in_dim3A_1087, %broadcast_in_dim3A_1091 in 1 : vector<128x64xf32>, vector<128x1xf32>, vector<128x1xf32>, vector<128x62xf32> -> vector<128x128xf32>
    %swap3A_1093 = arith.constant 1280 : index
    %swap3A_1094 = arith.constant 0 : index
    %swap3A_1095 = vector.load %arg6[%swap3A_1093, %swap3A_1094] : memref<2048x128xf32, #tpu.memory_space<vmem>>, vector<128x128xf32>
    tpu.vector_store %arg6[%swap3A_1093, %swap3A_1094], %concatenate3A_1092 {strides = array<i32>} : memref<2048x128xf32, #tpu.memory_space<vmem>>, vector<128x128xf32>,
    %get3A_1096 = arith.constant 1408 : index
    %get3A_1097 = arith.constant 0 : index
    %get3A_1098 = vector.load %arg1[%get3A_1096, %get3A_1097] : memref<2048x128xf32, #tpu.memory_space<vmem>>, vector<128x128xf32>
    %get3A_1099 = arith.constant 1408 : index
    %get3A_1100 = arith.constant 0 : index
    %get3A_1101 = vector.load %arg2[%get3A_1099, %get3A_1100] : memref<2048x128xf32, #tpu.memory_space<vmem>>, vector<128x128xf32>
    %get3A_1102 = arith.constant 11 : index
    %get3A_1103 = arith.constant 0 : index
    %get3A_1104 = arith.constant 0 : index
    %get3A_1105 = vector.load %arg3[%get3A_1102, %get3A_1103, %get3A_1104] : memref<16x1x128xf32, #tpu.memory_space<vmem>>, vector<1x1x128xf32>
    %get3A_1106 = vector.shape_cast %get3A_1105 : vector<1x1x128xf32> to vector<1x128xf32>
    %get3A_1107 = arith.constant 11 : index
    %get3A_1108 = arith.constant 0 : index
    %get3A_1109 = arith.constant 0 : index
    %get3A_1110 = vector.load %arg4[%get3A_1107, %get3A_1108, %get3A_1109] : memref<16x1x128xf32, #tpu.memory_space<vmem>>, vector<1x1x128xf32>
    %get3A_1111 = vector.shape_cast %get3A_1110 : vector<1x1x128xf32> to vector<1x128xf32>
    %slice3A_1112 = vector.extract_strided_slice %get3A_1098 {offsets = [0, 0], sizes = [128, 64], strides = [1, 1]} : vector<128x128xf32> to vector<128x64xf32>
    %slice3A_1113 = vector.extract_strided_slice %get3A_1098 {offsets = [0, 64], sizes = [128, 1], strides = [1, 1]} : vector<128x128xf32> to vector<128x1xf32>
    %slice3A_1114 = vector.extract_strided_slice %get3A_1098 {offsets = [0, 65], sizes = [128, 1], strides = [1, 1]} : vector<128x128xf32> to vector<128x1xf32>
    %slice3A_1115 = vector.extract_strided_slice %get3A_1101 {offsets = [0, 0], sizes = [128, 64], strides = [1, 1]} : vector<128x128xf32> to vector<128x64xf32>
    %slice3A_1116 = vector.extract_strided_slice %get3A_1101 {offsets = [0, 64], sizes = [128, 64], strides = [1, 1]} : vector<128x128xf32> to vector<128x64xf32>
    %dot_general3A_1117 = arith.constant dense<0.000000e+00> : vector<128x128xf32>
    %dot_general3A_1118 = tpu.matmul %slice3A_1112, %slice3A_1115, %dot_general3A_1117 {dimension_numbers = #tpu.dot_dimension_numbers<[1], [1], [0], [0], [0, 0, 1, 0], [], []>, precision = #tpu.contract_precision<fp32>, transpose_lhs_hint = false} : vector<128x64xf32>, vector<128x64xf32>, vector<128x128xf32> -> vector<128x128xf32>
    %mul3A_1119 = arith.constant 1.250000e-01 : f32
    %mul3A_1120 = vector.broadcast %mul3A_1119 : f32 to vector<128x128xf32>
    %mul3A_1121 = arith.mulf %dot_general3A_1118, %mul3A_1120 : vector<128x128xf32>
    %mul3A_1122 = arith.mulf %slice3A_1112, %slice3A_1112 : vector<128x64xf32>
    %reduce_sum3A_1123 = arith.constant dense<0.000000e+00> : vector<128xf32>
    %reduce_sum3A_1124 = vector.multi_reduction <add>, %mul3A_1122, %reduce_sum3A_1123 [1] : vector<128x64xf32> to vector<128xf32>
    %broadcast_in_dim3A_1125 = vector.shape_cast %reduce_sum3A_1124 : vector<128xf32> to vector<128x1xf32>
    %mul3A_1126 = arith.mulf %slice3A_1115, %slice3A_1115 : vector<128x64xf32>
    %reduce_sum3A_1127 = arith.constant dense<0.000000e+00> : vector<128xf32>
    %reduce_sum3A_1128 = vector.multi_reduction <add>, %mul3A_1126, %reduce_sum3A_1127 [1] : vector<128x64xf32> to vector<128xf32>
    %broadcast_in_dim3A_1129 = vector.shape_cast %reduce_sum3A_1128 : vector<128xf32> to vector<128x1xf32>
    %dot_general3A_1130 = arith.constant dense<0.000000e+00> : vector<128x64xf32>
    %dot_general3A_1131 = tpu.matmul %slice3A_1112, %get3A_1, %dot_general3A_1130 {dimension_numbers = #tpu.dot_dimension_numbers<[1], [1], [0], [0], [0, 0, 1, 0], [], []>, precision = #tpu.contract_precision<fp32>, transpose_lhs_hint = false} : vector<128x64xf32>, vector<64x64xf32>, vector<128x64xf32> -> vector<128x64xf32>
    %mul3A_1132 = arith.constant 0.353553385 : f32
    %mul3A_1133 = vector.broadcast %mul3A_1132 : f32 to vector<128x64xf32>
    %mul3A_1134 = arith.mulf %dot_general3A_1131, %mul3A_1133 : vector<128x64xf32>
    %mul3A_1135 = arith.constant 6.250000e-02 : f32
    %mul3A_1136 = vector.broadcast %mul3A_1135 : f32 to vector<128x1xf32>
    %mul3A_1137 = arith.mulf %broadcast_in_dim3A_1125, %mul3A_1136 : vector<128x1xf32>
    %sub3A_1138 = vector.broadcast %mul3A_1137 : vector<128x1xf32> to vector<128x64xf32>
    %sub3A_1139 = arith.subf %mul3A_1134, %sub3A_1138 : vector<128x64xf32>
    %reduce_max3A_1140 = arith.constant dense<0xFF800000> : vector<128xf32>
    %reduce_max3A_1141 = vector.multi_reduction <maximumf>, %sub3A_1139, %reduce_max3A_1140 [1] : vector<128x64xf32> to vector<128xf32>
    %broadcast_in_dim3A_1142 = vector.shape_cast %reduce_max3A_1141 : vector<128xf32> to vector<128x1xf32>
    %sub3A_1143 = vector.broadcast %broadcast_in_dim3A_1142 : vector<128x1xf32> to vector<128x64xf32>
    %sub3A_1144 = arith.subf %sub3A_1139, %sub3A_1143 : vector<128x64xf32>
    %exp3A_1145 = math.exp %sub3A_1144 : vector<128x64xf32>
    %add3A_1146 = arith.addf %broadcast_in_dim3A_1142, %slice3A_1113 : vector<128x1xf32>
    %dot_general3A_1147 = arith.constant dense<0.000000e+00> : vector<128x64xf32>
    %dot_general3A_1148 = tpu.matmul %slice3A_1115, %get3A_1, %dot_general3A_1147 {dimension_numbers = #tpu.dot_dimension_numbers<[1], [1], [0], [0], [0, 0, 1, 0], [], []>, precision = #tpu.contract_precision<fp32>, transpose_lhs_hint = false} : vector<128x64xf32>, vector<64x64xf32>, vector<128x64xf32> -> vector<128x64xf32>
    %mul3A_1149 = arith.constant 0.353553385 : f32
    %mul3A_1150 = vector.broadcast %mul3A_1149 : f32 to vector<128x64xf32>
    %mul3A_1151 = arith.mulf %dot_general3A_1148, %mul3A_1150 : vector<128x64xf32>
    %mul3A_1152 = arith.constant 6.250000e-02 : f32
    %mul3A_1153 = vector.broadcast %mul3A_1152 : f32 to vector<128x1xf32>
    %mul3A_1154 = arith.mulf %broadcast_in_dim3A_1129, %mul3A_1153 : vector<128x1xf32>
    %sub3A_1155 = vector.broadcast %mul3A_1154 : vector<128x1xf32> to vector<128x64xf32>
    %sub3A_1156 = arith.subf %mul3A_1151, %sub3A_1155 : vector<128x64xf32>
    %sub3A_1157 = vector.broadcast %slice3A_1114 : vector<128x1xf32> to vector<128x64xf32>
    %sub3A_1158 = arith.subf %sub3A_1156, %sub3A_1157 : vector<128x64xf32>
    %exp3A_1159 = math.exp %sub3A_1158 : vector<128x64xf32>
    %dot_general3A_1160 = arith.constant dense<0.000000e+00> : vector<128x128xf32>
    %dot_general3A_1161 = tpu.matmul %exp3A_1145, %exp3A_1159, %dot_general3A_1160 {dimension_numbers = #tpu.dot_dimension_numbers<[1], [1], [0], [0], [0, 0, 1, 0], [], []>, precision = #tpu.contract_precision<fp32>, transpose_lhs_hint = false} : vector<128x64xf32>, vector<128x64xf32>, vector<128x128xf32> -> vector<128x128xf32>
    %transpose3A_1162 = tpu.transpose %get3A_1106, [1, 0] : vector<1x128xf32> -> vector<128x1xf32>
    %eq3A_1163 = vector.broadcast %transpose3A_1162 : vector<128x1xf32> to vector<128x128xf32>
    %eq3A_1164 = vector.broadcast %get3A_1111 : vector<1x128xf32> to vector<128x128xf32>
    %eq3A_1165 = arith.cmpf oeq, %eq3A_1163, %eq3A_1164 : vector<128x128xf32>
    %convert_element_type3A_1166 = arith.extui %eq3A_1165 : vector<128x128xi1> to vector<128x128xi32>
    %convert_element_type3A_1167 = arith.sitofp %convert_element_type3A_1166 : vector<128x128xi32> to vector<128x128xf32>
    %add3A_1168 = arith.constant 1.000000e+00 : f32
    %add3A_1169 = vector.broadcast %add3A_1168 : f32 to vector<128x128xf32>
    %add3A_1170 = arith.addf %add3A_1169, %convert_element_type3A_1167 : vector<128x128xf32>
    %log3A_1171 = math.log %add3A_1170 : vector<128x128xf32>
    %sub3A_1172 = arith.subf %mul3A_1121, %log3A_1171 : vector<128x128xf32>
    %div3A_1173 = arith.divf %dot_general3A_1161, %add3A_1170 : vector<128x128xf32>
    %reduce_max3A_1174 = arith.constant dense<0xFF800000> : vector<128xf32>
    %reduce_max3A_1175 = vector.multi_reduction <maximumf>, %sub3A_1172, %reduce_max3A_1174 [1] : vector<128x128xf32> to vector<128xf32>
    %broadcast_in_dim3A_1176 = vector.shape_cast %reduce_max3A_1175 : vector<128xf32> to vector<128x1xf32>
    %max3A_1177 = arith.maximumf %broadcast_in_dim3A_1176, %add3A_1146 : vector<128x1xf32>
    %sub3A_1178 = vector.broadcast %max3A_1177 : vector<128x1xf32> to vector<128x128xf32>
    %sub3A_1179 = arith.subf %sub3A_1172, %sub3A_1178 : vector<128x128xf32>
    %exp3A_1180 = math.exp %sub3A_1179 : vector<128x128xf32>
    %sub3A_1181 = arith.subf %add3A_1146, %max3A_1177 : vector<128x1xf32>
    %exp3A_1182 = math.exp %sub3A_1181 : vector<128x1xf32>
    %mul3A_1183 = vector.broadcast %exp3A_1182 : vector<128x1xf32> to vector<128x128xf32>
    %mul3A_1184 = arith.mulf %div3A_1173, %mul3A_1183 : vector<128x128xf32>
    %sub3A_1185 = arith.subf %exp3A_1180, %mul3A_1184 : vector<128x128xf32>
    %reduce_sum3A_1186 = arith.constant dense<0.000000e+00> : vector<128xf32>
    %reduce_sum3A_1187 = vector.multi_reduction <add>, %sub3A_1185, %reduce_sum3A_1186 [1] : vector<128x128xf32> to vector<128xf32>
    %broadcast_in_dim3A_1188 = vector.shape_cast %reduce_sum3A_1187 : vector<128xf32> to vector<128x1xf32>
    %dot_general3A_1189 = arith.constant dense<0.000000e+00> : vector<128x64xf32>
    %dot_general3A_1190 = tpu.matmul %sub3A_1185, %slice3A_1116, %dot_general3A_1189 {dimension_numbers = #tpu.dot_dimension_numbers<[1], [0], [0], [1], [0, 0, 1, 1], [], []>, precision = #tpu.contract_precision<fp32>, transpose_lhs_hint = false} : vector<128x128xf32>, vector<128x64xf32>, vector<128x64xf32> -> vector<128x64xf32>
    %broadcast_in_dim3A_1191 = arith.constant 0.000000e+00 : f32
    %broadcast_in_dim3A_1192 = vector.broadcast %broadcast_in_dim3A_1191 : f32 to vector<128x62xf32>
    %concatenate3A_1193 = tpu.concatenate %dot_general3A_1190, %max3A_1177, %broadcast_in_dim3A_1188, %broadcast_in_dim3A_1192 in 1 : vector<128x64xf32>, vector<128x1xf32>, vector<128x1xf32>, vector<128x62xf32> -> vector<128x128xf32>
    %swap3A_1194 = arith.constant 1408 : index
    %swap3A_1195 = arith.constant 0 : index
    %swap3A_1196 = vector.load %arg6[%swap3A_1194, %swap3A_1195] : memref<2048x128xf32, #tpu.memory_space<vmem>>, vector<128x128xf32>
    tpu.vector_store %arg6[%swap3A_1194, %swap3A_1195], %concatenate3A_1193 {strides = array<i32>} : memref<2048x128xf32, #tpu.memory_space<vmem>>, vector<128x128xf32>,
    %get3A_1197 = arith.constant 1536 : index
    %get3A_1198 = arith.constant 0 : index
    %get3A_1199 = vector.load %arg1[%get3A_1197, %get3A_1198] : memref<2048x128xf32, #tpu.memory_space<vmem>>, vector<128x128xf32>
    %get3A_1200 = arith.constant 1536 : index
    %get3A_1201 = arith.constant 0 : index
    %get3A_1202 = vector.load %arg2[%get3A_1200, %get3A_1201] : memref<2048x128xf32, #tpu.memory_space<vmem>>, vector<128x128xf32>
    %get3A_1203 = arith.constant 12 : index
    %get3A_1204 = arith.constant 0 : index
    %get3A_1205 = arith.constant 0 : index
    %get3A_1206 = vector.load %arg3[%get3A_1203, %get3A_1204, %get3A_1205] : memref<16x1x128xf32, #tpu.memory_space<vmem>>, vector<1x1x128xf32>
    %get3A_1207 = vector.shape_cast %get3A_1206 : vector<1x1x128xf32> to vector<1x128xf32>
    %get3A_1208 = arith.constant 12 : index
    %get3A_1209 = arith.constant 0 : index
    %get3A_1210 = arith.constant 0 : index
    %get3A_1211 = vector.load %arg4[%get3A_1208, %get3A_1209, %get3A_1210] : memref<16x1x128xf32, #tpu.memory_space<vmem>>, vector<1x1x128xf32>
    %get3A_1212 = vector.shape_cast %get3A_1211 : vector<1x1x128xf32> to vector<1x128xf32>
    %slice3A_1213 = vector.extract_strided_slice %get3A_1199 {offsets = [0, 0], sizes = [128, 64], strides = [1, 1]} : vector<128x128xf32> to vector<128x64xf32>
    %slice3A_1214 = vector.extract_strided_slice %get3A_1199 {offsets = [0, 64], sizes = [128, 1], strides = [1, 1]} : vector<128x128xf32> to vector<128x1xf32>
    %slice3A_1215 = vector.extract_strided_slice %get3A_1199 {offsets = [0, 65], sizes = [128, 1], strides = [1, 1]} : vector<128x128xf32> to vector<128x1xf32>
    %slice3A_1216 = vector.extract_strided_slice %get3A_1202 {offsets = [0, 0], sizes = [128, 64], strides = [1, 1]} : vector<128x128xf32> to vector<128x64xf32>
    %slice3A_1217 = vector.extract_strided_slice %get3A_1202 {offsets = [0, 64], sizes = [128, 64], strides = [1, 1]} : vector<128x128xf32> to vector<128x64xf32>
    %dot_general3A_1218 = arith.constant dense<0.000000e+00> : vector<128x128xf32>
    %dot_general3A_1219 = tpu.matmul %slice3A_1213, %slice3A_1216, %dot_general3A_1218 {dimension_numbers = #tpu.dot_dimension_numbers<[1], [1], [0], [0], [0, 0, 1, 0], [], []>, precision = #tpu.contract_precision<fp32>, transpose_lhs_hint = false} : vector<128x64xf32>, vector<128x64xf32>, vector<128x128xf32> -> vector<128x128xf32>
    %mul3A_1220 = arith.constant 1.250000e-01 : f32
    %mul3A_1221 = vector.broadcast %mul3A_1220 : f32 to vector<128x128xf32>
    %mul3A_1222 = arith.mulf %dot_general3A_1219, %mul3A_1221 : vector<128x128xf32>
    %mul3A_1223 = arith.mulf %slice3A_1213, %slice3A_1213 : vector<128x64xf32>
    %reduce_sum3A_1224 = arith.constant dense<0.000000e+00> : vector<128xf32>
    %reduce_sum3A_1225 = vector.multi_reduction <add>, %mul3A_1223, %reduce_sum3A_1224 [1] : vector<128x64xf32> to vector<128xf32>
    %broadcast_in_dim3A_1226 = vector.shape_cast %reduce_sum3A_1225 : vector<128xf32> to vector<128x1xf32>
    %mul3A_1227 = arith.mulf %slice3A_1216, %slice3A_1216 : vector<128x64xf32>
    %reduce_sum3A_1228 = arith.constant dense<0.000000e+00> : vector<128xf32>
    %reduce_sum3A_1229 = vector.multi_reduction <add>, %mul3A_1227, %reduce_sum3A_1228 [1] : vector<128x64xf32> to vector<128xf32>
    %broadcast_in_dim3A_1230 = vector.shape_cast %reduce_sum3A_1229 : vector<128xf32> to vector<128x1xf32>
    %dot_general3A_1231 = arith.constant dense<0.000000e+00> : vector<128x64xf32>
    %dot_general3A_1232 = tpu.matmul %slice3A_1213, %get3A_1, %dot_general3A_1231 {dimension_numbers = #tpu.dot_dimension_numbers<[1], [1], [0], [0], [0, 0, 1, 0], [], []>, precision = #tpu.contract_precision<fp32>, transpose_lhs_hint = false} : vector<128x64xf32>, vector<64x64xf32>, vector<128x64xf32> -> vector<128x64xf32>
    %mul3A_1233 = arith.constant 0.353553385 : f32
    %mul3A_1234 = vector.broadcast %mul3A_1233 : f32 to vector<128x64xf32>
    %mul3A_1235 = arith.mulf %dot_general3A_1232, %mul3A_1234 : vector<128x64xf32>
    %mul3A_1236 = arith.constant 6.250000e-02 : f32
    %mul3A_1237 = vector.broadcast %mul3A_1236 : f32 to vector<128x1xf32>
    %mul3A_1238 = arith.mulf %broadcast_in_dim3A_1226, %mul3A_1237 : vector<128x1xf32>
    %sub3A_1239 = vector.broadcast %mul3A_1238 : vector<128x1xf32> to vector<128x64xf32>
    %sub3A_1240 = arith.subf %mul3A_1235, %sub3A_1239 : vector<128x64xf32>
    %reduce_max3A_1241 = arith.constant dense<0xFF800000> : vector<128xf32>
    %reduce_max3A_1242 = vector.multi_reduction <maximumf>, %sub3A_1240, %reduce_max3A_1241 [1] : vector<128x64xf32> to vector<128xf32>
    %broadcast_in_dim3A_1243 = vector.shape_cast %reduce_max3A_1242 : vector<128xf32> to vector<128x1xf32>
    %sub3A_1244 = vector.broadcast %broadcast_in_dim3A_1243 : vector<128x1xf32> to vector<128x64xf32>
    %sub3A_1245 = arith.subf %sub3A_1240, %sub3A_1244 : vector<128x64xf32>
    %exp3A_1246 = math.exp %sub3A_1245 : vector<128x64xf32>
    %add3A_1247 = arith.addf %broadcast_in_dim3A_1243, %slice3A_1214 : vector<128x1xf32>
    %dot_general3A_1248 = arith.constant dense<0.000000e+00> : vector<128x64xf32>
    %dot_general3A_1249 = tpu.matmul %slice3A_1216, %get3A_1, %dot_general3A_1248 {dimension_numbers = #tpu.dot_dimension_numbers<[1], [1], [0], [0], [0, 0, 1, 0], [], []>, precision = #tpu.contract_precision<fp32>, transpose_lhs_hint = false} : vector<128x64xf32>, vector<64x64xf32>, vector<128x64xf32> -> vector<128x64xf32>
    %mul3A_1250 = arith.constant 0.353553385 : f32
    %mul3A_1251 = vector.broadcast %mul3A_1250 : f32 to vector<128x64xf32>
    %mul3A_1252 = arith.mulf %dot_general3A_1249, %mul3A_1251 : vector<128x64xf32>
    %mul3A_1253 = arith.constant 6.250000e-02 : f32
    %mul3A_1254 = vector.broadcast %mul3A_1253 : f32 to vector<128x1xf32>
    %mul3A_1255 = arith.mulf %broadcast_in_dim3A_1230, %mul3A_1254 : vector<128x1xf32>
    %sub3A_1256 = vector.broadcast %mul3A_1255 : vector<128x1xf32> to vector<128x64xf32>
    %sub3A_1257 = arith.subf %mul3A_1252, %sub3A_1256 : vector<128x64xf32>
    %sub3A_1258 = vector.broadcast %slice3A_1215 : vector<128x1xf32> to vector<128x64xf32>
    %sub3A_1259 = arith.subf %sub3A_1257, %sub3A_1258 : vector<128x64xf32>
    %exp3A_1260 = math.exp %sub3A_1259 : vector<128x64xf32>
    %dot_general3A_1261 = arith.constant dense<0.000000e+00> : vector<128x128xf32>
    %dot_general3A_1262 = tpu.matmul %exp3A_1246, %exp3A_1260, %dot_general3A_1261 {dimension_numbers = #tpu.dot_dimension_numbers<[1], [1], [0], [0], [0, 0, 1, 0], [], []>, precision = #tpu.contract_precision<fp32>, transpose_lhs_hint = false} : vector<128x64xf32>, vector<128x64xf32>, vector<128x128xf32> -> vector<128x128xf32>
    %transpose3A_1263 = tpu.transpose %get3A_1207, [1, 0] : vector<1x128xf32> -> vector<128x1xf32>
    %eq3A_1264 = vector.broadcast %transpose3A_1263 : vector<128x1xf32> to vector<128x128xf32>
    %eq3A_1265 = vector.broadcast %get3A_1212 : vector<1x128xf32> to vector<128x128xf32>
    %eq3A_1266 = arith.cmpf oeq, %eq3A_1264, %eq3A_1265 : vector<128x128xf32>
    %convert_element_type3A_1267 = arith.extui %eq3A_1266 : vector<128x128xi1> to vector<128x128xi32>
    %convert_element_type3A_1268 = arith.sitofp %convert_element_type3A_1267 : vector<128x128xi32> to vector<128x128xf32>
    %add3A_1269 = arith.constant 1.000000e+00 : f32
    %add3A_1270 = vector.broadcast %add3A_1269 : f32 to vector<128x128xf32>
    %add3A_1271 = arith.addf %add3A_1270, %convert_element_type3A_1268 : vector<128x128xf32>
    %log3A_1272 = math.log %add3A_1271 : vector<128x128xf32>
    %sub3A_1273 = arith.subf %mul3A_1222, %log3A_1272 : vector<128x128xf32>
    %div3A_1274 = arith.divf %dot_general3A_1262, %add3A_1271 : vector<128x128xf32>
    %reduce_max3A_1275 = arith.constant dense<0xFF800000> : vector<128xf32>
    %reduce_max3A_1276 = vector.multi_reduction <maximumf>, %sub3A_1273, %reduce_max3A_1275 [1] : vector<128x128xf32> to vector<128xf32>
    %broadcast_in_dim3A_1277 = vector.shape_cast %reduce_max3A_1276 : vector<128xf32> to vector<128x1xf32>
    %max3A_1278 = arith.maximumf %broadcast_in_dim3A_1277, %add3A_1247 : vector<128x1xf32>
    %sub3A_1279 = vector.broadcast %max3A_1278 : vector<128x1xf32> to vector<128x128xf32>
    %sub3A_1280 = arith.subf %sub3A_1273, %sub3A_1279 : vector<128x128xf32>
    %exp3A_1281 = math.exp %sub3A_1280 : vector<128x128xf32>
    %sub3A_1282 = arith.subf %add3A_1247, %max3A_1278 : vector<128x1xf32>
    %exp3A_1283 = math.exp %sub3A_1282 : vector<128x1xf32>
    %mul3A_1284 = vector.broadcast %exp3A_1283 : vector<128x1xf32> to vector<128x128xf32>
    %mul3A_1285 = arith.mulf %div3A_1274, %mul3A_1284 : vector<128x128xf32>
    %sub3A_1286 = arith.subf %exp3A_1281, %mul3A_1285 : vector<128x128xf32>
    %reduce_sum3A_1287 = arith.constant dense<0.000000e+00> : vector<128xf32>
    %reduce_sum3A_1288 = vector.multi_reduction <add>, %sub3A_1286, %reduce_sum3A_1287 [1] : vector<128x128xf32> to vector<128xf32>
    %broadcast_in_dim3A_1289 = vector.shape_cast %reduce_sum3A_1288 : vector<128xf32> to vector<128x1xf32>
    %dot_general3A_1290 = arith.constant dense<0.000000e+00> : vector<128x64xf32>
    %dot_general3A_1291 = tpu.matmul %sub3A_1286, %slice3A_1217, %dot_general3A_1290 {dimension_numbers = #tpu.dot_dimension_numbers<[1], [0], [0], [1], [0, 0, 1, 1], [], []>, precision = #tpu.contract_precision<fp32>, transpose_lhs_hint = false} : vector<128x128xf32>, vector<128x64xf32>, vector<128x64xf32> -> vector<128x64xf32>
    %broadcast_in_dim3A_1292 = arith.constant 0.000000e+00 : f32
    %broadcast_in_dim3A_1293 = vector.broadcast %broadcast_in_dim3A_1292 : f32 to vector<128x62xf32>
    %concatenate3A_1294 = tpu.concatenate %dot_general3A_1291, %max3A_1278, %broadcast_in_dim3A_1289, %broadcast_in_dim3A_1293 in 1 : vector<128x64xf32>, vector<128x1xf32>, vector<128x1xf32>, vector<128x62xf32> -> vector<128x128xf32>
    %swap3A_1295 = arith.constant 1536 : index
    %swap3A_1296 = arith.constant 0 : index
    %swap3A_1297 = vector.load %arg6[%swap3A_1295, %swap3A_1296] : memref<2048x128xf32, #tpu.memory_space<vmem>>, vector<128x128xf32>
    tpu.vector_store %arg6[%swap3A_1295, %swap3A_1296], %concatenate3A_1294 {strides = array<i32>} : memref<2048x128xf32, #tpu.memory_space<vmem>>, vector<128x128xf32>,
    %get3A_1298 = arith.constant 1664 : index
    %get3A_1299 = arith.constant 0 : index
    %get3A_1300 = vector.load %arg1[%get3A_1298, %get3A_1299] : memref<2048x128xf32, #tpu.memory_space<vmem>>, vector<128x128xf32>
    %get3A_1301 = arith.constant 1664 : index
    %get3A_1302 = arith.constant 0 : index
    %get3A_1303 = vector.load %arg2[%get3A_1301, %get3A_1302] : memref<2048x128xf32, #tpu.memory_space<vmem>>, vector<128x128xf32>
    %get3A_1304 = arith.constant 13 : index
    %get3A_1305 = arith.constant 0 : index
    %get3A_1306 = arith.constant 0 : index
    %get3A_1307 = vector.load %arg3[%get3A_1304, %get3A_1305, %get3A_1306] : memref<16x1x128xf32, #tpu.memory_space<vmem>>, vector<1x1x128xf32>
    %get3A_1308 = vector.shape_cast %get3A_1307 : vector<1x1x128xf32> to vector<1x128xf32>
    %get3A_1309 = arith.constant 13 : index
    %get3A_1310 = arith.constant 0 : index
    %get3A_1311 = arith.constant 0 : index
    %get3A_1312 = vector.load %arg4[%get3A_1309, %get3A_1310, %get3A_1311] : memref<16x1x128xf32, #tpu.memory_space<vmem>>, vector<1x1x128xf32>
    %get3A_1313 = vector.shape_cast %get3A_1312 : vector<1x1x128xf32> to vector<1x128xf32>
    %slice3A_1314 = vector.extract_strided_slice %get3A_1300 {offsets = [0, 0], sizes = [128, 64], strides = [1, 1]} : vector<128x128xf32> to vector<128x64xf32>
    %slice3A_1315 = vector.extract_strided_slice %get3A_1300 {offsets = [0, 64], sizes = [128, 1], strides = [1, 1]} : vector<128x128xf32> to vector<128x1xf32>
    %slice3A_1316 = vector.extract_strided_slice %get3A_1300 {offsets = [0, 65], sizes = [128, 1], strides = [1, 1]} : vector<128x128xf32> to vector<128x1xf32>
    %slice3A_1317 = vector.extract_strided_slice %get3A_1303 {offsets = [0, 0], sizes = [128, 64], strides = [1, 1]} : vector<128x128xf32> to vector<128x64xf32>
    %slice3A_1318 = vector.extract_strided_slice %get3A_1303 {offsets = [0, 64], sizes = [128, 64], strides = [1, 1]} : vector<128x128xf32> to vector<128x64xf32>
    %dot_general3A_1319 = arith.constant dense<0.000000e+00> : vector<128x128xf32>
    %dot_general3A_1320 = tpu.matmul %slice3A_1314, %slice3A_1317, %dot_general3A_1319 {dimension_numbers = #tpu.dot_dimension_numbers<[1], [1], [0], [0], [0, 0, 1, 0], [], []>, precision = #tpu.contract_precision<fp32>, transpose_lhs_hint = false} : vector<128x64xf32>, vector<128x64xf32>, vector<128x128xf32> -> vector<128x128xf32>
    %mul3A_1321 = arith.constant 1.250000e-01 : f32
    %mul3A_1322 = vector.broadcast %mul3A_1321 : f32 to vector<128x128xf32>
    %mul3A_1323 = arith.mulf %dot_general3A_1320, %mul3A_1322 : vector<128x128xf32>
    %mul3A_1324 = arith.mulf %slice3A_1314, %slice3A_1314 : vector<128x64xf32>
    %reduce_sum3A_1325 = arith.constant dense<0.000000e+00> : vector<128xf32>
    %reduce_sum3A_1326 = vector.multi_reduction <add>, %mul3A_1324, %reduce_sum3A_1325 [1] : vector<128x64xf32> to vector<128xf32>
    %broadcast_in_dim3A_1327 = vector.shape_cast %reduce_sum3A_1326 : vector<128xf32> to vector<128x1xf32>
    %mul3A_1328 = arith.mulf %slice3A_1317, %slice3A_1317 : vector<128x64xf32>
    %reduce_sum3A_1329 = arith.constant dense<0.000000e+00> : vector<128xf32>
    %reduce_sum3A_1330 = vector.multi_reduction <add>, %mul3A_1328, %reduce_sum3A_1329 [1] : vector<128x64xf32> to vector<128xf32>
    %broadcast_in_dim3A_1331 = vector.shape_cast %reduce_sum3A_1330 : vector<128xf32> to vector<128x1xf32>
    %dot_general3A_1332 = arith.constant dense<0.000000e+00> : vector<128x64xf32>
    %dot_general3A_1333 = tpu.matmul %slice3A_1314, %get3A_1, %dot_general3A_1332 {dimension_numbers = #tpu.dot_dimension_numbers<[1], [1], [0], [0], [0, 0, 1, 0], [], []>, precision = #tpu.contract_precision<fp32>, transpose_lhs_hint = false} : vector<128x64xf32>, vector<64x64xf32>, vector<128x64xf32> -> vector<128x64xf32>
    %mul3A_1334 = arith.constant 0.353553385 : f32
    %mul3A_1335 = vector.broadcast %mul3A_1334 : f32 to vector<128x64xf32>
    %mul3A_1336 = arith.mulf %dot_general3A_1333, %mul3A_1335 : vector<128x64xf32>
    %mul3A_1337 = arith.constant 6.250000e-02 : f32
    %mul3A_1338 = vector.broadcast %mul3A_1337 : f32 to vector<128x1xf32>
    %mul3A_1339 = arith.mulf %broadcast_in_dim3A_1327, %mul3A_1338 : vector<128x1xf32>
    %sub3A_1340 = vector.broadcast %mul3A_1339 : vector<128x1xf32> to vector<128x64xf32>
    %sub3A_1341 = arith.subf %mul3A_1336, %sub3A_1340 : vector<128x64xf32>
    %reduce_max3A_1342 = arith.constant dense<0xFF800000> : vector<128xf32>
    %reduce_max3A_1343 = vector.multi_reduction <maximumf>, %sub3A_1341, %reduce_max3A_1342 [1] : vector<128x64xf32> to vector<128xf32>
    %broadcast_in_dim3A_1344 = vector.shape_cast %reduce_max3A_1343 : vector<128xf32> to vector<128x1xf32>
    %sub3A_1345 = vector.broadcast %broadcast_in_dim3A_1344 : vector<128x1xf32> to vector<128x64xf32>
    %sub3A_1346 = arith.subf %sub3A_1341, %sub3A_1345 : vector<128x64xf32>
    %exp3A_1347 = math.exp %sub3A_1346 : vector<128x64xf32>
    %add3A_1348 = arith.addf %broadcast_in_dim3A_1344, %slice3A_1315 : vector<128x1xf32>
    %dot_general3A_1349 = arith.constant dense<0.000000e+00> : vector<128x64xf32>
    %dot_general3A_1350 = tpu.matmul %slice3A_1317, %get3A_1, %dot_general3A_1349 {dimension_numbers = #tpu.dot_dimension_numbers<[1], [1], [0], [0], [0, 0, 1, 0], [], []>, precision = #tpu.contract_precision<fp32>, transpose_lhs_hint = false} : vector<128x64xf32>, vector<64x64xf32>, vector<128x64xf32> -> vector<128x64xf32>
    %mul3A_1351 = arith.constant 0.353553385 : f32
    %mul3A_1352 = vector.broadcast %mul3A_1351 : f32 to vector<128x64xf32>
    %mul3A_1353 = arith.mulf %dot_general3A_1350, %mul3A_1352 : vector<128x64xf32>
    %mul3A_1354 = arith.constant 6.250000e-02 : f32
    %mul3A_1355 = vector.broadcast %mul3A_1354 : f32 to vector<128x1xf32>
    %mul3A_1356 = arith.mulf %broadcast_in_dim3A_1331, %mul3A_1355 : vector<128x1xf32>
    %sub3A_1357 = vector.broadcast %mul3A_1356 : vector<128x1xf32> to vector<128x64xf32>
    %sub3A_1358 = arith.subf %mul3A_1353, %sub3A_1357 : vector<128x64xf32>
    %sub3A_1359 = vector.broadcast %slice3A_1316 : vector<128x1xf32> to vector<128x64xf32>
    %sub3A_1360 = arith.subf %sub3A_1358, %sub3A_1359 : vector<128x64xf32>
    %exp3A_1361 = math.exp %sub3A_1360 : vector<128x64xf32>
    %dot_general3A_1362 = arith.constant dense<0.000000e+00> : vector<128x128xf32>
    %dot_general3A_1363 = tpu.matmul %exp3A_1347, %exp3A_1361, %dot_general3A_1362 {dimension_numbers = #tpu.dot_dimension_numbers<[1], [1], [0], [0], [0, 0, 1, 0], [], []>, precision = #tpu.contract_precision<fp32>, transpose_lhs_hint = false} : vector<128x64xf32>, vector<128x64xf32>, vector<128x128xf32> -> vector<128x128xf32>
    %transpose3A_1364 = tpu.transpose %get3A_1308, [1, 0] : vector<1x128xf32> -> vector<128x1xf32>
    %eq3A_1365 = vector.broadcast %transpose3A_1364 : vector<128x1xf32> to vector<128x128xf32>
    %eq3A_1366 = vector.broadcast %get3A_1313 : vector<1x128xf32> to vector<128x128xf32>
    %eq3A_1367 = arith.cmpf oeq, %eq3A_1365, %eq3A_1366 : vector<128x128xf32>
    %convert_element_type3A_1368 = arith.extui %eq3A_1367 : vector<128x128xi1> to vector<128x128xi32>
    %convert_element_type3A_1369 = arith.sitofp %convert_element_type3A_1368 : vector<128x128xi32> to vector<128x128xf32>
    %add3A_1370 = arith.constant 1.000000e+00 : f32
    %add3A_1371 = vector.broadcast %add3A_1370 : f32 to vector<128x128xf32>
    %add3A_1372 = arith.addf %add3A_1371, %convert_element_type3A_1369 : vector<128x128xf32>
    %log3A_1373 = math.log %add3A_1372 : vector<128x128xf32>
    %sub3A_1374 = arith.subf %mul3A_1323, %log3A_1373 : vector<128x128xf32>
    %div3A_1375 = arith.divf %dot_general3A_1363, %add3A_1372 : vector<128x128xf32>
    %reduce_max3A_1376 = arith.constant dense<0xFF800000> : vector<128xf32>
    %reduce_max3A_1377 = vector.multi_reduction <maximumf>, %sub3A_1374, %reduce_max3A_1376 [1] : vector<128x128xf32> to vector<128xf32>
    %broadcast_in_dim3A_1378 = vector.shape_cast %reduce_max3A_1377 : vector<128xf32> to vector<128x1xf32>
    %max3A_1379 = arith.maximumf %broadcast_in_dim3A_1378, %add3A_1348 : vector<128x1xf32>
    %sub3A_1380 = vector.broadcast %max3A_1379 : vector<128x1xf32> to vector<128x128xf32>
    %sub3A_1381 = arith.subf %sub3A_1374, %sub3A_1380 : vector<128x128xf32>
    %exp3A_1382 = math.exp %sub3A_1381 : vector<128x128xf32>
    %sub3A_1383 = arith.subf %add3A_1348, %max3A_1379 : vector<128x1xf32>
    %exp3A_1384 = math.exp %sub3A_1383 : vector<128x1xf32>
    %mul3A_1385 = vector.broadcast %exp3A_1384 : vector<128x1xf32> to vector<128x128xf32>
    %mul3A_1386 = arith.mulf %div3A_1375, %mul3A_1385 : vector<128x128xf32>
    %sub3A_1387 = arith.subf %exp3A_1382, %mul3A_1386 : vector<128x128xf32>
    %reduce_sum3A_1388 = arith.constant dense<0.000000e+00> : vector<128xf32>
    %reduce_sum3A_1389 = vector.multi_reduction <add>, %sub3A_1387, %reduce_sum3A_1388 [1] : vector<128x128xf32> to vector<128xf32>
    %broadcast_in_dim3A_1390 = vector.shape_cast %reduce_sum3A_1389 : vector<128xf32> to vector<128x1xf32>
    %dot_general3A_1391 = arith.constant dense<0.000000e+00> : vector<128x64xf32>
    %dot_general3A_1392 = tpu.matmul %sub3A_1387, %slice3A_1318, %dot_general3A_1391 {dimension_numbers = #tpu.dot_dimension_numbers<[1], [0], [0], [1], [0, 0, 1, 1], [], []>, precision = #tpu.contract_precision<fp32>, transpose_lhs_hint = false} : vector<128x128xf32>, vector<128x64xf32>, vector<128x64xf32> -> vector<128x64xf32>
    %broadcast_in_dim3A_1393 = arith.constant 0.000000e+00 : f32
    %broadcast_in_dim3A_1394 = vector.broadcast %broadcast_in_dim3A_1393 : f32 to vector<128x62xf32>
    %concatenate3A_1395 = tpu.concatenate %dot_general3A_1392, %max3A_1379, %broadcast_in_dim3A_1390, %broadcast_in_dim3A_1394 in 1 : vector<128x64xf32>, vector<128x1xf32>, vector<128x1xf32>, vector<128x62xf32> -> vector<128x128xf32>
    %swap3A_1396 = arith.constant 1664 : index
    %swap3A_1397 = arith.constant 0 : index
    %swap3A_1398 = vector.load %arg6[%swap3A_1396, %swap3A_1397] : memref<2048x128xf32, #tpu.memory_space<vmem>>, vector<128x128xf32>
    tpu.vector_store %arg6[%swap3A_1396, %swap3A_1397], %concatenate3A_1395 {strides = array<i32>} : memref<2048x128xf32, #tpu.memory_space<vmem>>, vector<128x128xf32>,
    %get3A_1399 = arith.constant 1792 : index
    %get3A_1400 = arith.constant 0 : index
    %get3A_1401 = vector.load %arg1[%get3A_1399, %get3A_1400] : memref<2048x128xf32, #tpu.memory_space<vmem>>, vector<128x128xf32>
    %get3A_1402 = arith.constant 1792 : index
    %get3A_1403 = arith.constant 0 : index
    %get3A_1404 = vector.load %arg2[%get3A_1402, %get3A_1403] : memref<2048x128xf32, #tpu.memory_space<vmem>>, vector<128x128xf32>
    %get3A_1405 = arith.constant 14 : index
    %get3A_1406 = arith.constant 0 : index
    %get3A_1407 = arith.constant 0 : index
    %get3A_1408 = vector.load %arg3[%get3A_1405, %get3A_1406, %get3A_1407] : memref<16x1x128xf32, #tpu.memory_space<vmem>>, vector<1x1x128xf32>
    %get3A_1409 = vector.shape_cast %get3A_1408 : vector<1x1x128xf32> to vector<1x128xf32>
    %get3A_1410 = arith.constant 14 : index
    %get3A_1411 = arith.constant 0 : index
    %get3A_1412 = arith.constant 0 : index
    %get3A_1413 = vector.load %arg4[%get3A_1410, %get3A_1411, %get3A_1412] : memref<16x1x128xf32, #tpu.memory_space<vmem>>, vector<1x1x128xf32>
    %get3A_1414 = vector.shape_cast %get3A_1413 : vector<1x1x128xf32> to vector<1x128xf32>
    %slice3A_1415 = vector.extract_strided_slice %get3A_1401 {offsets = [0, 0], sizes = [128, 64], strides = [1, 1]} : vector<128x128xf32> to vector<128x64xf32>
    %slice3A_1416 = vector.extract_strided_slice %get3A_1401 {offsets = [0, 64], sizes = [128, 1], strides = [1, 1]} : vector<128x128xf32> to vector<128x1xf32>
    %slice3A_1417 = vector.extract_strided_slice %get3A_1401 {offsets = [0, 65], sizes = [128, 1], strides = [1, 1]} : vector<128x128xf32> to vector<128x1xf32>
    %slice3A_1418 = vector.extract_strided_slice %get3A_1404 {offsets = [0, 0], sizes = [128, 64], strides = [1, 1]} : vector<128x128xf32> to vector<128x64xf32>
    %slice3A_1419 = vector.extract_strided_slice %get3A_1404 {offsets = [0, 64], sizes = [128, 64], strides = [1, 1]} : vector<128x128xf32> to vector<128x64xf32>
    %dot_general3A_1420 = arith.constant dense<0.000000e+00> : vector<128x128xf32>
    %dot_general3A_1421 = tpu.matmul %slice3A_1415, %slice3A_1418, %dot_general3A_1420 {dimension_numbers = #tpu.dot_dimension_numbers<[1], [1], [0], [0], [0, 0, 1, 0], [], []>, precision = #tpu.contract_precision<fp32>, transpose_lhs_hint = false} : vector<128x64xf32>, vector<128x64xf32>, vector<128x128xf32> -> vector<128x128xf32>
    %mul3A_1422 = arith.constant 1.250000e-01 : f32
    %mul3A_1423 = vector.broadcast %mul3A_1422 : f32 to vector<128x128xf32>
    %mul3A_1424 = arith.mulf %dot_general3A_1421, %mul3A_1423 : vector<128x128xf32>
    %mul3A_1425 = arith.mulf %slice3A_1415, %slice3A_1415 : vector<128x64xf32>
    %reduce_sum3A_1426 = arith.constant dense<0.000000e+00> : vector<128xf32>
    %reduce_sum3A_1427 = vector.multi_reduction <add>, %mul3A_1425, %reduce_sum3A_1426 [1] : vector<128x64xf32> to vector<128xf32>
    %broadcast_in_dim3A_1428 = vector.shape_cast %reduce_sum3A_1427 : vector<128xf32> to vector<128x1xf32>
    %mul3A_1429 = arith.mulf %slice3A_1418, %slice3A_1418 : vector<128x64xf32>
    %reduce_sum3A_1430 = arith.constant dense<0.000000e+00> : vector<128xf32>
    %reduce_sum3A_1431 = vector.multi_reduction <add>, %mul3A_1429, %reduce_sum3A_1430 [1] : vector<128x64xf32> to vector<128xf32>
    %broadcast_in_dim3A_1432 = vector.shape_cast %reduce_sum3A_1431 : vector<128xf32> to vector<128x1xf32>
    %dot_general3A_1433 = arith.constant dense<0.000000e+00> : vector<128x64xf32>
    %dot_general3A_1434 = tpu.matmul %slice3A_1415, %get3A_1, %dot_general3A_1433 {dimension_numbers = #tpu.dot_dimension_numbers<[1], [1], [0], [0], [0, 0, 1, 0], [], []>, precision = #tpu.contract_precision<fp32>, transpose_lhs_hint = false} : vector<128x64xf32>, vector<64x64xf32>, vector<128x64xf32> -> vector<128x64xf32>
    %mul3A_1435 = arith.constant 0.353553385 : f32
    %mul3A_1436 = vector.broadcast %mul3A_1435 : f32 to vector<128x64xf32>
    %mul3A_1437 = arith.mulf %dot_general3A_1434, %mul3A_1436 : vector<128x64xf32>
    %mul3A_1438 = arith.constant 6.250000e-02 : f32
    %mul3A_1439 = vector.broadcast %mul3A_1438 : f32 to vector<128x1xf32>
    %mul3A_1440 = arith.mulf %broadcast_in_dim3A_1428, %mul3A_1439 : vector<128x1xf32>
    %sub3A_1441 = vector.broadcast %mul3A_1440 : vector<128x1xf32> to vector<128x64xf32>
    %sub3A_1442 = arith.subf %mul3A_1437, %sub3A_1441 : vector<128x64xf32>
    %reduce_max3A_1443 = arith.constant dense<0xFF800000> : vector<128xf32>
    %reduce_max3A_1444 = vector.multi_reduction <maximumf>, %sub3A_1442, %reduce_max3A_1443 [1] : vector<128x64xf32> to vector<128xf32>
    %broadcast_in_dim3A_1445 = vector.shape_cast %reduce_max3A_1444 : vector<128xf32> to vector<128x1xf32>
    %sub3A_1446 = vector.broadcast %broadcast_in_dim3A_1445 : vector<128x1xf32> to vector<128x64xf32>
    %sub3A_1447 = arith.subf %sub3A_1442, %sub3A_1446 : vector<128x64xf32>
    %exp3A_1448 = math.exp %sub3A_1447 : vector<128x64xf32>
    %add3A_1449 = arith.addf %broadcast_in_dim3A_1445, %slice3A_1416 : vector<128x1xf32>
    %dot_general3A_1450 = arith.constant dense<0.000000e+00> : vector<128x64xf32>
    %dot_general3A_1451 = tpu.matmul %slice3A_1418, %get3A_1, %dot_general3A_1450 {dimension_numbers = #tpu.dot_dimension_numbers<[1], [1], [0], [0], [0, 0, 1, 0], [], []>, precision = #tpu.contract_precision<fp32>, transpose_lhs_hint = false} : vector<128x64xf32>, vector<64x64xf32>, vector<128x64xf32> -> vector<128x64xf32>
    %mul3A_1452 = arith.constant 0.353553385 : f32
    %mul3A_1453 = vector.broadcast %mul3A_1452 : f32 to vector<128x64xf32>
    %mul3A_1454 = arith.mulf %dot_general3A_1451, %mul3A_1453 : vector<128x64xf32>
    %mul3A_1455 = arith.constant 6.250000e-02 : f32
    %mul3A_1456 = vector.broadcast %mul3A_1455 : f32 to vector<128x1xf32>
    %mul3A_1457 = arith.mulf %broadcast_in_dim3A_1432, %mul3A_1456 : vector<128x1xf32>
    %sub3A_1458 = vector.broadcast %mul3A_1457 : vector<128x1xf32> to vector<128x64xf32>
    %sub3A_1459 = arith.subf %mul3A_1454, %sub3A_1458 : vector<128x64xf32>
    %sub3A_1460 = vector.broadcast %slice3A_1417 : vector<128x1xf32> to vector<128x64xf32>
    %sub3A_1461 = arith.subf %sub3A_1459, %sub3A_1460 : vector<128x64xf32>
    %exp3A_1462 = math.exp %sub3A_1461 : vector<128x64xf32>
    %dot_general3A_1463 = arith.constant dense<0.000000e+00> : vector<128x128xf32>
    %dot_general3A_1464 = tpu.matmul %exp3A_1448, %exp3A_1462, %dot_general3A_1463 {dimension_numbers = #tpu.dot_dimension_numbers<[1], [1], [0], [0], [0, 0, 1, 0], [], []>, precision = #tpu.contract_precision<fp32>, transpose_lhs_hint = false} : vector<128x64xf32>, vector<128x64xf32>, vector<128x128xf32> -> vector<128x128xf32>
    %transpose3A_1465 = tpu.transpose %get3A_1409, [1, 0] : vector<1x128xf32> -> vector<128x1xf32>
    %eq3A_1466 = vector.broadcast %transpose3A_1465 : vector<128x1xf32> to vector<128x128xf32>
    %eq3A_1467 = vector.broadcast %get3A_1414 : vector<1x128xf32> to vector<128x128xf32>
    %eq3A_1468 = arith.cmpf oeq, %eq3A_1466, %eq3A_1467 : vector<128x128xf32>
    %convert_element_type3A_1469 = arith.extui %eq3A_1468 : vector<128x128xi1> to vector<128x128xi32>
    %convert_element_type3A_1470 = arith.sitofp %convert_element_type3A_1469 : vector<128x128xi32> to vector<128x128xf32>
    %add3A_1471 = arith.constant 1.000000e+00 : f32
    %add3A_1472 = vector.broadcast %add3A_1471 : f32 to vector<128x128xf32>
    %add3A_1473 = arith.addf %add3A_1472, %convert_element_type3A_1470 : vector<128x128xf32>
    %log3A_1474 = math.log %add3A_1473 : vector<128x128xf32>
    %sub3A_1475 = arith.subf %mul3A_1424, %log3A_1474 : vector<128x128xf32>
    %div3A_1476 = arith.divf %dot_general3A_1464, %add3A_1473 : vector<128x128xf32>
    %reduce_max3A_1477 = arith.constant dense<0xFF800000> : vector<128xf32>
    %reduce_max3A_1478 = vector.multi_reduction <maximumf>, %sub3A_1475, %reduce_max3A_1477 [1] : vector<128x128xf32> to vector<128xf32>
    %broadcast_in_dim3A_1479 = vector.shape_cast %reduce_max3A_1478 : vector<128xf32> to vector<128x1xf32>
    %max3A_1480 = arith.maximumf %broadcast_in_dim3A_1479, %add3A_1449 : vector<128x1xf32>
    %sub3A_1481 = vector.broadcast %max3A_1480 : vector<128x1xf32> to vector<128x128xf32>
    %sub3A_1482 = arith.subf %sub3A_1475, %sub3A_1481 : vector<128x128xf32>
    %exp3A_1483 = math.exp %sub3A_1482 : vector<128x128xf32>
    %sub3A_1484 = arith.subf %add3A_1449, %max3A_1480 : vector<128x1xf32>
    %exp3A_1485 = math.exp %sub3A_1484 : vector<128x1xf32>
    %mul3A_1486 = vector.broadcast %exp3A_1485 : vector<128x1xf32> to vector<128x128xf32>
    %mul3A_1487 = arith.mulf %div3A_1476, %mul3A_1486 : vector<128x128xf32>
    %sub3A_1488 = arith.subf %exp3A_1483, %mul3A_1487 : vector<128x128xf32>
    %reduce_sum3A_1489 = arith.constant dense<0.000000e+00> : vector<128xf32>
    %reduce_sum3A_1490 = vector.multi_reduction <add>, %sub3A_1488, %reduce_sum3A_1489 [1] : vector<128x128xf32> to vector<128xf32>
    %broadcast_in_dim3A_1491 = vector.shape_cast %reduce_sum3A_1490 : vector<128xf32> to vector<128x1xf32>
    %dot_general3A_1492 = arith.constant dense<0.000000e+00> : vector<128x64xf32>
    %dot_general3A_1493 = tpu.matmul %sub3A_1488, %slice3A_1419, %dot_general3A_1492 {dimension_numbers = #tpu.dot_dimension_numbers<[1], [0], [0], [1], [0, 0, 1, 1], [], []>, precision = #tpu.contract_precision<fp32>, transpose_lhs_hint = false} : vector<128x128xf32>, vector<128x64xf32>, vector<128x64xf32> -> vector<128x64xf32>
    %broadcast_in_dim3A_1494 = arith.constant 0.000000e+00 : f32
    %broadcast_in_dim3A_1495 = vector.broadcast %broadcast_in_dim3A_1494 : f32 to vector<128x62xf32>
    %concatenate3A_1496 = tpu.concatenate %dot_general3A_1493, %max3A_1480, %broadcast_in_dim3A_1491, %broadcast_in_dim3A_1495 in 1 : vector<128x64xf32>, vector<128x1xf32>, vector<128x1xf32>, vector<128x62xf32> -> vector<128x128xf32>
    %swap3A_1497 = arith.constant 1792 : index
    %swap3A_1498 = arith.constant 0 : index
    %swap3A_1499 = vector.load %arg6[%swap3A_1497, %swap3A_1498] : memref<2048x128xf32, #tpu.memory_space<vmem>>, vector<128x128xf32>
    tpu.vector_store %arg6[%swap3A_1497, %swap3A_1498], %concatenate3A_1496 {strides = array<i32>} : memref<2048x128xf32, #tpu.memory_space<vmem>>, vector<128x128xf32>,
    %get3A_1500 = arith.constant 1920 : index
    %get3A_1501 = arith.constant 0 : index
    %get3A_1502 = vector.load %arg1[%get3A_1500, %get3A_1501] : memref<2048x128xf32, #tpu.memory_space<vmem>>, vector<128x128xf32>
    %get3A_1503 = arith.constant 1920 : index
    %get3A_1504 = arith.constant 0 : index
    %get3A_1505 = vector.load %arg2[%get3A_1503, %get3A_1504] : memref<2048x128xf32, #tpu.memory_space<vmem>>, vector<128x128xf32>
    %get3A_1506 = arith.constant 15 : index
    %get3A_1507 = arith.constant 0 : index
    %get3A_1508 = arith.constant 0 : index
    %get3A_1509 = vector.load %arg3[%get3A_1506, %get3A_1507, %get3A_1508] : memref<16x1x128xf32, #tpu.memory_space<vmem>>, vector<1x1x128xf32>
    %get3A_1510 = vector.shape_cast %get3A_1509 : vector<1x1x128xf32> to vector<1x128xf32>
    %get3A_1511 = arith.constant 15 : index
    %get3A_1512 = arith.constant 0 : index
    %get3A_1513 = arith.constant 0 : index
    %get3A_1514 = vector.load %arg4[%get3A_1511, %get3A_1512, %get3A_1513] : memref<16x1x128xf32, #tpu.memory_space<vmem>>, vector<1x1x128xf32>
    %get3A_1515 = vector.shape_cast %get3A_1514 : vector<1x1x128xf32> to vector<1x128xf32>
    %slice3A_1516 = vector.extract_strided_slice %get3A_1502 {offsets = [0, 0], sizes = [128, 64], strides = [1, 1]} : vector<128x128xf32> to vector<128x64xf32>
    %slice3A_1517 = vector.extract_strided_slice %get3A_1502 {offsets = [0, 64], sizes = [128, 1], strides = [1, 1]} : vector<128x128xf32> to vector<128x1xf32>
    %slice3A_1518 = vector.extract_strided_slice %get3A_1502 {offsets = [0, 65], sizes = [128, 1], strides = [1, 1]} : vector<128x128xf32> to vector<128x1xf32>
    %slice3A_1519 = vector.extract_strided_slice %get3A_1505 {offsets = [0, 0], sizes = [128, 64], strides = [1, 1]} : vector<128x128xf32> to vector<128x64xf32>
    %slice3A_1520 = vector.extract_strided_slice %get3A_1505 {offsets = [0, 64], sizes = [128, 64], strides = [1, 1]} : vector<128x128xf32> to vector<128x64xf32>
    %dot_general3A_1521 = arith.constant dense<0.000000e+00> : vector<128x128xf32>
    %dot_general3A_1522 = tpu.matmul %slice3A_1516, %slice3A_1519, %dot_general3A_1521 {dimension_numbers = #tpu.dot_dimension_numbers<[1], [1], [0], [0], [0, 0, 1, 0], [], []>, precision = #tpu.contract_precision<fp32>, transpose_lhs_hint = false} : vector<128x64xf32>, vector<128x64xf32>, vector<128x128xf32> -> vector<128x128xf32>
    %mul3A_1523 = arith.constant 1.250000e-01 : f32
    %mul3A_1524 = vector.broadcast %mul3A_1523 : f32 to vector<128x128xf32>
    %mul3A_1525 = arith.mulf %dot_general3A_1522, %mul3A_1524 : vector<128x128xf32>
    %mul3A_1526 = arith.mulf %slice3A_1516, %slice3A_1516 : vector<128x64xf32>
    %reduce_sum3A_1527 = arith.constant dense<0.000000e+00> : vector<128xf32>
    %reduce_sum3A_1528 = vector.multi_reduction <add>, %mul3A_1526, %reduce_sum3A_1527 [1] : vector<128x64xf32> to vector<128xf32>
    %broadcast_in_dim3A_1529 = vector.shape_cast %reduce_sum3A_1528 : vector<128xf32> to vector<128x1xf32>
    %mul3A_1530 = arith.mulf %slice3A_1519, %slice3A_1519 : vector<128x64xf32>
    %reduce_sum3A_1531 = arith.constant dense<0.000000e+00> : vector<128xf32>
    %reduce_sum3A_1532 = vector.multi_reduction <add>, %mul3A_1530, %reduce_sum3A_1531 [1] : vector<128x64xf32> to vector<128xf32>
    %broadcast_in_dim3A_1533 = vector.shape_cast %reduce_sum3A_1532 : vector<128xf32> to vector<128x1xf32>
    %dot_general3A_1534 = arith.constant dense<0.000000e+00> : vector<128x64xf32>
    %dot_general3A_1535 = tpu.matmul %slice3A_1516, %get3A_1, %dot_general3A_1534 {dimension_numbers = #tpu.dot_dimension_numbers<[1], [1], [0], [0], [0, 0, 1, 0], [], []>, precision = #tpu.contract_precision<fp32>, transpose_lhs_hint = false} : vector<128x64xf32>, vector<64x64xf32>, vector<128x64xf32> -> vector<128x64xf32>
    %mul3A_1536 = arith.constant 0.353553385 : f32
    %mul3A_1537 = vector.broadcast %mul3A_1536 : f32 to vector<128x64xf32>
    %mul3A_1538 = arith.mulf %dot_general3A_1535, %mul3A_1537 : vector<128x64xf32>
    %mul3A_1539 = arith.constant 6.250000e-02 : f32
    %mul3A_1540 = vector.broadcast %mul3A_1539 : f32 to vector<128x1xf32>
    %mul3A_1541 = arith.mulf %broadcast_in_dim3A_1529, %mul3A_1540 : vector<128x1xf32>
    %sub3A_1542 = vector.broadcast %mul3A_1541 : vector<128x1xf32> to vector<128x64xf32>
    %sub3A_1543 = arith.subf %mul3A_1538, %sub3A_1542 : vector<128x64xf32>
    %reduce_max3A_1544 = arith.constant dense<0xFF800000> : vector<128xf32>
    %reduce_max3A_1545 = vector.multi_reduction <maximumf>, %sub3A_1543, %reduce_max3A_1544 [1] : vector<128x64xf32> to vector<128xf32>
    %broadcast_in_dim3A_1546 = vector.shape_cast %reduce_max3A_1545 : vector<128xf32> to vector<128x1xf32>
    %sub3A_1547 = vector.broadcast %broadcast_in_dim3A_1546 : vector<128x1xf32> to vector<128x64xf32>
    %sub3A_1548 = arith.subf %sub3A_1543, %sub3A_1547 : vector<128x64xf32>
    %exp3A_1549 = math.exp %sub3A_1548 : vector<128x64xf32>
    %add3A_1550 = arith.addf %broadcast_in_dim3A_1546, %slice3A_1517 : vector<128x1xf32>
    %dot_general3A_1551 = arith.constant dense<0.000000e+00> : vector<128x64xf32>
    %dot_general3A_1552 = tpu.matmul %slice3A_1519, %get3A_1, %dot_general3A_1551 {dimension_numbers = #tpu.dot_dimension_numbers<[1], [1], [0], [0], [0, 0, 1, 0], [], []>, precision = #tpu.contract_precision<fp32>, transpose_lhs_hint = false} : vector<128x64xf32>, vector<64x64xf32>, vector<128x64xf32> -> vector<128x64xf32>
    %mul3A_1553 = arith.constant 0.353553385 : f32
    %mul3A_1554 = vector.broadcast %mul3A_1553 : f32 to vector<128x64xf32>
    %mul3A_1555 = arith.mulf %dot_general3A_1552, %mul3A_1554 : vector<128x64xf32>
    %mul3A_1556 = arith.constant 6.250000e-02 : f32
    %mul3A_1557 = vector.broadcast %mul3A_1556 : f32 to vector<128x1xf32>
    %mul3A_1558 = arith.mulf %broadcast_in_dim3A_1533, %mul3A_1557 : vector<128x1xf32>
    %sub3A_1559 = vector.broadcast %mul3A_1558 : vector<128x1xf32> to vector<128x64xf32>
    %sub3A_1560 = arith.subf %mul3A_1555, %sub3A_1559 : vector<128x64xf32>
    %sub3A_1561 = vector.broadcast %slice3A_1518 : vector<128x1xf32> to vector<128x64xf32>
    %sub3A_1562 = arith.subf %sub3A_1560, %sub3A_1561 : vector<128x64xf32>
    %exp3A_1563 = math.exp %sub3A_1562 : vector<128x64xf32>
    %dot_general3A_1564 = arith.constant dense<0.000000e+00> : vector<128x128xf32>
    %dot_general3A_1565 = tpu.matmul %exp3A_1549, %exp3A_1563, %dot_general3A_1564 {dimension_numbers = #tpu.dot_dimension_numbers<[1], [1], [0], [0], [0, 0, 1, 0], [], []>, precision = #tpu.contract_precision<fp32>, transpose_lhs_hint = false} : vector<128x64xf32>, vector<128x64xf32>, vector<128x128xf32> -> vector<128x128xf32>
    %transpose3A_1566 = tpu.transpose %get3A_1510, [1, 0] : vector<1x128xf32> -> vector<128x1xf32>
    %eq3A_1567 = vector.broadcast %transpose3A_1566 : vector<128x1xf32> to vector<128x128xf32>
    %eq3A_1568 = vector.broadcast %get3A_1515 : vector<1x128xf32> to vector<128x128xf32>
    %eq3A_1569 = arith.cmpf oeq, %eq3A_1567, %eq3A_1568 : vector<128x128xf32>
    %convert_element_type3A_1570 = arith.extui %eq3A_1569 : vector<128x128xi1> to vector<128x128xi32>
    %convert_element_type3A_1571 = arith.sitofp %convert_element_type3A_1570 : vector<128x128xi32> to vector<128x128xf32>
    %add3A_1572 = arith.constant 1.000000e+00 : f32
    %add3A_1573 = vector.broadcast %add3A_1572 : f32 to vector<128x128xf32>
    %add3A_1574 = arith.addf %add3A_1573, %convert_element_type3A_1571 : vector<128x128xf32>
    %log3A_1575 = math.log %add3A_1574 : vector<128x128xf32>
    %sub3A_1576 = arith.subf %mul3A_1525, %log3A_1575 : vector<128x128xf32>
    %div3A_1577 = arith.divf %dot_general3A_1565, %add3A_1574 : vector<128x128xf32>
    %reduce_max3A_1578 = arith.constant dense<0xFF800000> : vector<128xf32>
    %reduce_max3A_1579 = vector.multi_reduction <maximumf>, %sub3A_1576, %reduce_max3A_1578 [1] : vector<128x128xf32> to vector<128xf32>
    %broadcast_in_dim3A_1580 = vector.shape_cast %reduce_max3A_1579 : vector<128xf32> to vector<128x1xf32>
    %max3A_1581 = arith.maximumf %broadcast_in_dim3A_1580, %add3A_1550 : vector<128x1xf32>
    %sub3A_1582 = vector.broadcast %max3A_1581 : vector<128x1xf32> to vector<128x128xf32>
    %sub3A_1583 = arith.subf %sub3A_1576, %sub3A_1582 : vector<128x128xf32>
    %exp3A_1584 = math.exp %sub3A_1583 : vector<128x128xf32>
    %sub3A_1585 = arith.subf %add3A_1550, %max3A_1581 : vector<128x1xf32>
    %exp3A_1586 = math.exp %sub3A_1585 : vector<128x1xf32>
    %mul3A_1587 = vector.broadcast %exp3A_1586 : vector<128x1xf32> to vector<128x128xf32>
    %mul3A_1588 = arith.mulf %div3A_1577, %mul3A_1587 : vector<128x128xf32>
    %sub3A_1589 = arith.subf %exp3A_1584, %mul3A_1588 : vector<128x128xf32>
    %reduce_sum3A_1590 = arith.constant dense<0.000000e+00> : vector<128xf32>
    %reduce_sum3A_1591 = vector.multi_reduction <add>, %sub3A_1589, %reduce_sum3A_1590 [1] : vector<128x128xf32> to vector<128xf32>
    %broadcast_in_dim3A_1592 = vector.shape_cast %reduce_sum3A_1591 : vector<128xf32> to vector<128x1xf32>
    %dot_general3A_1593 = arith.constant dense<0.000000e+00> : vector<128x64xf32>
    %dot_general3A_1594 = tpu.matmul %sub3A_1589, %slice3A_1520, %dot_general3A_1593 {dimension_numbers = #tpu.dot_dimension_numbers<[1], [0], [0], [1], [0, 0, 1, 1], [], []>, precision = #tpu.contract_precision<fp32>, transpose_lhs_hint = false} : vector<128x128xf32>, vector<128x64xf32>, vector<128x64xf32> -> vector<128x64xf32>
    %broadcast_in_dim3A_1595 = arith.constant 0.000000e+00 : f32
    %broadcast_in_dim3A_1596 = vector.broadcast %broadcast_in_dim3A_1595 : f32 to vector<128x62xf32>
    %concatenate3A_1597 = tpu.concatenate %dot_general3A_1594, %max3A_1581, %broadcast_in_dim3A_1592, %broadcast_in_dim3A_1596 in 1 : vector<128x64xf32>, vector<128x1xf32>, vector<128x1xf32>, vector<128x62xf32> -> vector<128x128xf32>
    %swap3A_1598 = arith.constant 1920 : index
    %swap3A_1599 = arith.constant 0 : index
    %swap3A_1600 = vector.load %arg6[%swap3A_1598, %swap3A_1599] : memref<2048x128xf32, #tpu.memory_space<vmem>>, vector<128x128xf32>
    tpu.vector_store %arg6[%swap3A_1598, %swap3A_1599], %concatenate3A_1597 {strides = array<i32>} : memref<2048x128xf32, #tpu.memory_space<vmem>>, vector<128x128xf32>,
    return
  }
  func.func @transform_0(%arg0: i32) -> (i32, i32) {
    %c0_i32 = arith.constant 0 : i32
    %c0_i32_0 = arith.constant 0 : i32
    return %arg0, %c0_i32 : i32, i32
  }
  func.func @transform_1(%arg0: i32) -> (i32, i32) {
    %c0_i32 = arith.constant 0 : i32
    %c0_i32_0 = arith.constant 0 : i32
    return %arg0, %c0_i32 : i32, i32
  }
  func.func @transform_2(%arg0: i32) -> (i32, i32, i32) {
    %c0_i32 = arith.constant 0 : i32
    %c0_i32_0 = arith.constant 0 : i32
    %c0_i32_1 = arith.constant 0 : i32
    return %arg0, %c0_i32, %c0_i32_0 : i32, i32, i32
  }
  func.func @transform_3(%arg0: i32) -> (i32, i32, i32) {
    %c0_i32 = arith.constant 0 : i32
    %c0_i32_0 = arith.constant 0 : i32
    %c0_i32_1 = arith.constant 0 : i32
    return %arg0, %c0_i32, %c0_i32_0 : i32, i32, i32
  }
  func.func @transform_4(%arg0: i32) -> (i32, i32) {
    %c0_i32 = arith.constant 0 : i32
    %c0_i32_0 = arith.constant 0 : i32
    %c0_i32_1 = arith.constant 0 : i32
    return %c0_i32, %c0_i32_0 : i32, i32
  }
  func.func @transform_5(%arg0: i32) -> (i32, i32) {
    %c0_i32 = arith.constant 0 : i32
    %c0_i32_0 = arith.constant 0 : i32
    return %arg0, %c0_i32 : i32, i32
  }
}

module attributes {stable_mosaic.version = 14 : i64} {
  func.func @_combine_body(%arg0: i32, %arg1: memref<2048x128xf32, #tpu.memory_space<vmem>>, %arg2: memref<2048x128xf32, #tpu.memory_space<vmem>>, %arg3: memref<1x2048x80xf32, #tpu.memory_space<vmem>>, %arg4: memref<2048x64xf32, #tpu.memory_space<vmem>>) attributes {dimension_semantics = [#tpu.dimension_semantics<arbitrary>], iteration_bounds = array<i64: 32>, scalar_prefetch = 0 : i64, scratch_operands = 0 : i64, tpu.core_type = #tpu.core_type<tc>, window_params = [{transform_indices = @transform_0, window_bounds = array<i64: 2048, 128>}, {transform_indices = @transform_1, window_bounds = array<i64: 2048, 128>}, {transform_indices = @transform_2, window_bounds = array<i64: 1, 2048, 80>}, {transform_indices = @transform_3, window_bounds = array<i64: 2048, 64>}]} {
    %get3A = arith.constant 0 : index
    %get3A_0 = arith.constant 0 : index
    %get3A_1 = vector.load %arg1[%get3A, %get3A_0] : memref<2048x128xf32, #tpu.memory_space<vmem>>, vector<2048x128xf32>
    %get3A_2 = arith.constant 0 : index
    %get3A_3 = arith.constant 0 : index
    %get3A_4 = vector.load %arg2[%get3A_2, %get3A_3] : memref<2048x128xf32, #tpu.memory_space<vmem>>, vector<2048x128xf32>
    %get3A_5 = arith.constant 0 : index
    %get3A_6 = arith.constant 0 : index
    %get3A_7 = arith.constant 0 : index
    %get3A_8 = vector.load %arg3[%get3A_5, %get3A_6, %get3A_7] : memref<1x2048x80xf32, #tpu.memory_space<vmem>>, vector<1x2048x80xf32>
    %get3A_9 = vector.shape_cast %get3A_8 : vector<1x2048x80xf32> to vector<2048x80xf32>
    %slice3A = vector.extract_strided_slice %get3A_1 {offsets = [0, 0], sizes = [2048, 64], strides = [1, 1]} : vector<2048x128xf32> to vector<2048x64xf32>
    %slice3A_10 = vector.extract_strided_slice %get3A_1 {offsets = [0, 64], sizes = [2048, 1], strides = [1, 1]} : vector<2048x128xf32> to vector<2048x1xf32>
    %slice3A_11 = vector.extract_strided_slice %get3A_1 {offsets = [0, 65], sizes = [2048, 1], strides = [1, 1]} : vector<2048x128xf32> to vector<2048x1xf32>
    %slice3A_12 = vector.extract_strided_slice %get3A_4 {offsets = [0, 0], sizes = [2048, 64], strides = [1, 1]} : vector<2048x128xf32> to vector<2048x64xf32>
    %slice3A_13 = vector.extract_strided_slice %get3A_4 {offsets = [0, 64], sizes = [2048, 1], strides = [1, 1]} : vector<2048x128xf32> to vector<2048x1xf32>
    %slice3A_14 = vector.extract_strided_slice %get3A_4 {offsets = [0, 65], sizes = [2048, 1], strides = [1, 1]} : vector<2048x128xf32> to vector<2048x1xf32>
    %max3A = arith.maximumf %slice3A_10, %slice3A_13 : vector<2048x1xf32>
    %sub3A = arith.subf %slice3A_10, %max3A : vector<2048x1xf32>
    %exp3A = math.exp %sub3A : vector<2048x1xf32>
    %sub3A_15 = arith.subf %slice3A_13, %max3A : vector<2048x1xf32>
    %exp3A_16 = math.exp %sub3A_15 : vector<2048x1xf32>
    %add3A = arith.addf %exp3A, %exp3A_16 : vector<2048x1xf32>
    %log3A = math.log %add3A : vector<2048x1xf32>
    %add3A_17 = arith.addf %max3A, %log3A : vector<2048x1xf32>
    %sub3A_18 = arith.subf %slice3A_10, %add3A_17 : vector<2048x1xf32>
    %exp3A_19 = math.exp %sub3A_18 : vector<2048x1xf32>
    %sub3A_20 = arith.subf %slice3A_13, %add3A_17 : vector<2048x1xf32>
    %exp3A_21 = math.exp %sub3A_20 : vector<2048x1xf32>
    %mul3A = vector.broadcast %exp3A_19 : vector<2048x1xf32> to vector<2048x64xf32>
    %mul3A_22 = arith.mulf %slice3A, %mul3A : vector<2048x64xf32>
    %mul3A_23 = vector.broadcast %exp3A_21 : vector<2048x1xf32> to vector<2048x64xf32>
    %mul3A_24 = arith.mulf %slice3A_12, %mul3A_23 : vector<2048x64xf32>
    %add3A_25 = arith.addf %mul3A_22, %mul3A_24 : vector<2048x64xf32>
    %mul3A_26 = arith.mulf %slice3A_11, %exp3A_19 : vector<2048x1xf32>
    %mul3A_27 = arith.mulf %slice3A_14, %exp3A_21 : vector<2048x1xf32>
    %add3A_28 = arith.addf %mul3A_26, %mul3A_27 : vector<2048x1xf32>
    %slice3A_29 = vector.extract_strided_slice %get3A_9 {offsets = [0, 65], sizes = [2048, 1], strides = [1, 1]} : vector<2048x80xf32> to vector<2048x1xf32>
    %sub3A_30 = arith.subf %slice3A_29, %add3A_17 : vector<2048x1xf32>
    %exp3A_31 = math.exp %sub3A_30 : vector<2048x1xf32>
    %slice3A_32 = vector.extract_strided_slice %get3A_9 {offsets = [0, 0], sizes = [2048, 64], strides = [1, 1]} : vector<2048x80xf32> to vector<2048x64xf32>
    %mul3A_33 = vector.broadcast %exp3A_31 : vector<2048x1xf32> to vector<2048x64xf32>
    %mul3A_34 = arith.mulf %slice3A_32, %mul3A_33 : vector<2048x64xf32>
    %add3A_35 = arith.addf %add3A_25, %mul3A_34 : vector<2048x64xf32>
    %slice3A_36 = vector.extract_strided_slice %get3A_9 {offsets = [0, 64], sizes = [2048, 1], strides = [1, 1]} : vector<2048x80xf32> to vector<2048x1xf32>
    %mul3A_37 = arith.mulf %slice3A_36, %exp3A_31 : vector<2048x1xf32>
    %add3A_38 = arith.addf %add3A_28, %mul3A_37 : vector<2048x1xf32>
    %max3A_39 = arith.constant 9.99999997E-7 : f32
    %max3A_40 = vector.broadcast %max3A_39 : f32 to vector<2048x1xf32>
    %max3A_41 = arith.maximumf %add3A_38, %max3A_40 : vector<2048x1xf32>
    %div3A = vector.broadcast %max3A_41 : vector<2048x1xf32> to vector<2048x64xf32>
    %div3A_42 = arith.divf %add3A_35, %div3A : vector<2048x64xf32>
    %swap3A = arith.constant 0 : index
    %swap3A_43 = arith.constant 0 : index
    %swap3A_44 = vector.load %arg4[%swap3A, %swap3A_43] : memref<2048x64xf32, #tpu.memory_space<vmem>>, vector<2048x64xf32>
    tpu.vector_store %arg4[%swap3A, %swap3A_43], %div3A_42 {strides = array<i32>} : memref<2048x64xf32, #tpu.memory_space<vmem>>, vector<2048x64xf32>,
    return
  }
  func.func @transform_0(%arg0: i32) -> (i32, i32) {
    %c0_i32 = arith.constant 0 : i32
    %c0_i32_0 = arith.constant 0 : i32
    return %arg0, %c0_i32 : i32, i32
  }
  func.func @transform_1(%arg0: i32) -> (i32, i32) {
    %add3A = arith.constant 32 : i32
    %add3A_0 = arith.addi %add3A, %arg0 : i32
    %c0_i32 = arith.constant 0 : i32
    %c0_i32_1 = arith.constant 0 : i32
    return %add3A_0, %c0_i32 : i32, i32
  }
  func.func @transform_2(%arg0: i32) -> (i32, i32, i32) {
    %c0_i32 = arith.constant 0 : i32
    %c0_i32_0 = arith.constant 0 : i32
    %c0_i32_1 = arith.constant 0 : i32
    return %arg0, %c0_i32, %c0_i32_0 : i32, i32, i32
  }
  func.func @transform_3(%arg0: i32) -> (i32, i32) {
    %c0_i32 = arith.constant 0 : i32
    %c0_i32_0 = arith.constant 0 : i32
    return %arg0, %c0_i32 : i32, i32
  }
}

</mosaic_0001>

<sc_bundles>
// kernel: gather_offload_async_start.1
scs
__scs_entry_jumppad:
0x0: {  	(pc) =	sbr.rel $0x88, $3  }
0x1: {  	(tag) =	ssettag $0x0;
	lr =	simm.s32 $0x1  }
0x2: {  	[smem:$0x3F9B] =	sst lr;
	_ =	strace $0xD0000000  }
0x3: {  	_ = 	snop  }
0x4: {  	_ = 	snop  }
0x5: {  	_ = 	snop  }
0x6: {  	_ = 	snop  }
0x7: {  	_ = 	snop  }
__scs_overlays_trampoline_lowered:
0x8: {  	[smem:$0x3FAA] =	sst s0  }
0x9: {  	[smem:$0x3FAB] =	sst s1  }
0xa: {  	[smem:$0x3FAC] =	sst s2  }
0xb: {  	[smem:$0x3FAD] =	sst s3  }
0xc: {  	[smem:$0x3FAE] =	sst s4  }
0xd: {  	[smem:$0x3FAF] =	sst s5  }
0xe: {  	[smem:$0x3FB0] =	sst s6  }
0xf: {  	[smem:$0x3FB1] =	sst s7  }
0x10: {  	[smem:$0x3FB2] =	sst s8  }
0x11: {  	[smem:$0x3FB3] =	sst s9;
	s0 =	simm.s32 @!p0 $0x0  }
0x12: {  	s1 =	sld [smem:$0x3F99];
	s0 =	simm.s32 @p0 $0x1  }
0x13: {  	[smem:$0x3FB4] =	sst s0;
	s0 =	simm.s32 @!p1 $0x0  }
0x14: {  	s2 =	sld [smem:$0x3F98];
	s0 =	simm.s32 @p1 $0x1  }
0x15: {  	[smem:$0x3FB5] =	sst s0;
	s0 =	simm.s32 @!p2 $0x0  }
0x16: {  	s3 =	sld [smem:$0x3FDB];
	s0 =	simm.s32 @p2 $0x1  }
0x17: {  	s4 =	simm.s32 $0x1BF5;
	[smem:$0x3FB7] =	sst s0  }
0x18: {  	s0 =	sld [smem:$0x3F9A];
	_ =	swait.ge [sflag:s4], $0x0  }
0x19: {  	s7 =	sld [smem:$0x3F9B]  }
0x1a: {  	s8 =	sadd.s32 $0xFFFFE003, lr  }
0x1b: {  	s9 =	sadd.s32 $0xFFFFFEF7, lr;
	s5 =	simm.s32 $0xFFFFFFFF;
	p2 =	slt.u32 s8, $0xFFFFF086  }
0x1c: {  	p1 =	slt.u32 s9, $0xF7A;
	s5 =	simm.s32 @!p2 $0x0  }
0x1d: {  	s5 =	simm.s32 @p1 $0x1;
	p0 =	seq.s32 s7, s2  }
0x1e: {  	s7 =	smul.u32 @!p0 $0xF7A, s2;
	p2 =	seq.s32 @!p0 s5, $0x0  }
0x1f: {  	s9 =	smul.u32 $0xF7A, s1;
	s8 =	simm.s32 @!p0 $0x1BF5;
	p2 =	por !p2, p0  }
0x20: {  	[sflag:s8] =	ssyncset.s32 @!p0 $0xFFFFF086;
	s6 =	sadd.s32 @!p0 s3, s7;
	s7 =	simm.s32 @!p0 $0x108  }
0x21: {  	s3 =	sadd.s32 s3, s9;
	s6 =	sadd.s32 @!p0 $0x88, s6;
	s7 =	simm.s32 @p2 $0x1082  }
0x22: {  	[simem:s7], [sflag:s8] =	dma.local @!p0 [hbm:s6], $0xF7A  }
0x23: {  	s9 =	sor.u32 $0xD0000000, s2;
	s6 =	simm.s32 $0x108;
	_ =	swait.ge @!p0 [sflag:s8], $0x0  }
0x24: {  	s3 =	sadd.s32 $0x88, s3;
	s6 =	simm.s32 @!p1 $0x1082;
	[sflag:s4] =	ssyncset.s32 $0xFFFFF086  }
0x25: {  	[simem:s6], [sflag:s4] =	dma.local [hbm:s3], $0xF7A  }
0x26: {  	[smem:$0x3F9B] =	sst s1;
	(tag) =	ssettag s2;
	_ =	strace s9  }
0x27: {  	s1 =	sld [smem:$0x3FAB]  }
0x28: {  	s2 =	sld [smem:$0x3FAC]  }
0x29: {  	s4 =	sld [smem:$0x3FAE]  }
0x2a: {  	p0 =	seq.s32 s5, $0x0;
	s5 =	sld [smem:$0x3FAF]  }
0x2b: {  	s6 =	sld [smem:$0x3FB0]  }
0x2c: {  	s7 =	sld [smem:$0x3FB1]  }
0x2d: {  	s3 =	simm.s32 $0x108;
	s8 =	sld [smem:$0x3FB2]  }
0x2e: {  	s3 =	simm.s32 @!p0 $0x1082;
	s9 =	sld [smem:$0x3FB3]  }
0x2f: {  	lr =	sadd.s32 s0, s3;
	s0 =	sld [smem:$0x3FAA]  }
0x30: {  	s3 =	sld [smem:$0x3FAD]  }
0x31: {  	[smem:$0x3FB6] =	sst s10  }
0x32: {  	s10 =	sld [smem:$0x3FB4];
	_ =	sdelay $0x3  }
0x33: {  	p0 =	seq.s32 s10, $0x1;
	s10 =	sld [smem:$0x3FB6];
	_ =	sdelay $0x3  }
0x34: {  	[smem:$0x3FB6] =	sst s10  }
0x35: {  	s10 =	sld [smem:$0x3FB5];
	_ =	sdelay $0x3  }
0x36: {  	p1 =	seq.s32 s10, $0x1;
	s10 =	sld [smem:$0x3FB6];
	_ =	sdelay $0x3  }
0x37: {  	[smem:$0x3FB6] =	sst s10  }
0x38: {  	s10 =	sld [smem:$0x3FB7]  }
0x39: {  	_ = 	snop;
	(pc) =	sbr.ind lr, $3  }
0x3a: {  	_ = 	snop  }
0x3b: {  	_ = 	snop  }
0x3c: {  	p2 =	seq.s32 s10, $0x1;
	s10 =	sld [smem:$0x3FB6]  }
0x3d: {  	_ =	shalt  }
0x3e: {  	_ =	shalt  }
0x3f: {  	_ =	shalt  }
0x40: {  	_ =	shalt  }
0x41: {  	_ =	shalt  }
0x42: {  	_ =	shalt  }
0x43: {  	_ =	shalt  }
0x44: {  	_ =	shalt  }
0x45: {  	_ =	shalt  }
0x46: {  	_ =	shalt  }
0x47: {  	_ =	shalt  }
0x48: {  	_ =	shalt  }
0x49: {  	_ =	shalt  }
0x4a: {  	_ =	shalt  }
0x4b: {  	_ =	shalt  }
0x4c: {  	_ =	shalt  }
0x4d: {  	_ =	shalt  }
0x4e: {  	_ =	shalt  }
0x4f: {  	_ =	shalt  }
0x50: {  	_ =	shalt  }
0x51: {  	_ =	shalt  }
0x52: {  	_ =	shalt  }
0x53: {  	_ =	shalt  }
0x54: {  	_ =	shalt  }
0x55: {  	_ =	shalt  }
0x56: {  	_ =	shalt  }
0x57: {  	_ =	shalt  }
0x58: {  	_ =	shalt  }
0x59: {  	_ =	shalt  }
0x5a: {  	_ =	shalt  }
0x5b: {  	_ =	shalt  }
0x5c: {  	_ =	shalt  }
0x5d: {  	_ =	shalt  }
0x5e: {  	_ =	shalt  }
0x5f: {  	_ =	shalt  }
0x60: {  	_ =	shalt  }
0x61: {  	_ =	shalt  }
0x62: {  	_ =	shalt  }
0x63: {  	_ =	shalt  }
0x64: {  	_ =	shalt  }
0x65: {  	_ =	shalt  }
0x66: {  	_ =	shalt  }
0x67: {  	_ =	shalt  }
0x68: {  	_ =	shalt  }
0x69: {  	_ =	shalt  }
0x6a: {  	_ =	shalt  }
0x6b: {  	_ =	shalt  }
0x6c: {  	_ =	shalt  }
0x6d: {  	_ =	shalt  }
0x6e: {  	_ =	shalt  }
0x6f: {  	_ =	shalt  }
0x70: {  	_ =	shalt  }
0x71: {  	_ =	shalt  }
0x72: {  	_ =	shalt  }
0x73: {  	_ =	shalt  }
0x74: {  	_ =	shalt  }
0x75: {  	_ =	shalt  }
0x76: {  	_ =	shalt  }
0x77: {  	_ =	shalt  }
0x78: {  	_ =	shalt  }
0x79: {  	_ =	shalt  }
0x7a: {  	_ =	shalt  }
0x7b: {  	_ =	shalt  }
0x7c: {  	_ =	shalt  }
0x7d: {  	_ =	shalt  }
0x7e: {  	_ =	shalt  }
0x7f: {  	_ =	shalt  }
0x80: {  	_ =	shalt  }
0x81: {  	_ =	shalt  }
0x82: {  	_ =	shalt  }
0x83: {  	_ =	shalt  }
0x84: {  	_ =	shalt  }
0x85: {  	_ =	shalt  }
0x86: {  	_ =	shalt  }
0x87: {  	_ =	shalt  }
.Lfunc_end0:
.L_simem_size_0:
called_computation.1_lowered:
.L_overlay_start_0:
0x88: {  	s2 =	sld [smem:$0x3FD9]  }
0x89: {  	s3 =	sld [smem:$0x3FFE];
	_ =	sdelay $0x1  }
0x8a: {  	s1 =	srdreg.scid  }
0x8b: {  	s0 =	sand.u32 $0x1, s1  }
0x8c: {  	s17 =	sshll.u32 s0, $0xA;
	s2 =	sadd.s32 s3, s2  }
0x8d: {  	s2 =	sadd.s32 s2, s17  }
0x8e: {  	[smem:$0x3FC2] =	sst s2  }
0x8f: {  	_ = 	snop  }
0x90: {  	(tm) =	ssettm $0x1  }
0x91: {  	s18 =	sld [smem:$0x3FFB];
	_ =	sdelay $0x3  }
0x92: {  	_ =	strace s18  }
0x93: {  	s2 =	sld [smem:$0x3FFC];
	_ =	sdelay $0x3  }
0x94: {  	_ =	strace s2  }
0x95: {  	s2 =	sld [smem:$0x3FFD];
	_ =	sdelay $0x3  }
0x96: {  	_ =	strace s2  }
0x97: {  	_ =	strace $0x8FFFFFFF  }
0x98: {  	s19 =	sld [smem:$0x3FDB];
	_ =	sdelay $0x1  }
0x99: {  	s20 =	simm.s32 $_scs_section_size  }
0x9a: {  	s4 =	simm.s32 $_size__tile_overlayer_lowered;
	s5 =	simm.s32 $_tile_overlayer_lowered  }
0x9b: {  	s6 =	simm.s32 $0x1BFF;
	s21 =	sshll.u32 s5, $0x1;
	s3 =	sadd.s32 s20, s19  }
0x9c: {  	s22 =	simm.s32 $0x0;
	s4 =	sshll.u32 s4, $0x1;
	s5 =	sadd.s32 s21, s3  }
0x9d: {  	[timem:s22], [sflag:s6] =	dma.local [hbm:s5], s4  }
0x9e: {  	_ =	swait.ge [sflag:s6], s4  }
0x9f: {  	s4 =	ssub.s32 $0x0, s4;
	[sflag:s6] =	ssyncset.done $0x0  }
0xa0: {  	[sflag:s6] =	ssyncadd.s32 s4;
	_ =	sdelay $0x1  }
0xa1: {  	s23 =	simm.s32 $0x1B8B  }
0xa2: {  	_ =	swait.ge [sflag:s23], $0x1  }
0xa3: {  	[sflag:s23] =	ssyncset.done $0x0  }
0xa4: {  	[sflag:s23] =	ssyncadd.s32 $0xFFFFFFFF  }
0xa5: {  	s4 =	sld [smem:$0x0]  }
0xa6: {  	s5 =	sand.u32 $0xFFFFFFFE, s1  }
0xa7: {  	p0 =	sne.s32 s1, s5  }
0xa8: {  	s5 =	sshll.u32 @p0 s5, $0xE  }
0xa9: {  	s5 =	sadd.s32 @p0 $0x11B8D, s5;
	s6 =	sshll.u32 @p0 s4, $0x11  }
0xaa: {  	s5 =	sor.u32 @p0 s6, s5  }
0xab: {  	[sflag:s5] =	ssyncadd.remote.s32 @p0 $0x1;
	_ =	sdelay $0x1  }
0xac: {  	s5 =	simm.s32 @p0 $0x1B8D  }
0xad: {  	_ =	swait.eq @p0 [sflag:s5], $0x1  }
0xae: {  	[sflag:s5] =	ssyncadd.s32 @p0 $0xFFFFFFFF  }
0xaf: {  	s6 =	sshll.u32 @!p0 s1, $0xE  }
0xb0: {  	s6 =	sor.u32 @!p0 $0x4000, s6;
	s5 =	simm.s32 @!p0 $0x1B8D  }
0xb1: {  	s4 =	sshll.u32 @!p0 s4, $0x11;
	s6 =	sadd.s32 @!p0 $0x11B8D, s6;
	_ =	swait.eq @!p0 [sflag:s5], $0x1  }
0xb2: {  	s4 =	sor.u32 @!p0 s4, s6;
	[sflag:s5] =	ssyncadd.s32 @!p0 $0xFFFFFFFF  }
0xb3: {  	s25 =	simm.s32 $0x1B8E;
	s24 =	sld [smem:$0x3FFE];
	[sflag:s4] =	ssyncadd.remote.s32 @!p0 $0x1  }
0xb4: {  	s26 =	simm.s32 $execute0_lowered;
	[smem:$0x3FD2] =	sst s25  }
0xb5: {  	s5 =	sshll.u32 s26, $0x1;
	_ =	strace $0x80000049;
	[dreg:$0x1] =	wrdreg $0xFFFFFFFF  }
0xb6: {  	s28 =	simm.s32 $_size_execute0_lowered;
	s3 =	sadd.s32 s3, s5;
	[dreg:$0x0] =	wrdreg $0x0  }
0xb7: {  	s5 =	sshll.u32 s28, $0x1;
	[dreg:$0x2] =	wrdreg s3  }
0xb8: {  	[dreg:$0x3] =	wrdreg s5  }
0xb9: {  	[dreg:$0x4] =	wrdreg $0xC0  }
0xba: {  	_ =	task [dreg:s22], $0x5FFFF  }
0xbb: {  	[dreg:$0x1] =	wrdreg $0xFFFFFFFF  }
0xbc: {  	[dreg:$0x0] =	wrdreg $0x60  }
0xbd: {  	[dreg:$0x2] =	wrdreg s24  }
0xbe: {  	[dreg:$0x3] =	wrdreg $0xA  }
0xbf: {  	_ =	task.clear_ibuf [dreg:s22], $0x4FFFF;
	_ =	strace $0x90000049  }
0xc0: {  	s29 =	simm.s32 $0xA;
	_ =	strace $0x8000004B  }
0xc1: {  	_ =	swait.ge [sflag:s29], $0x1  }
0xc2: {  	[sflag:s29] =	ssyncadd.s32 $0xFFFFFFFF  }
0xc3: {  	_ =	strace $0x9000004B  }
0xc4: {  	_ =	sfence  }
0xc5: {  	s30 =	sld [smem:$0x0];
	_ =	sdelay $0x2  }
0xc6: {  	s31 =	sshll.u32 s1, $0xD;
	s1 =	sshrl.u32 s1, $0x2  }
0xc7: {  	s4 =	sand.u32 $0x4000, s31;
	s1 =	sadd.s32 s1, s30  }
0xc8: {  	s0 =	sor.u32 s4, s0;
	s1 =	sshll.u32 s1, $0x11  }
0xc9: {  	s0 =	sor.u32 s1, s0  }
0xca: {  	s0 =	sadd.s32 $0x8F2B, s0  }
0xcb: {  	[sflag:s0] =	ssyncadd.remote.s32 $0x1  }
0xcc: {  	_ =	sfence.sel $0xFFFF  }
0xcd: {  	[dreg:$0x0] =	wrdreg $0xFFFFFFFF;
	(pc) =	sbr.abs _section_cstart, $3  }
0xce: {  	[dreg:$0x1] =	wrdreg $0xFFFFFFFF  }
0xcf: {  	_ =	task.clear_ibuf [dreg:s22], $0x2FFFF;
	_ =	strace $0x9FFFFFFF  }
0xd0: {  	(tm) =	ssettm $0x7FFFFFFF  }
0xd1: {  	_ =	shalt  }
tec
execute0_lowered:
.L_overlay_start_1:
0x0: {  	(tag) =	ssettag $0x1  }
0x1: {  	s0 =	srdreg.scid;
	s5 =	rddreg [dreg:$0x0]  }
0x2: {  	s1 =	stileid.u32;
	s6 =	simm.s32 $0x1;
	s9 =	simm.s32 $0x1  }
0x3: {  	s10 =	simm.s32 $0x3;
	s13 =	simm.s32 $0x0;
	s2 =	sshll.u32 s0, $0xB  }
0x4: {  	s12 =	simm.s32 $0x0;
	s3 =	sshll.u32 s1, $0xC;
	s2 =	sand.u32 $0x800, s2  }
0x5: {  	s0 =	rddreg [dreg:$0x1];
	_ =	strace $0x8000004A;
	s2 =	sor.u32 s3, s2  }
0x6: {  	s4 =	sadd.s32 $0x88200, s5;
	[sflag:s6] =	ssyncpa.u1 $0x0;
	s8 =	ssub.s32 $0x20000, s2  }
.Ltmp0:
0x7: {  	s3 =	sadd.s32 $0x90200, s5;
	s7 =	sand.u32 $0xF800, s8;
	(pc) =	sbr.rel .LBB2_1-.Ltmp0, $4  }
0x8: {  	s5 =	sadd.s32 $0xA8200, s5;
	s11 =	smov.u32 s2;
	p0 =	sne.s32 s7, $0x0  }
0x9: {  	s8 =	sshrl.u32 s8, $0x10;
	s7 =	simm.s32 $0x2;
	s9 =	simm.s32 @!p0 $0x0  }
0xa: {  	[sflag:s7] =	ssyncpa.u1 $0x0;
	p0 =	por $0x0, $0x0;
	s8 =	sadd.s32 s9, s8  }
0xb: {  	vm0 =	vmmov $0xffff;
	[sflag:s10] =	ssyncpa.u1 $0x0;
	s10 =	simm.s32 $0x0;
	s9 =	sadd.s32 $0x1, s8  }
.LBB2_4:
0xc: {  	v3 =	vshrl.u32 v0, $0x1;
	v4 =	vshrl.u32 v0, $0x6;
	v1 =	vor.u32 v1, v2  }
0xd: {  	v62 =	vshll.u32 v0, $0x10;
	v60 =	vand.u32 $0x1F, v3;
	v61 =	vand.u32 $0x7FF, v4  }
0xe: {  	v0 =	vand.u32 $0x10000, v62;
	v2 =	vsel vm1, $0xFFFFFFFF, v60;
	v3 =	vsel vm1, $0xFFFFFFFF, v61  }
0xf: {  	v0 =	vsel vm1, $0xFFFF0000, v0;
	v63 =	vand.u32 $0x7F, v3;
	v5 =	vshll.u32 v2, $0xB  }
0x10: {  	v3 =	vshll.u32 v3, $0x3;
	v5 =	vand.u32 $0xFFFFC000, v5;
	v0 =	vor.u32 v0, v63  }
0x11: {  	v2 =	vshll.u32 v2, $0x7;
	v3 =	vand.u32 $0xFFFFFC00, v3;
	v0 =	vadd.s32 v5, v0  }
0x12: {  	v2 =	vand.u32 $0x380, v2;
	v0 =	vadd.s32 v3, v0  }
0x13: {  	v0 =	vor.u32 v2, v0;
	_ =	sdelay $0x1  }
0x14: {  	(ifvalue) =	ssetifvalue $0x7FFFFFFF;
	s14 =	sadd.s32 $0x10, s14  }
0x15: {  	[tilespmem:s14], [sflag:$0x1] =	stream.indirect_vreg.gather [hbm4b:s3+s10], $0x1, v1, vm0, $0x4038;
	[tilespmem:$0x2000] =	vst v63  }
0x16: {  	(ifvalue) =	ssetifvalue $0x7FFFFFFF;
	s14 =	sadd.s32 $0x10, s14  }
0x17: {  	[tilespmem:s14], [sflag:$0x1] =	stream.indirect_vreg.gather [hbm4b:s3+s10], $0x1, v0, vm0, $0x4038;
	[tilespmem:$0x2000] =	vst v63  }
0x18: {  	_ =	swait.ge [sflag:s6], $0x800  }
0x19: {  	s30 =	sshrl.u32 s13, $0x3;
	[sflag:s6] =	ssyncset.done $0x0  }
0x1a: {  	s31 =	sand.u32 $0x7, s13;
	s14 =	sadd.s32 s5, s30;
	[sflag:s6] =	ssyncadd.s32 $0xFFFFF800  }
0x1b: {  	[hbm4b:s14+s31] =	stream.linear.scatter [tilespmem:s15], [sflag:$0x3], $0x800, $0x38;
	[tilespmem:$0x2000] =	vst v63  }
.LBB2_5:
0x1c: {  	s15 =	sadd.s32 $0x10000, s11  }
0x1d: {  	p2 =	sgt.s32 s15, $0x1FFFF  }
0x1e: {  	s15 =	smov.u32 @p2 s2;
	p2 =	sne.s32 s12, s9  }
.Ltmp1:
0x1f: {  	p1 =	slt.u32 s12, $0x2;
	(pc) =	sbr.rel @!p2 .LBB2_6-.Ltmp1, $4  }
0x20: {  	s14 =	simm.s32 @!p1 $0x3  }
0x21: {  	s16 =	sadd.s32 $0x1, s12;
	_ =	swait.ge @!p1 [sflag:s14], $0x800  }
0x22: {  	s13 =	smov.u32 s11;
	p0 =	por !p0, !p0;
	[sflag:s14] =	ssyncset.done @!p1 $0x0  }
0x23: {  	s12 =	smov.u32 s16;
	s11 =	smov.u32 s15;
	[sflag:s14] =	ssyncadd.s32 @!p1 $0xFFFFF800  }
.LBB2_1:
0x24: {  	p1 =	sge.u32 s12, s8  }
0x25: {  	s14 =	sxor.u32 @!p1 $0xFFFFFFFF, s12  }
0x26: {  	s31 =	sadd.s32 $0xFFFFFFFF, s12;
	s15 =	sshrl.u32 @!p1 s11, $0x3;
	s14 =	sshll.u32 @!p1 s14, $0xB  }
0x27: {  	s16 =	sand.u32 @!p1 $0x7, s11;
	s15 =	sadd.s32 @!p1 s4, s15;
	s14 =	sand.u32 @!p1 $0x800, s14  }
0x28: {  	[tilespmem:s14], [sflag:$0x2] =	stream.linear.gather @!p1 [hbm4b:s15+s16], $0x800, $0x38;
	[tilespmem:$0x2000] =	vst v63  }
0x29: {  	p1 =	sge.u32 s31, s8  }
.Ltmp2:
0x2a: {  	_ = 	snop;
	(pc) =	sbr.rel @p1 .LBB2_5-.Ltmp2, $1  }
0x2b: {  	_ =	sdelay $0x3  }
0x2c: {  	s14 =	simm.s32 $0x1  }
0x2d: {  	_ =	swait.ge [sflag:s7], $0x800;
	s14 =	simm.s32 @!p0 $0x0  }
0x2e: {  	[sflag:s7] =	ssyncset.done $0x0;
	s14 =	sshll.u32 s14, $0xB  }
0x2f: {  	[sflag:s7] =	ssyncadd.s32 $0xFFFFF800;
	(ifvalue) =	ssetifvalue $0x7FFFFFFF;
	v0 =	vld.msk [tilespmem:s14+$0x0 ss:$0x1], $0xffff;
	_ =	sdelay $0x4  }
0x30: {  	s15 =	sadd.s32 $0x10, s14;
	vm1 =	veq.s32 v0, $0x80000000;
	v1 =	vshrl.u32 v0, $0x1;
	v2 =	vshrl.u32 v0, $0x6  }
0x31: {  	v3 =	vld.msk [tilespmem:s15+$0x0 ss:$0x1], $0xffff;
	v0 =	vshll.u32 v0, $0x10;
	v1 =	vand.u32 $0x1F, v1;
	v2 =	vand.u32 $0x7FF, v2  }
0x32: {  	v0 =	vand.u32 $0x10000, v0;
	v1 =	vsel vm1, $0xFFFFFFFF, v1;
	v2 =	vsel vm1, $0xFFFFFFFF, v2  }
0x33: {  	v0 =	vsel vm1, $0xFFFF0000, v0;
	v4 =	vand.u32 $0x7F, v2;
	v5 =	vshll.u32 v1, $0xB  }
0x34: {  	v2 =	vshll.u32 v2, $0x3;
	v5 =	vand.u32 $0xFFFFC000, v5;
	v0 =	vor.u32 v0, v4  }
0x35: {  	v1 =	vshll.u32 v1, $0x7;
	v2 =	vand.u32 $0xFFFFFC00, v2;
	v0 =	vadd.s32 v5, v0  }
0x36: {  	v62 =	vshrl.u32 v3, $0x6;
	v1 =	vand.u32 $0x380, v1;
	v0 =	vadd.s32 v2, v0  }
0x37: {  	s17 =	sadd.s32 $0x10, s15;
	vm1 =	veq.s32 v3, $0x80000000;
	v2 =	vshrl.u32 v3, $0x1;
	v1 =	vor.u32 v1, v0  }
0x38: {  	v4 =	vand.u32 $0x7FF, v62;
	v3 =	vshll.u32 v3, $0x10;
	v0 =	vld.msk [tilespmem:s17+$0x0 ss:$0x1], $0xffff;
	v2 =	vand.u32 $0x1F, v2  }
0x39: {  	v4 =	vsel vm1, $0xFFFFFFFF, v4;
	v3 =	vand.u32 $0x10000, v3;
	v2 =	vsel vm1, $0xFFFFFFFF, v2  }
0x3a: {  	s31 =	sshll.u32 s12, $0xB;
	v63 =	vand.u32 $0x7F, v4;
	v3 =	vsel vm1, $0xFFFF0000, v3;
	v6 =	vshll.u32 v2, $0xB  }
0x3b: {  	s14 =	sor.u32 $0x1000, s14;
	s15 =	sand.u32 $0x800, s31;
	v4 =	vshll.u32 v4, $0x3;
	(ifvalue) =	ssetifvalue $0x7FFFFFFF;
	v3 =	vor.u32 v3, v63;
	v6 =	vand.u32 $0xFFFFC000, v6  }
0x3c: {  	v4 =	vand.u32 $0xFFFFFC00, v4;
	[tilespmem:s14], [sflag:$0x1] =	stream.indirect_vreg.gather [hbm4b:s3+s10], $0x1, v1, vm0, $0x4038;
	v1 =	vshll.u32 v2, $0x7;
	v2 =	vadd.s32 v6, v3;
	[tilespmem:$0x2000] =	vst v63  }
0x3d: {  	s16 =	simm.s32 $0x20;
	s15 =	sor.u32 $0x1000, s15;
	s17 =	sadd.s32 $0x10, s17;
	vm1 =	veq.s32 v0, $0x80000000;
	v1 =	vand.u32 $0x380, v1;
	v2 =	vadd.s32 v4, v2  }
.LBB2_3:
0x3e: {  	v3 =	vld.msk [tilespmem:s17+$0x0 ss:$0x1], $0xffff;
	v4 =	vshrl.u32 v0, $0x1;
	v5 =	vshrl.u32 v0, $0x6;
	v1 =	vor.u32 v1, v2;
	s16 =	sadd.s32 $0x10, s16  }
0x3f: {  	v0 =	vshll.u32 v0, $0x10;
	v2 =	vand.u32 $0x1F, v4;
	v4 =	vand.u32 $0x7FF, v5;
	p1 =	slt.u32 s16, $0x7F0  }
.Ltmp3:
0x40: {  	v0 =	vand.u32 $0x10000, v0;
	v2 =	vsel vm1, $0xFFFFFFFF, v2;
	v4 =	vsel vm1, $0xFFFFFFFF, v4;
	(pc) =	sbr.rel @p1 .LBB2_3-.Ltmp3, $4  }
0x41: {  	v0 =	vsel vm1, $0xFFFF0000, v0;
	v5 =	vand.u32 $0x7F, v4;
	v6 =	vshll.u32 v2, $0xB  }
0x42: {  	s14 =	sadd.s32 $0x10, s14;
	v4 =	vshll.u32 v4, $0x3;
	v6 =	vand.u32 $0xFFFFC000, v6;
	v7 =	vor.u32 v0, v5;
	(ifvalue) =	ssetifvalue $0x7FFFFFFF  }
0x43: {  	v2 =	vshll.u32 v2, $0x7;
	v4 =	vand.u32 $0xFFFFFC00, v4;
	v5 =	vadd.s32 v6, v7;
	[tilespmem:s14], [sflag:$0x1] =	stream.indirect_vreg.gather [hbm4b:s3+s10], $0x1, v1, vm0, $0x4038;
	[tilespmem:$0x2000] =	vst v63  }
0x44: {  	s17 =	sadd.s32 $0x10, s17;
	vm1 =	veq.s32 v3, $0x80000000;
	v1 =	vand.u32 $0x380, v2;
	v0 =	vmovc v3;
	v2 =	vadd.s32 v4, v5  }
.Ltmp4:
0x45: {  	_ = 	snop;
	(pc) =	sbr.rel .LBB2_4-.Ltmp4, $1  }
0x46: {  	_ =	sdelay $0x3  }
.LBB2_6:
0x47: {  	_ =	sfence.sel $0x180000  }
0x48: {  	s2 =	simm.s32 $0x2;
	[bflag:$0x0] =	sbarrier.arrive $0xFFFF  }
0x49: {  	s30 =	simm.s32 $0x3;
	[sflag:s2] =	ssyncpa.u1 $0x1  }
0x4a: {  	s31 =	simm.s32 $0x1;
	[sflag:s30] =	ssyncpa.u1 $0x1  }
0x4b: {  	[sflag:s31] =	ssyncpa.u1 $0x1  }
0x4c: {  	p0 =	sne.s32 s1, $0x0;
	_ =	strace $0x9000004A  }
0x4d: {  	s0 =	sadd.s32 @!p0 $0x100000, s0;
	[bflag:$0x2] =	sbarrier.arrive $0xFFFF  }
0x4e: {  	[sflag:s0] =	ssyncadd.tile.s32 @!p0 $0x1;
	_ =	shalt  }
.Lfunc_end2:
_tile_overlayer_lowered:
.L_overlay_start_2:
0x4f: {  	(tag) =	ssettag $0x2  }
0x50: {  	s0 =	rddreg [dreg:$0x0];
	s2 =	stileid.u32  }
0x51: {  	s1 =	rddreg [dreg:$0x1];
	p0 =	sne.s32 s2, $0x0  }
0x52: {  	s3 =	rddreg [dreg:$0x2];
	[bflag:$0x3] =	sbarrier.arrive $0xFFFF;
	s2 =	simm.s32 @!p0 $0x1C01  }
0x53: {  	[timem:s3], [sflag:s2] =	dma.local @!p0 [hbm:s0], s1  }
0x54: {  	s0 =	simm.s32 @!p0 $0x1  }
0x55: {  	_ =	swait.ge @!p0 [sflag:s0], s1  }
0x56: {  	s1 =	ssub.s32 @!p0 $0x0, s1;
	[sflag:s0] =	ssyncset.done @!p0 $0x0  }
0x57: {  	[sflag:s0] =	ssyncadd.s32 @!p0 s1  }
0x58: {  	[bflag:$0x3] =	sbarrier.arrive $0xFFFF  }
0x59: {  	_ =	shalt  }

// kernel: gather_offload_async_start
scs
__scs_entry_jumppad:
0x0: {  	(pc) =	sbr.rel $0x88, $3  }
0x1: {  	(tag) =	ssettag $0x0;
	lr =	simm.s32 $0x1  }
0x2: {  	[smem:$0x3F9B] =	sst lr;
	_ =	strace $0xD0000000  }
0x3: {  	_ = 	snop  }
0x4: {  	_ = 	snop  }
0x5: {  	_ = 	snop  }
0x6: {  	_ = 	snop  }
0x7: {  	_ = 	snop  }
__scs_overlays_trampoline_lowered:
0x8: {  	[smem:$0x3FAA] =	sst s0  }
0x9: {  	[smem:$0x3FAB] =	sst s1  }
0xa: {  	[smem:$0x3FAC] =	sst s2  }
0xb: {  	[smem:$0x3FAD] =	sst s3  }
0xc: {  	[smem:$0x3FAE] =	sst s4  }
0xd: {  	[smem:$0x3FAF] =	sst s5  }
0xe: {  	[smem:$0x3FB0] =	sst s6  }
0xf: {  	[smem:$0x3FB1] =	sst s7  }
0x10: {  	[smem:$0x3FB2] =	sst s8  }
0x11: {  	[smem:$0x3FB3] =	sst s9;
	s0 =	simm.s32 @!p0 $0x0  }
0x12: {  	s1 =	sld [smem:$0x3F99];
	s0 =	simm.s32 @p0 $0x1  }
0x13: {  	[smem:$0x3FB4] =	sst s0;
	s0 =	simm.s32 @!p1 $0x0  }
0x14: {  	s2 =	sld [smem:$0x3F98];
	s0 =	simm.s32 @p1 $0x1  }
0x15: {  	[smem:$0x3FB5] =	sst s0;
	s0 =	simm.s32 @!p2 $0x0  }
0x16: {  	s3 =	sld [smem:$0x3FDB];
	s0 =	simm.s32 @p2 $0x1  }
0x17: {  	s4 =	simm.s32 $0x1BF5;
	[smem:$0x3FB7] =	sst s0  }
0x18: {  	s0 =	sld [smem:$0x3F9A];
	_ =	swait.ge [sflag:s4], $0x0  }
0x19: {  	s7 =	sld [smem:$0x3F9B]  }
0x1a: {  	s8 =	sadd.s32 $0xFFFFE003, lr  }
0x1b: {  	s9 =	sadd.s32 $0xFFFFFEF7, lr;
	s5 =	simm.s32 $0xFFFFFFFF;
	p2 =	slt.u32 s8, $0xFFFFF086  }
0x1c: {  	p1 =	slt.u32 s9, $0xF7A;
	s5 =	simm.s32 @!p2 $0x0  }
0x1d: {  	s5 =	simm.s32 @p1 $0x1;
	p0 =	seq.s32 s7, s2  }
0x1e: {  	s7 =	smul.u32 @!p0 $0xF7A, s2;
	p2 =	seq.s32 @!p0 s5, $0x0  }
0x1f: {  	s9 =	smul.u32 $0xF7A, s1;
	s8 =	simm.s32 @!p0 $0x1BF5;
	p2 =	por !p2, p0  }
0x20: {  	[sflag:s8] =	ssyncset.s32 @!p0 $0xFFFFF086;
	s6 =	sadd.s32 @!p0 s3, s7;
	s7 =	simm.s32 @!p0 $0x108  }
0x21: {  	s3 =	sadd.s32 s3, s9;
	s6 =	sadd.s32 @!p0 $0x88, s6;
	s7 =	simm.s32 @p2 $0x1082  }
0x22: {  	[simem:s7], [sflag:s8] =	dma.local @!p0 [hbm:s6], $0xF7A  }
0x23: {  	s9 =	sor.u32 $0xD0000000, s2;
	s6 =	simm.s32 $0x108;
	_ =	swait.ge @!p0 [sflag:s8], $0x0  }
0x24: {  	s3 =	sadd.s32 $0x88, s3;
	s6 =	simm.s32 @!p1 $0x1082;
	[sflag:s4] =	ssyncset.s32 $0xFFFFF086  }
0x25: {  	[simem:s6], [sflag:s4] =	dma.local [hbm:s3], $0xF7A  }
0x26: {  	[smem:$0x3F9B] =	sst s1;
	(tag) =	ssettag s2;
	_ =	strace s9  }
0x27: {  	s1 =	sld [smem:$0x3FAB]  }
0x28: {  	s2 =	sld [smem:$0x3FAC]  }
0x29: {  	s4 =	sld [smem:$0x3FAE]  }
0x2a: {  	p0 =	seq.s32 s5, $0x0;
	s5 =	sld [smem:$0x3FAF]  }
0x2b: {  	s6 =	sld [smem:$0x3FB0]  }
0x2c: {  	s7 =	sld [smem:$0x3FB1]  }
0x2d: {  	s3 =	simm.s32 $0x108;
	s8 =	sld [smem:$0x3FB2]  }
0x2e: {  	s3 =	simm.s32 @!p0 $0x1082;
	s9 =	sld [smem:$0x3FB3]  }
0x2f: {  	lr =	sadd.s32 s0, s3;
	s0 =	sld [smem:$0x3FAA]  }
0x30: {  	s3 =	sld [smem:$0x3FAD]  }
0x31: {  	[smem:$0x3FB6] =	sst s10  }
0x32: {  	s10 =	sld [smem:$0x3FB4];
	_ =	sdelay $0x3  }
0x33: {  	p0 =	seq.s32 s10, $0x1;
	s10 =	sld [smem:$0x3FB6];
	_ =	sdelay $0x3  }
0x34: {  	[smem:$0x3FB6] =	sst s10  }
0x35: {  	s10 =	sld [smem:$0x3FB5];
	_ =	sdelay $0x3  }
0x36: {  	p1 =	seq.s32 s10, $0x1;
	s10 =	sld [smem:$0x3FB6];
	_ =	sdelay $0x3  }
0x37: {  	[smem:$0x3FB6] =	sst s10  }
0x38: {  	s10 =	sld [smem:$0x3FB7]  }
0x39: {  	_ = 	snop;
	(pc) =	sbr.ind lr, $3  }
0x3a: {  	_ = 	snop  }
0x3b: {  	_ = 	snop  }
0x3c: {  	p2 =	seq.s32 s10, $0x1;
	s10 =	sld [smem:$0x3FB6]  }
0x3d: {  	_ =	shalt  }
0x3e: {  	_ =	shalt  }
0x3f: {  	_ =	shalt  }
0x40: {  	_ =	shalt  }
0x41: {  	_ =	shalt  }
0x42: {  	_ =	shalt  }
0x43: {  	_ =	shalt  }
0x44: {  	_ =	shalt  }
0x45: {  	_ =	shalt  }
0x46: {  	_ =	shalt  }
0x47: {  	_ =	shalt  }
0x48: {  	_ =	shalt  }
0x49: {  	_ =	shalt  }
0x4a: {  	_ =	shalt  }
0x4b: {  	_ =	shalt  }
0x4c: {  	_ =	shalt  }
0x4d: {  	_ =	shalt  }
0x4e: {  	_ =	shalt  }
0x4f: {  	_ =	shalt  }
0x50: {  	_ =	shalt  }
0x51: {  	_ =	shalt  }
0x52: {  	_ =	shalt  }
0x53: {  	_ =	shalt  }
0x54: {  	_ =	shalt  }
0x55: {  	_ =	shalt  }
0x56: {  	_ =	shalt  }
0x57: {  	_ =	shalt  }
0x58: {  	_ =	shalt  }
0x59: {  	_ =	shalt  }
0x5a: {  	_ =	shalt  }
0x5b: {  	_ =	shalt  }
0x5c: {  	_ =	shalt  }
0x5d: {  	_ =	shalt  }
0x5e: {  	_ =	shalt  }
0x5f: {  	_ =	shalt  }
0x60: {  	_ =	shalt  }
0x61: {  	_ =	shalt  }
0x62: {  	_ =	shalt  }
0x63: {  	_ =	shalt  }
0x64: {  	_ =	shalt  }
0x65: {  	_ =	shalt  }
0x66: {  	_ =	shalt  }
0x67: {  	_ =	shalt  }
0x68: {  	_ =	shalt  }
0x69: {  	_ =	shalt  }
0x6a: {  	_ =	shalt  }
0x6b: {  	_ =	shalt  }
0x6c: {  	_ =	shalt  }
0x6d: {  	_ =	shalt  }
0x6e: {  	_ =	shalt  }
0x6f: {  	_ =	shalt  }
0x70: {  	_ =	shalt  }
0x71: {  	_ =	shalt  }
0x72: {  	_ =	shalt  }
0x73: {  	_ =	shalt  }
0x74: {  	_ =	shalt  }
0x75: {  	_ =	shalt  }
0x76: {  	_ =	shalt  }
0x77: {  	_ =	shalt  }
0x78: {  	_ =	shalt  }
0x79: {  	_ =	shalt  }
0x7a: {  	_ =	shalt  }
0x7b: {  	_ =	shalt  }
0x7c: {  	_ =	shalt  }
0x7d: {  	_ =	shalt  }
0x7e: {  	_ =	shalt  }
0x7f: {  	_ =	shalt  }
0x80: {  	_ =	shalt  }
0x81: {  	_ =	shalt  }
0x82: {  	_ =	shalt  }
0x83: {  	_ =	shalt  }
0x84: {  	_ =	shalt  }
0x85: {  	_ =	shalt  }
0x86: {  	_ =	shalt  }
0x87: {  	_ =	shalt  }
.Lfunc_end0:
.L_simem_size_0:
called_computation_lowered:
.L_overlay_start_0:
0x88: {  	s2 =	sld [smem:$0x3FD9]  }
0x89: {  	s3 =	sld [smem:$0x3FFE];
	_ =	sdelay $0x1  }
0x8a: {  	s1 =	srdreg.scid  }
0x8b: {  	s0 =	sand.u32 $0x1, s1  }
0x8c: {  	s16 =	sshll.u32 s0, $0xA;
	s2 =	sadd.s32 s3, s2  }
0x8d: {  	s2 =	sadd.s32 s2, s16  }
0x8e: {  	[smem:$0x3FC2] =	sst s2  }
0x8f: {  	_ = 	snop  }
0x90: {  	(tm) =	ssettm $0x1  }
0x91: {  	s17 =	sld [smem:$0x3FFB];
	_ =	sdelay $0x3  }
0x92: {  	_ =	strace s17  }
0x93: {  	s2 =	sld [smem:$0x3FFC];
	_ =	sdelay $0x3  }
0x94: {  	_ =	strace s2  }
0x95: {  	s2 =	sld [smem:$0x3FFD];
	_ =	sdelay $0x3  }
0x96: {  	_ =	strace s2  }
0x97: {  	_ =	strace $0x8FFFFFFF  }
0x98: {  	s18 =	sld [smem:$0x3FDB];
	_ =	sdelay $0x1  }
0x99: {  	s19 =	simm.s32 $_scs_section_size  }
0x9a: {  	s4 =	simm.s32 $_size__tile_overlayer_lowered;
	s5 =	simm.s32 $_tile_overlayer_lowered  }
0x9b: {  	s22 =	simm.s32 $0x1BFF;
	s21 =	sshll.u32 s5, $0x1;
	s2 =	sadd.s32 s19, s18  }
0x9c: {  	s6 =	simm.s32 $0x0;
	s20 =	sshll.u32 s4, $0x1;
	s4 =	sadd.s32 s21, s2  }
0x9d: {  	[timem:s6], [sflag:s22] =	dma.local [hbm:s4], s20  }
0x9e: {  	_ =	swait.ge [sflag:s22], s20  }
0x9f: {  	s3 =	ssub.s32 $0x0, s20;
	[sflag:s22] =	ssyncset.done $0x0  }
0xa0: {  	[sflag:s22] =	ssyncadd.s32 s3;
	_ =	sdelay $0x1  }
0xa1: {  	s23 =	simm.s32 $0x1B8B  }
0xa2: {  	_ =	swait.ge [sflag:s23], $0x1  }
0xa3: {  	[sflag:s23] =	ssyncset.done $0x0  }
0xa4: {  	s25 =	simm.s32 $0x1B8E;
	s24 =	sld [smem:$0x3FFE];
	[sflag:s23] =	ssyncadd.s32 $0xFFFFFFFF  }
0xa5: {  	s26 =	simm.s32 $execute0_lowered;
	[smem:$0x3FD2] =	sst s25  }
0xa6: {  	s4 =	sshll.u32 s26, $0x1;
	_ =	strace $0x80000046;
	[dreg:$0x1] =	wrdreg $0xFFFFFFFF  }
0xa7: {  	s28 =	simm.s32 $_size_execute0_lowered;
	s2 =	sadd.s32 s2, s4;
	[dreg:$0x0] =	wrdreg $0x0  }
0xa8: {  	s4 =	sshll.u32 s28, $0x1;
	[dreg:$0x2] =	wrdreg s2  }
0xa9: {  	[dreg:$0x3] =	wrdreg s4  }
0xaa: {  	[dreg:$0x4] =	wrdreg $0xC0  }
0xab: {  	_ =	task [dreg:s6], $0x5FFFF  }
0xac: {  	[dreg:$0x1] =	wrdreg $0xFFFFFFFF  }
0xad: {  	[dreg:$0x0] =	wrdreg $0x60  }
0xae: {  	[dreg:$0x2] =	wrdreg s24  }
0xaf: {  	[dreg:$0x3] =	wrdreg $0x9  }
0xb0: {  	_ =	task.clear_ibuf [dreg:s6], $0x4FFFF;
	_ =	strace $0x90000046  }
0xb1: {  	s29 =	simm.s32 $0x9;
	_ =	strace $0x80000048  }
0xb2: {  	_ =	swait.ge [sflag:s29], $0x1  }
0xb3: {  	[sflag:s29] =	ssyncadd.s32 $0xFFFFFFFF  }
0xb4: {  	_ =	strace $0x90000048  }
0xb5: {  	_ =	sfence  }
0xb6: {  	s30 =	sld [smem:$0x0];
	_ =	sdelay $0x2  }
0xb7: {  	s31 =	sshll.u32 s1, $0xD;
	s1 =	sshrl.u32 s1, $0x2  }
0xb8: {  	s3 =	sand.u32 $0x4000, s31;
	s1 =	sadd.s32 s1, s30  }
0xb9: {  	s0 =	sor.u32 s3, s0;
	s1 =	sshll.u32 s1, $0x11  }
0xba: {  	s0 =	sor.u32 s1, s0  }
0xbb: {  	s0 =	sadd.s32 $0x8F2B, s0  }
0xbc: {  	[sflag:s0] =	ssyncadd.remote.s32 $0x1  }
0xbd: {  	_ =	sfence.sel $0xFFFF  }
0xbe: {  	[dreg:$0x0] =	wrdreg $0xFFFFFFFF;
	(pc) =	sbr.abs _section_cstart, $3  }
0xbf: {  	[dreg:$0x1] =	wrdreg $0xFFFFFFFF  }
0xc0: {  	_ =	task.clear_ibuf [dreg:s6], $0x2FFFF;
	_ =	strace $0x9FFFFFFF  }
0xc1: {  	(tm) =	ssettm $0x7FFFFFFF  }
tec
execute0_lowered:
.L_overlay_start_1:
0x0: {  	(tag) =	ssettag $0x1  }
0x1: {  	s0 =	srdreg.scid;
	s5 =	rddreg [dreg:$0x0]  }
0x2: {  	s1 =	stileid.u32;
	s6 =	simm.s32 $0x1;
	s9 =	simm.s32 $0x1  }
0x3: {  	s10 =	simm.s32 $0x3;
	s13 =	simm.s32 $0x0;
	s2 =	sshll.u32 s0, $0xB  }
0x4: {  	s12 =	simm.s32 $0x0;
	s3 =	sshll.u32 s1, $0xC;
	s2 =	sand.u32 $0x800, s2  }
0x5: {  	s0 =	rddreg [dreg:$0x1];
	_ =	strace $0x80000047;
	s2 =	sor.u32 s3, s2  }
0x6: {  	s4 =	sadd.s32 $0x9C200, s5;
	[sflag:s6] =	ssyncpa.u1 $0x0;
	s8 =	ssub.s32 $0x20000, s2  }
.Ltmp0:
0x7: {  	s3 =	sadd.s32 $0x98200, s5;
	s7 =	sand.u32 $0xF800, s8;
	(pc) =	sbr.rel .LBB2_1-.Ltmp0, $4  }
0x8: {  	s5 =	sadd.s32 $0xA4200, s5;
	s11 =	smov.u32 s2;
	p0 =	sne.s32 s7, $0x0  }
0x9: {  	s8 =	sshrl.u32 s8, $0x10;
	s7 =	simm.s32 $0x2;
	s9 =	simm.s32 @!p0 $0x0  }
0xa: {  	[sflag:s7] =	ssyncpa.u1 $0x0;
	p0 =	por $0x0, $0x0;
	s8 =	sadd.s32 s9, s8  }
0xb: {  	vm0 =	vmmov $0xffff;
	[sflag:s10] =	ssyncpa.u1 $0x0;
	s10 =	simm.s32 $0x0;
	s9 =	sadd.s32 $0x1, s8  }
.LBB2_4:
0xc: {  	v3 =	vshrl.u32 v0, $0x1;
	v4 =	vshrl.u32 v0, $0x6;
	v1 =	vor.u32 v1, v2  }
0xd: {  	v62 =	vshll.u32 v0, $0x10;
	v60 =	vand.u32 $0x1F, v3;
	v61 =	vand.u32 $0x7FF, v4  }
0xe: {  	v0 =	vand.u32 $0x10000, v62;
	v2 =	vsel vm1, $0xFFFFFFFF, v60;
	v3 =	vsel vm1, $0xFFFFFFFF, v61  }
0xf: {  	v0 =	vsel vm1, $0xFFFF0000, v0;
	v63 =	vand.u32 $0x7F, v3;
	v5 =	vshll.u32 v2, $0xB  }
0x10: {  	v3 =	vshll.u32 v3, $0x3;
	v5 =	vand.u32 $0xFFFFC000, v5;
	v0 =	vor.u32 v0, v63  }
0x11: {  	v2 =	vshll.u32 v2, $0x7;
	v3 =	vand.u32 $0xFFFFFC00, v3;
	v0 =	vadd.s32 v5, v0  }
0x12: {  	v2 =	vand.u32 $0x380, v2;
	v0 =	vadd.s32 v3, v0  }
0x13: {  	v0 =	vor.u32 v2, v0;
	_ =	sdelay $0x1  }
0x14: {  	(ifvalue) =	ssetifvalue $0x7FFFFFFF;
	s14 =	sadd.s32 $0x10, s14  }
0x15: {  	[tilespmem:s14], [sflag:$0x1] =	stream.indirect_vreg.gather [hbm4b:s3+s10], $0x1, v1, vm0, $0x4038;
	[tilespmem:$0x2000] =	vst v63  }
0x16: {  	(ifvalue) =	ssetifvalue $0x7FFFFFFF;
	s14 =	sadd.s32 $0x10, s14  }
0x17: {  	[tilespmem:s14], [sflag:$0x1] =	stream.indirect_vreg.gather [hbm4b:s3+s10], $0x1, v0, vm0, $0x4038;
	[tilespmem:$0x2000] =	vst v63  }
0x18: {  	_ =	swait.ge [sflag:s6], $0x800  }
0x19: {  	s30 =	sshrl.u32 s13, $0x3;
	[sflag:s6] =	ssyncset.done $0x0  }
0x1a: {  	s31 =	sand.u32 $0x7, s13;
	s14 =	sadd.s32 s5, s30;
	[sflag:s6] =	ssyncadd.s32 $0xFFFFF800  }
0x1b: {  	[hbm4b:s14+s31] =	stream.linear.scatter [tilespmem:s15], [sflag:$0x3], $0x800, $0x38;
	[tilespmem:$0x2000] =	vst v63  }
.LBB2_5:
0x1c: {  	s15 =	sadd.s32 $0x10000, s11  }
0x1d: {  	p2 =	sgt.s32 s15, $0x1FFFF  }
0x1e: {  	s15 =	smov.u32 @p2 s2;
	p2 =	sne.s32 s12, s9  }
.Ltmp1:
0x1f: {  	p1 =	slt.u32 s12, $0x2;
	(pc) =	sbr.rel @!p2 .LBB2_6-.Ltmp1, $4  }
0x20: {  	s14 =	simm.s32 @!p1 $0x3  }
0x21: {  	s16 =	sadd.s32 $0x1, s12;
	_ =	swait.ge @!p1 [sflag:s14], $0x800  }
0x22: {  	s13 =	smov.u32 s11;
	p0 =	por !p0, !p0;
	[sflag:s14] =	ssyncset.done @!p1 $0x0  }
0x23: {  	s12 =	smov.u32 s16;
	s11 =	smov.u32 s15;
	[sflag:s14] =	ssyncadd.s32 @!p1 $0xFFFFF800  }
.LBB2_1:
0x24: {  	p1 =	sge.u32 s12, s8  }
0x25: {  	s14 =	sxor.u32 @!p1 $0xFFFFFFFF, s12  }
0x26: {  	s31 =	sadd.s32 $0xFFFFFFFF, s12;
	s15 =	sshrl.u32 @!p1 s11, $0x3;
	s14 =	sshll.u32 @!p1 s14, $0xB  }
0x27: {  	s16 =	sand.u32 @!p1 $0x7, s11;
	s15 =	sadd.s32 @!p1 s4, s15;
	s14 =	sand.u32 @!p1 $0x800, s14  }
0x28: {  	[tilespmem:s14], [sflag:$0x2] =	stream.linear.gather @!p1 [hbm4b:s15+s16], $0x800, $0x38;
	[tilespmem:$0x2000] =	vst v63  }
0x29: {  	p1 =	sge.u32 s31, s8  }
.Ltmp2:
0x2a: {  	_ = 	snop;
	(pc) =	sbr.rel @p1 .LBB2_5-.Ltmp2, $1  }
0x2b: {  	_ =	sdelay $0x3  }
0x2c: {  	s14 =	simm.s32 $0x1  }
0x2d: {  	_ =	swait.ge [sflag:s7], $0x800;
	s14 =	simm.s32 @!p0 $0x0  }
0x2e: {  	[sflag:s7] =	ssyncset.done $0x0;
	s14 =	sshll.u32 s14, $0xB  }
0x2f: {  	[sflag:s7] =	ssyncadd.s32 $0xFFFFF800;
	(ifvalue) =	ssetifvalue $0x7FFFFFFF;
	v0 =	vld.msk [tilespmem:s14+$0x0 ss:$0x1], $0xffff;
	_ =	sdelay $0x4  }
0x30: {  	s15 =	sadd.s32 $0x10, s14;
	vm1 =	veq.s32 v0, $0x80000000;
	v1 =	vshrl.u32 v0, $0x1;
	v2 =	vshrl.u32 v0, $0x6  }
0x31: {  	v3 =	vld.msk [tilespmem:s15+$0x0 ss:$0x1], $0xffff;
	v0 =	vshll.u32 v0, $0x10;
	v1 =	vand.u32 $0x1F, v1;
	v2 =	vand.u32 $0x7FF, v2  }
0x32: {  	v0 =	vand.u32 $0x10000, v0;
	v1 =	vsel vm1, $0xFFFFFFFF, v1;
	v2 =	vsel vm1, $0xFFFFFFFF, v2  }
0x33: {  	v0 =	vsel vm1, $0xFFFF0000, v0;
	v4 =	vand.u32 $0x7F, v2;
	v5 =	vshll.u32 v1, $0xB  }
0x34: {  	v2 =	vshll.u32 v2, $0x3;
	v5 =	vand.u32 $0xFFFFC000, v5;
	v0 =	vor.u32 v0, v4  }
0x35: {  	v1 =	vshll.u32 v1, $0x7;
	v2 =	vand.u32 $0xFFFFFC00, v2;
	v0 =	vadd.s32 v5, v0  }
0x36: {  	v62 =	vshrl.u32 v3, $0x6;
	v1 =	vand.u32 $0x380, v1;
	v0 =	vadd.s32 v2, v0  }
0x37: {  	s17 =	sadd.s32 $0x10, s15;
	vm1 =	veq.s32 v3, $0x80000000;
	v2 =	vshrl.u32 v3, $0x1;
	v1 =	vor.u32 v1, v0  }
0x38: {  	v4 =	vand.u32 $0x7FF, v62;
	v3 =	vshll.u32 v3, $0x10;
	v0 =	vld.msk [tilespmem:s17+$0x0 ss:$0x1], $0xffff;
	v2 =	vand.u32 $0x1F, v2  }
0x39: {  	v4 =	vsel vm1, $0xFFFFFFFF, v4;
	v3 =	vand.u32 $0x10000, v3;
	v2 =	vsel vm1, $0xFFFFFFFF, v2  }
0x3a: {  	s31 =	sshll.u32 s12, $0xB;
	v63 =	vand.u32 $0x7F, v4;
	v3 =	vsel vm1, $0xFFFF0000, v3;
	v6 =	vshll.u32 v2, $0xB  }
0x3b: {  	s14 =	sor.u32 $0x1000, s14;
	s15 =	sand.u32 $0x800, s31;
	v4 =	vshll.u32 v4, $0x3;
	(ifvalue) =	ssetifvalue $0x7FFFFFFF;
	v3 =	vor.u32 v3, v63;
	v6 =	vand.u32 $0xFFFFC000, v6  }
0x3c: {  	v4 =	vand.u32 $0xFFFFFC00, v4;
	[tilespmem:s14], [sflag:$0x1] =	stream.indirect_vreg.gather [hbm4b:s3+s10], $0x1, v1, vm0, $0x4038;
	v1 =	vshll.u32 v2, $0x7;
	v2 =	vadd.s32 v6, v3;
	[tilespmem:$0x2000] =	vst v63  }
0x3d: {  	s16 =	simm.s32 $0x20;
	s15 =	sor.u32 $0x1000, s15;
	s17 =	sadd.s32 $0x10, s17;
	vm1 =	veq.s32 v0, $0x80000000;
	v1 =	vand.u32 $0x380, v1;
	v2 =	vadd.s32 v4, v2  }
.LBB2_3:
0x3e: {  	v3 =	vld.msk [tilespmem:s17+$0x0 ss:$0x1], $0xffff;
	v4 =	vshrl.u32 v0, $0x1;
	v5 =	vshrl.u32 v0, $0x6;
	v1 =	vor.u32 v1, v2;
	s16 =	sadd.s32 $0x10, s16  }
0x3f: {  	v0 =	vshll.u32 v0, $0x10;
	v2 =	vand.u32 $0x1F, v4;
	v4 =	vand.u32 $0x7FF, v5;
	p1 =	slt.u32 s16, $0x7F0  }
.Ltmp3:
0x40: {  	v0 =	vand.u32 $0x10000, v0;
	v2 =	vsel vm1, $0xFFFFFFFF, v2;
	v4 =	vsel vm1, $0xFFFFFFFF, v4;
	(pc) =	sbr.rel @p1 .LBB2_3-.Ltmp3, $4  }
0x41: {  	v0 =	vsel vm1, $0xFFFF0000, v0;
	v5 =	vand.u32 $0x7F, v4;
	v6 =	vshll.u32 v2, $0xB  }
0x42: {  	s14 =	sadd.s32 $0x10, s14;
	v4 =	vshll.u32 v4, $0x3;
	v6 =	vand.u32 $0xFFFFC000, v6;
	v7 =	vor.u32 v0, v5;
	(ifvalue) =	ssetifvalue $0x7FFFFFFF  }
0x43: {  	v2 =	vshll.u32 v2, $0x7;
	v4 =	vand.u32 $0xFFFFFC00, v4;
	v5 =	vadd.s32 v6, v7;
	[tilespmem:s14], [sflag:$0x1] =	stream.indirect_vreg.gather [hbm4b:s3+s10], $0x1, v1, vm0, $0x4038;
	[tilespmem:$0x2000] =	vst v63  }
0x44: {  	s17 =	sadd.s32 $0x10, s17;
	vm1 =	veq.s32 v3, $0x80000000;
	v1 =	vand.u32 $0x380, v2;
	v0 =	vmovc v3;
	v2 =	vadd.s32 v4, v5  }
.Ltmp4:
0x45: {  	_ = 	snop;
	(pc) =	sbr.rel .LBB2_4-.Ltmp4, $1  }
0x46: {  	_ =	sdelay $0x3  }
.LBB2_6:
0x47: {  	_ =	sfence.sel $0x180000  }
0x48: {  	s2 =	simm.s32 $0x2;
	[bflag:$0x0] =	sbarrier.arrive $0xFFFF  }
0x49: {  	s30 =	simm.s32 $0x3;
	[sflag:s2] =	ssyncpa.u1 $0x1  }
0x4a: {  	s31 =	simm.s32 $0x1;
	[sflag:s30] =	ssyncpa.u1 $0x1  }
0x4b: {  	[sflag:s31] =	ssyncpa.u1 $0x1  }
0x4c: {  	p0 =	sne.s32 s1, $0x0;
	_ =	strace $0x90000047  }
0x4d: {  	s0 =	sadd.s32 @!p0 $0x100000, s0;
	[bflag:$0x2] =	sbarrier.arrive $0xFFFF  }
0x4e: {  	[sflag:s0] =	ssyncadd.tile.s32 @!p0 $0x1;
	_ =	shalt  }
.Lfunc_end2:
_tile_overlayer_lowered:
.L_overlay_start_2:
0x4f: {  	(tag) =	ssettag $0x2  }
0x50: {  	s0 =	rddreg [dreg:$0x0];
	s2 =	stileid.u32  }
0x51: {  	s1 =	rddreg [dreg:$0x1];
	p0 =	sne.s32 s2, $0x0  }
0x52: {  	s3 =	rddreg [dreg:$0x2];
	[bflag:$0x3] =	sbarrier.arrive $0xFFFF;
	s2 =	simm.s32 @!p0 $0x1C01  }
0x53: {  	[timem:s3], [sflag:s2] =	dma.local @!p0 [hbm:s0], s1  }
0x54: {  	s0 =	simm.s32 @!p0 $0x1  }
0x55: {  	_ =	swait.ge @!p0 [sflag:s0], s1  }
0x56: {  	s1 =	ssub.s32 @!p0 $0x0, s1;
	[sflag:s0] =	ssyncset.done @!p0 $0x0  }
0x57: {  	[sflag:s0] =	ssyncadd.s32 @!p0 s1  }
0x58: {  	[bflag:$0x3] =	sbarrier.arrive $0xFFFF  }
0x59: {  	_ =	shalt  }

// kernel: kernel.11.cloned.1.call-start
scs
__scs_entry_jumppad:
0x0: {  	(pc) =	sbr.rel $0x88, $3  }
0x1: {  	(tag) =	ssettag $0x0;
	lr =	simm.s32 $0x1  }
0x2: {  	[smem:$0x3F9B] =	sst lr;
	_ =	strace $0xD0000000  }
0x3: {  	_ = 	snop  }
0x4: {  	_ = 	snop  }
0x5: {  	_ = 	snop  }
0x6: {  	_ = 	snop  }
0x7: {  	_ = 	snop  }
__scs_overlays_trampoline_lowered:
0x8: {  	[smem:$0x3FAA] =	sst s0  }
0x9: {  	[smem:$0x3FAB] =	sst s1  }
0xa: {  	[smem:$0x3FAC] =	sst s2  }
0xb: {  	[smem:$0x3FAD] =	sst s3  }
0xc: {  	[smem:$0x3FAE] =	sst s4  }
0xd: {  	[smem:$0x3FAF] =	sst s5  }
0xe: {  	[smem:$0x3FB0] =	sst s6  }
0xf: {  	[smem:$0x3FB1] =	sst s7  }
0x10: {  	[smem:$0x3FB2] =	sst s8  }
0x11: {  	[smem:$0x3FB3] =	sst s9;
	s0 =	simm.s32 @!p0 $0x0  }
0x12: {  	s1 =	sld [smem:$0x3F99];
	s0 =	simm.s32 @p0 $0x1  }
0x13: {  	[smem:$0x3FB4] =	sst s0;
	s0 =	simm.s32 @!p1 $0x0  }
0x14: {  	s2 =	sld [smem:$0x3F98];
	s0 =	simm.s32 @p1 $0x1  }
0x15: {  	[smem:$0x3FB5] =	sst s0;
	s0 =	simm.s32 @!p2 $0x0  }
0x16: {  	s3 =	sld [smem:$0x3FDB];
	s0 =	simm.s32 @p2 $0x1  }
0x17: {  	s4 =	simm.s32 $0x1BF5;
	[smem:$0x3FB7] =	sst s0  }
0x18: {  	s0 =	sld [smem:$0x3F9A];
	_ =	swait.ge [sflag:s4], $0x0  }
0x19: {  	s7 =	sld [smem:$0x3F9B]  }
0x1a: {  	s8 =	sadd.s32 $0xFFFFE003, lr  }
0x1b: {  	s9 =	sadd.s32 $0xFFFFFEF7, lr;
	s5 =	simm.s32 $0xFFFFFFFF;
	p2 =	slt.u32 s8, $0xFFFFF086  }
0x1c: {  	p1 =	slt.u32 s9, $0xF7A;
	s5 =	simm.s32 @!p2 $0x0  }
0x1d: {  	s5 =	simm.s32 @p1 $0x1;
	p0 =	seq.s32 s7, s2  }
0x1e: {  	s7 =	smul.u32 @!p0 $0xF7A, s2;
	p2 =	seq.s32 @!p0 s5, $0x0  }
0x1f: {  	s9 =	smul.u32 $0xF7A, s1;
	s8 =	simm.s32 @!p0 $0x1BF5;
	p2 =	por !p2, p0  }
0x20: {  	[sflag:s8] =	ssyncset.s32 @!p0 $0xFFFFF086;
	s6 =	sadd.s32 @!p0 s3, s7;
	s7 =	simm.s32 @!p0 $0x108  }
0x21: {  	s3 =	sadd.s32 s3, s9;
	s6 =	sadd.s32 @!p0 $0x88, s6;
	s7 =	simm.s32 @p2 $0x1082  }
0x22: {  	[simem:s7], [sflag:s8] =	dma.local @!p0 [hbm:s6], $0xF7A  }
0x23: {  	s9 =	sor.u32 $0xD0000000, s2;
	s6 =	simm.s32 $0x108;
	_ =	swait.ge @!p0 [sflag:s8], $0x0  }
0x24: {  	s3 =	sadd.s32 $0x88, s3;
	s6 =	simm.s32 @!p1 $0x1082;
	[sflag:s4] =	ssyncset.s32 $0xFFFFF086  }
0x25: {  	[simem:s6], [sflag:s4] =	dma.local [hbm:s3], $0xF7A  }
0x26: {  	[smem:$0x3F9B] =	sst s1;
	(tag) =	ssettag s2;
	_ =	strace s9  }
0x27: {  	s1 =	sld [smem:$0x3FAB]  }
0x28: {  	s2 =	sld [smem:$0x3FAC]  }
0x29: {  	s4 =	sld [smem:$0x3FAE]  }
0x2a: {  	p0 =	seq.s32 s5, $0x0;
	s5 =	sld [smem:$0x3FAF]  }
0x2b: {  	s6 =	sld [smem:$0x3FB0]  }
0x2c: {  	s7 =	sld [smem:$0x3FB1]  }
0x2d: {  	s3 =	simm.s32 $0x108;
	s8 =	sld [smem:$0x3FB2]  }
0x2e: {  	s3 =	simm.s32 @!p0 $0x1082;
	s9 =	sld [smem:$0x3FB3]  }
0x2f: {  	lr =	sadd.s32 s0, s3;
	s0 =	sld [smem:$0x3FAA]  }
0x30: {  	s3 =	sld [smem:$0x3FAD]  }
0x31: {  	[smem:$0x3FB6] =	sst s10  }
0x32: {  	s10 =	sld [smem:$0x3FB4];
	_ =	sdelay $0x3  }
0x33: {  	p0 =	seq.s32 s10, $0x1;
	s10 =	sld [smem:$0x3FB6];
	_ =	sdelay $0x3  }
0x34: {  	[smem:$0x3FB6] =	sst s10  }
0x35: {  	s10 =	sld [smem:$0x3FB5];
	_ =	sdelay $0x3  }
0x36: {  	p1 =	seq.s32 s10, $0x1;
	s10 =	sld [smem:$0x3FB6];
	_ =	sdelay $0x3  }
0x37: {  	[smem:$0x3FB6] =	sst s10  }
0x38: {  	s10 =	sld [smem:$0x3FB7]  }
0x39: {  	_ = 	snop;
	(pc) =	sbr.ind lr, $3  }
0x3a: {  	_ = 	snop  }
0x3b: {  	_ = 	snop  }
0x3c: {  	p2 =	seq.s32 s10, $0x1;
	s10 =	sld [smem:$0x3FB6]  }
0x3d: {  	_ =	shalt  }
0x3e: {  	_ =	shalt  }
0x3f: {  	_ =	shalt  }
0x40: {  	_ =	shalt  }
0x41: {  	_ =	shalt  }
0x42: {  	_ =	shalt  }
0x43: {  	_ =	shalt  }
0x44: {  	_ =	shalt  }
0x45: {  	_ =	shalt  }
0x46: {  	_ =	shalt  }
0x47: {  	_ =	shalt  }
0x48: {  	_ =	shalt  }
0x49: {  	_ =	shalt  }
0x4a: {  	_ =	shalt  }
0x4b: {  	_ =	shalt  }
0x4c: {  	_ =	shalt  }
0x4d: {  	_ =	shalt  }
0x4e: {  	_ =	shalt  }
0x4f: {  	_ =	shalt  }
0x50: {  	_ =	shalt  }
0x51: {  	_ =	shalt  }
0x52: {  	_ =	shalt  }
0x53: {  	_ =	shalt  }
0x54: {  	_ =	shalt  }
0x55: {  	_ =	shalt  }
0x56: {  	_ =	shalt  }
0x57: {  	_ =	shalt  }
0x58: {  	_ =	shalt  }
0x59: {  	_ =	shalt  }
0x5a: {  	_ =	shalt  }
0x5b: {  	_ =	shalt  }
0x5c: {  	_ =	shalt  }
0x5d: {  	_ =	shalt  }
0x5e: {  	_ =	shalt  }
0x5f: {  	_ =	shalt  }
0x60: {  	_ =	shalt  }
0x61: {  	_ =	shalt  }
0x62: {  	_ =	shalt  }
0x63: {  	_ =	shalt  }
0x64: {  	_ =	shalt  }
0x65: {  	_ =	shalt  }
0x66: {  	_ =	shalt  }
0x67: {  	_ =	shalt  }
0x68: {  	_ =	shalt  }
0x69: {  	_ =	shalt  }
0x6a: {  	_ =	shalt  }
0x6b: {  	_ =	shalt  }
0x6c: {  	_ =	shalt  }
0x6d: {  	_ =	shalt  }
0x6e: {  	_ =	shalt  }
0x6f: {  	_ =	shalt  }
0x70: {  	_ =	shalt  }
0x71: {  	_ =	shalt  }
0x72: {  	_ =	shalt  }
0x73: {  	_ =	shalt  }
0x74: {  	_ =	shalt  }
0x75: {  	_ =	shalt  }
0x76: {  	_ =	shalt  }
0x77: {  	_ =	shalt  }
0x78: {  	_ =	shalt  }
0x79: {  	_ =	shalt  }
0x7a: {  	_ =	shalt  }
0x7b: {  	_ =	shalt  }
0x7c: {  	_ =	shalt  }
0x7d: {  	_ =	shalt  }
0x7e: {  	_ =	shalt  }
0x7f: {  	_ =	shalt  }
0x80: {  	_ =	shalt  }
0x81: {  	_ =	shalt  }
0x82: {  	_ =	shalt  }
0x83: {  	_ =	shalt  }
0x84: {  	_ =	shalt  }
0x85: {  	_ =	shalt  }
0x86: {  	_ =	shalt  }
0x87: {  	_ =	shalt  }
.Lfunc_end0:
.L_simem_size_0:
called_computation.3_lowered:
.L_overlay_start_0:
0x88: {  	s2 =	sld [smem:$0x3FD9]  }
0x89: {  	s3 =	sld [smem:$0x3FFE];
	_ =	sdelay $0x1  }
0x8a: {  	s1 =	srdreg.scid  }
0x8b: {  	s0 =	sand.u32 $0x1, s1  }
0x8c: {  	s17 =	sshll.u32 s0, $0xA;
	s2 =	sadd.s32 s3, s2  }
0x8d: {  	s2 =	sadd.s32 s2, s17  }
0x8e: {  	[smem:$0x3FC2] =	sst s2  }
0x8f: {  	_ = 	snop  }
0x90: {  	(tm) =	ssettm $0x1  }
0x91: {  	s18 =	sld [smem:$0x3FFB];
	_ =	sdelay $0x3  }
0x92: {  	_ =	strace s18  }
0x93: {  	s2 =	sld [smem:$0x3FFC];
	_ =	sdelay $0x3  }
0x94: {  	_ =	strace s2  }
0x95: {  	s2 =	sld [smem:$0x3FFD];
	_ =	sdelay $0x3  }
0x96: {  	_ =	strace s2  }
0x97: {  	_ =	strace $0x8FFFFFFF  }
0x98: {  	s19 =	sld [smem:$0x3FDB];
	_ =	sdelay $0x1  }
0x99: {  	s20 =	simm.s32 $_scs_section_size  }
0x9a: {  	s4 =	simm.s32 $_size__tile_overlayer_lowered;
	s5 =	simm.s32 $_tile_overlayer_lowered  }
0x9b: {  	s6 =	simm.s32 $0x1BFF;
	s21 =	sshll.u32 s5, $0x1;
	s3 =	sadd.s32 s20, s19  }
0x9c: {  	s22 =	simm.s32 $0x0;
	s4 =	sshll.u32 s4, $0x1;
	s5 =	sadd.s32 s21, s3  }
0x9d: {  	[timem:s22], [sflag:s6] =	dma.local [hbm:s5], s4  }
0x9e: {  	_ =	swait.ge [sflag:s6], s4  }
0x9f: {  	s4 =	ssub.s32 $0x0, s4;
	[sflag:s6] =	ssyncset.done $0x0  }
0xa0: {  	[sflag:s6] =	ssyncadd.s32 s4;
	_ =	sdelay $0x1  }
0xa1: {  	s23 =	simm.s32 $0x1B8B  }
0xa2: {  	_ =	swait.ge [sflag:s23], $0x1  }
0xa3: {  	[sflag:s23] =	ssyncset.done $0x0  }
0xa4: {  	[sflag:s23] =	ssyncadd.s32 $0xFFFFFFFF  }
0xa5: {  	s4 =	sld [smem:$0x0]  }
0xa6: {  	s5 =	sand.u32 $0xFFFFFFFE, s1  }
0xa7: {  	p0 =	sne.s32 s1, s5  }
0xa8: {  	s5 =	sshll.u32 @p0 s5, $0xE  }
0xa9: {  	s5 =	sadd.s32 @p0 $0x11B8D, s5;
	s6 =	sshll.u32 @p0 s4, $0x11  }
0xaa: {  	s5 =	sor.u32 @p0 s6, s5  }
0xab: {  	[sflag:s5] =	ssyncadd.remote.s32 @p0 $0x1;
	_ =	sdelay $0x1  }
0xac: {  	s5 =	simm.s32 @p0 $0x1B8D  }
0xad: {  	_ =	swait.eq @p0 [sflag:s5], $0x1  }
0xae: {  	[sflag:s5] =	ssyncadd.s32 @p0 $0xFFFFFFFF  }
0xaf: {  	s6 =	sshll.u32 @!p0 s1, $0xE  }
0xb0: {  	s6 =	sor.u32 @!p0 $0x4000, s6;
	s5 =	simm.s32 @!p0 $0x1B8D  }
0xb1: {  	s4 =	sshll.u32 @!p0 s4, $0x11;
	s6 =	sadd.s32 @!p0 $0x11B8D, s6;
	_ =	swait.eq @!p0 [sflag:s5], $0x1  }
0xb2: {  	s4 =	sor.u32 @!p0 s4, s6;
	[sflag:s5] =	ssyncadd.s32 @!p0 $0xFFFFFFFF  }
0xb3: {  	s25 =	simm.s32 $0x1B8E;
	s24 =	sld [smem:$0x3FFE];
	[sflag:s4] =	ssyncadd.remote.s32 @!p0 $0x1  }
0xb4: {  	s26 =	simm.s32 $execute0_lowered;
	[smem:$0x3FD2] =	sst s25  }
0xb5: {  	s5 =	sshll.u32 s26, $0x1;
	_ =	strace $0x8000004C;
	[dreg:$0x1] =	wrdreg $0xFFFFFFFF  }
0xb6: {  	s28 =	simm.s32 $_size_execute0_lowered;
	s3 =	sadd.s32 s3, s5;
	[dreg:$0x0] =	wrdreg $0x0  }
0xb7: {  	s5 =	sshll.u32 s28, $0x1;
	[dreg:$0x2] =	wrdreg s3  }
0xb8: {  	[dreg:$0x3] =	wrdreg s5  }
0xb9: {  	[dreg:$0x4] =	wrdreg $0xC0  }
0xba: {  	_ =	task [dreg:s22], $0x5FFFF  }
0xbb: {  	[dreg:$0x1] =	wrdreg $0xFFFFFFFF  }
0xbc: {  	[dreg:$0x0] =	wrdreg $0x60  }
0xbd: {  	[dreg:$0x2] =	wrdreg s24  }
0xbe: {  	[dreg:$0x3] =	wrdreg $0xC  }
0xbf: {  	_ =	task.clear_ibuf [dreg:s22], $0x4FFFF;
	_ =	strace $0x9000004C  }
0xc0: {  	s29 =	simm.s32 $0xC;
	_ =	strace $0x8000004E  }
0xc1: {  	_ =	swait.ge [sflag:s29], $0x1  }
0xc2: {  	[sflag:s29] =	ssyncadd.s32 $0xFFFFFFFF  }
0xc3: {  	_ =	strace $0x9000004E  }
0xc4: {  	_ =	sfence  }
0xc5: {  	s30 =	sld [smem:$0x0];
	_ =	sdelay $0x2  }
0xc6: {  	s31 =	sshll.u32 s1, $0xD;
	s1 =	sshrl.u32 s1, $0x2  }
0xc7: {  	s4 =	sand.u32 $0x4000, s31;
	s1 =	sadd.s32 s1, s30  }
0xc8: {  	s0 =	sor.u32 s4, s0;
	s1 =	sshll.u32 s1, $0x11  }
0xc9: {  	s0 =	sor.u32 s1, s0  }
0xca: {  	s0 =	sadd.s32 $0x8F2B, s0  }
0xcb: {  	[sflag:s0] =	ssyncadd.remote.s32 $0x1  }
0xcc: {  	_ =	sfence.sel $0xFFFF  }
0xcd: {  	[dreg:$0x0] =	wrdreg $0xFFFFFFFF;
	(pc) =	sbr.abs _section_cstart, $3  }
0xce: {  	[dreg:$0x1] =	wrdreg $0xFFFFFFFF  }
0xcf: {  	_ =	task.clear_ibuf [dreg:s22], $0x2FFFF;
	_ =	strace $0x9FFFFFFF  }
0xd0: {  	(tm) =	ssettm $0x7FFFFFFF  }
0xd1: {  	_ =	shalt  }
tec
execute0_lowered:
.L_overlay_start_1:
0x0: {  	(tag) =	ssettag $0x1  }
0x1: {  	s4 =	rddreg [dreg:$0x0]  }
0x2: {  	s0 =	rddreg [dreg:$0x1];
	s2 =	simm.s32 $0x0;
	s3 =	srdreg.scid  }
0x3: {  	s1 =	stileid.u32;
	s10 =	simm.s32 $0x0;
	[smem:$0x7FF] =	sst s2  }
0x4: {  	s5 =	sand.u32 $0x1, s3;
	s6 =	sshll.u32 s1, $0xD;
	s3 =	sadd.s32 $0x404200, s4  }
0x5: {  	s8 =	sshll.u32 s1, $0x11;
	_ =	strace $0x8000004D;
	s7 =	sshll.u32 s5, $0xC  }
0x6: {  	s31 =	ssub.s32 $0x2, s5;
	s8 =	sadd.s32 s8, s4;
	s5 =	sshll.u32 s5, $0x10  }
0x7: {  	s6 =	sor.u32 s7, s6;
	s9 =	sshrl.u32 s31, $0x1;
	s5 =	sadd.s32 s5, s8  }
0x8: {  	s8 =	simm.s32 $0x80;
	s6 =	sshrl.u32 s6, $0x3;
	s7 =	ssub.s32 s31, s9  }
0x9: {  	s5 =	sadd.s32 $0x504200, s5;
	s9 =	simm.s32 $0x1;
	s6 =	sadd.s32 s6, s4  }
0xa: {  	s4 =	smax.u32 s7, $0x1;
	s7 =	simm.s32 $0x2;
	s6 =	sadd.s32 $0xA0200, s6  }
.LBB2_1:
0xb: {  	s11 =	sadd.s32 $0x0, s6  }
0xc: {  	[tilespmem:s2], [sflag:$0x2] =	stream.linear.gather [hbm4b:s11+s2], $0x80, $0x38;
	[tilespmem:$0x4080] =	vst v63  }
0xd: {  	_ =	swait.ge [sflag:s7], $0x80  }
0xe: {  	[sflag:s7] =	ssyncset.done $0x0  }
0xf: {  	[sflag:s7] =	ssyncadd.s32 $0xFFFFFF80  }
0x10: {  	[tilespmem:s8], [sflag:$0x1] =	stream.indirect.gather [hbm4b:s3+s8], $0x80, s2, s8, $0xb8;
	[tilespmem:$0x4080] =	vst v63  }
0x11: {  	_ =	swait.ge [sflag:s9], $0x4000  }
0x12: {  	[sflag:s9] =	ssyncset.done $0x0  }
0x13: {  	[sflag:s9] =	ssyncadd.s32 $0xFFFFC000  }
0x14: {  	[hbm4b:s5+s2] =	stream.linear.scatter [tilespmem:s8], [sflag:$0x2], $0x4000, $0x38;
	[tilespmem:$0x4080] =	vst v63  }
0x15: {  	s12 =	simm.s32 $0x10;
	_ =	swait.ge [sflag:s7], $0x4000  }
0x16: {  	s13 =	simm.s32 $0x20;
	s11 =	sadd.s32 $0x800, s5;
	[sflag:s7] =	ssyncset.done $0x0  }
.LBB2_2:
0x17: {  	s14 =	sadd.s32 s12, s6  }
0x18: {  	[sflag:s7] =	ssyncadd.s32 $0xFFFFC000;
	s12 =	smov.u32 s13;
	s15 =	sadd.s32 $0x10, s13  }
0x19: {  	[tilespmem:s2], [sflag:$0x2] =	stream.linear.gather [hbm4b:s14+s2], $0x80, $0x38;
	[tilespmem:$0x4080] =	vst v63  }
0x1a: {  	p0 =	sne.s32 s13, $0x1F0;
	_ =	swait.ge [sflag:s7], $0x80  }
0x1b: {  	[sflag:s7] =	ssyncset.done $0x0  }
0x1c: {  	[sflag:s7] =	ssyncadd.s32 $0xFFFFFF80  }
0x1d: {  	[tilespmem:s8], [sflag:$0x1] =	stream.indirect.gather [hbm4b:s3+s8], $0x80, s2, s8, $0xb8;
	[tilespmem:$0x4080] =	vst v63  }
0x1e: {  	_ =	swait.ge [sflag:s9], $0x4000  }
.Ltmp0:
0x1f: {  	[sflag:s9] =	ssyncset.done $0x0;
	(pc) =	sbr.rel @p0 .LBB2_2-.Ltmp0, $4  }
0x20: {  	[sflag:s9] =	ssyncadd.s32 $0xFFFFC000  }
0x21: {  	[hbm4b:s11+s2] =	stream.linear.scatter [tilespmem:s8], [sflag:$0x2], $0x4000, $0x38;
	[tilespmem:$0x4080] =	vst v63  }
0x22: {  	_ =	swait.ge [sflag:s7], $0x4000  }
0x23: {  	s13 =	smov.u32 s15;
	s11 =	sadd.s32 $0x800, s11;
	[sflag:s7] =	ssyncset.done $0x0  }
0x24: {  	s12 =	sadd.s32 s12, s6;
	[sflag:s7] =	ssyncadd.s32 $0xFFFFC000  }
0x25: {  	[tilespmem:s2], [sflag:$0x2] =	stream.linear.gather [hbm4b:s12+s2], $0x80, $0x38;
	[tilespmem:$0x4080] =	vst v63  }
0x26: {  	_ =	swait.ge [sflag:s7], $0x80  }
0x27: {  	[sflag:s7] =	ssyncset.done $0x0  }
0x28: {  	[sflag:s7] =	ssyncadd.s32 $0xFFFFFF80  }
0x29: {  	[tilespmem:s8], [sflag:$0x1] =	stream.indirect.gather [hbm4b:s3+s8], $0x80, s2, s8, $0xb8;
	[tilespmem:$0x4080] =	vst v63  }
0x2a: {  	s10 =	sadd.s32 $0x1, s10;
	_ =	swait.ge [sflag:s9], $0x4000  }
0x2b: {  	p0 =	sne.s32 s10, s4;
	[sflag:s9] =	ssyncset.done $0x0  }
.Ltmp1:
0x2c: {  	[sflag:s9] =	ssyncadd.s32 $0xFFFFC000;
	(pc) =	sbr.rel @p0 .LBB2_1-.Ltmp1, $4  }
0x2d: {  	[hbm4b:s11+s2] =	stream.linear.scatter [tilespmem:s8], [sflag:$0x2], $0x4000, $0x38;
	[tilespmem:$0x4080] =	vst v63  }
0x2e: {  	_ =	swait.ge [sflag:s7], $0x4000  }
0x2f: {  	[sflag:s7] =	ssyncset.done $0x0  }
0x30: {  	[sflag:s7] =	ssyncadd.s32 $0xFFFFC000  }
0x31: {  	_ =	sfence.sel $0x180000  }
0x32: {  	[bflag:$0x0] =	sbarrier.arrive $0xFFFF  }
0x33: {  	p0 =	sne.s32 s1, $0x0;
	_ =	strace $0x9000004D  }
0x34: {  	s0 =	sadd.s32 @!p0 $0x100000, s0;
	[bflag:$0x2] =	sbarrier.arrive $0xFFFF  }
0x35: {  	[sflag:s0] =	ssyncadd.tile.s32 @!p0 $0x1;
	_ =	shalt  }
.Lfunc_end2:
_tile_overlayer_lowered:
.L_overlay_start_2:
0x36: {  	(tag) =	ssettag $0x2  }
0x37: {  	s0 =	rddreg [dreg:$0x0];
	s2 =	stileid.u32  }
0x38: {  	s1 =	rddreg [dreg:$0x1];
	p0 =	sne.s32 s2, $0x0  }
0x39: {  	s3 =	rddreg [dreg:$0x2];
	[bflag:$0x3] =	sbarrier.arrive $0xFFFF;
	s2 =	simm.s32 @!p0 $0x1C02  }
0x3a: {  	[timem:s3], [sflag:s2] =	dma.local @!p0 [hbm:s0], s1  }
0x3b: {  	s0 =	simm.s32 @!p0 $0x2  }
0x3c: {  	_ =	swait.ge @!p0 [sflag:s0], s1  }
0x3d: {  	s1 =	ssub.s32 @!p0 $0x0, s1;
	[sflag:s0] =	ssyncset.done @!p0 $0x0  }
0x3e: {  	[sflag:s0] =	ssyncadd.s32 @!p0 s1  }
0x3f: {  	[bflag:$0x3] =	sbarrier.arrive $0xFFFF  }
0x40: {  	_ =	shalt  }

// kernel: kernel.14.cloned.1.call-start
scs
__scs_entry_jumppad:
0x0: {  	(pc) =	sbr.rel $0x88, $3  }
0x1: {  	(tag) =	ssettag $0x0;
	lr =	simm.s32 $0x1  }
0x2: {  	[smem:$0x3F9B] =	sst lr;
	_ =	strace $0xD0000000  }
0x3: {  	_ = 	snop  }
0x4: {  	_ = 	snop  }
0x5: {  	_ = 	snop  }
0x6: {  	_ = 	snop  }
0x7: {  	_ = 	snop  }
__scs_overlays_trampoline_lowered:
0x8: {  	[smem:$0x3FAA] =	sst s0  }
0x9: {  	[smem:$0x3FAB] =	sst s1  }
0xa: {  	[smem:$0x3FAC] =	sst s2  }
0xb: {  	[smem:$0x3FAD] =	sst s3  }
0xc: {  	[smem:$0x3FAE] =	sst s4  }
0xd: {  	[smem:$0x3FAF] =	sst s5  }
0xe: {  	[smem:$0x3FB0] =	sst s6  }
0xf: {  	[smem:$0x3FB1] =	sst s7  }
0x10: {  	[smem:$0x3FB2] =	sst s8  }
0x11: {  	[smem:$0x3FB3] =	sst s9;
	s0 =	simm.s32 @!p0 $0x0  }
0x12: {  	s1 =	sld [smem:$0x3F99];
	s0 =	simm.s32 @p0 $0x1  }
0x13: {  	[smem:$0x3FB4] =	sst s0;
	s0 =	simm.s32 @!p1 $0x0  }
0x14: {  	s2 =	sld [smem:$0x3F98];
	s0 =	simm.s32 @p1 $0x1  }
0x15: {  	[smem:$0x3FB5] =	sst s0;
	s0 =	simm.s32 @!p2 $0x0  }
0x16: {  	s3 =	sld [smem:$0x3FDB];
	s0 =	simm.s32 @p2 $0x1  }
0x17: {  	s4 =	simm.s32 $0x1BF5;
	[smem:$0x3FB7] =	sst s0  }
0x18: {  	s0 =	sld [smem:$0x3F9A];
	_ =	swait.ge [sflag:s4], $0x0  }
0x19: {  	s7 =	sld [smem:$0x3F9B]  }
0x1a: {  	s8 =	sadd.s32 $0xFFFFE003, lr  }
0x1b: {  	s9 =	sadd.s32 $0xFFFFFEF7, lr;
	s5 =	simm.s32 $0xFFFFFFFF;
	p2 =	slt.u32 s8, $0xFFFFF086  }
0x1c: {  	p1 =	slt.u32 s9, $0xF7A;
	s5 =	simm.s32 @!p2 $0x0  }
0x1d: {  	s5 =	simm.s32 @p1 $0x1;
	p0 =	seq.s32 s7, s2  }
0x1e: {  	s7 =	smul.u32 @!p0 $0xF7A, s2;
	p2 =	seq.s32 @!p0 s5, $0x0  }
0x1f: {  	s9 =	smul.u32 $0xF7A, s1;
	s8 =	simm.s32 @!p0 $0x1BF5;
	p2 =	por !p2, p0  }
0x20: {  	[sflag:s8] =	ssyncset.s32 @!p0 $0xFFFFF086;
	s6 =	sadd.s32 @!p0 s3, s7;
	s7 =	simm.s32 @!p0 $0x108  }
0x21: {  	s3 =	sadd.s32 s3, s9;
	s6 =	sadd.s32 @!p0 $0x88, s6;
	s7 =	simm.s32 @p2 $0x1082  }
0x22: {  	[simem:s7], [sflag:s8] =	dma.local @!p0 [hbm:s6], $0xF7A  }
0x23: {  	s9 =	sor.u32 $0xD0000000, s2;
	s6 =	simm.s32 $0x108;
	_ =	swait.ge @!p0 [sflag:s8], $0x0  }
0x24: {  	s3 =	sadd.s32 $0x88, s3;
	s6 =	simm.s32 @!p1 $0x1082;
	[sflag:s4] =	ssyncset.s32 $0xFFFFF086  }
0x25: {  	[simem:s6], [sflag:s4] =	dma.local [hbm:s3], $0xF7A  }
0x26: {  	[smem:$0x3F9B] =	sst s1;
	(tag) =	ssettag s2;
	_ =	strace s9  }
0x27: {  	s1 =	sld [smem:$0x3FAB]  }
0x28: {  	s2 =	sld [smem:$0x3FAC]  }
0x29: {  	s4 =	sld [smem:$0x3FAE]  }
0x2a: {  	p0 =	seq.s32 s5, $0x0;
	s5 =	sld [smem:$0x3FAF]  }
0x2b: {  	s6 =	sld [smem:$0x3FB0]  }
0x2c: {  	s7 =	sld [smem:$0x3FB1]  }
0x2d: {  	s3 =	simm.s32 $0x108;
	s8 =	sld [smem:$0x3FB2]  }
0x2e: {  	s3 =	simm.s32 @!p0 $0x1082;
	s9 =	sld [smem:$0x3FB3]  }
0x2f: {  	lr =	sadd.s32 s0, s3;
	s0 =	sld [smem:$0x3FAA]  }
0x30: {  	s3 =	sld [smem:$0x3FAD]  }
0x31: {  	[smem:$0x3FB6] =	sst s10  }
0x32: {  	s10 =	sld [smem:$0x3FB4];
	_ =	sdelay $0x3  }
0x33: {  	p0 =	seq.s32 s10, $0x1;
	s10 =	sld [smem:$0x3FB6];
	_ =	sdelay $0x3  }
0x34: {  	[smem:$0x3FB6] =	sst s10  }
0x35: {  	s10 =	sld [smem:$0x3FB5];
	_ =	sdelay $0x3  }
0x36: {  	p1 =	seq.s32 s10, $0x1;
	s10 =	sld [smem:$0x3FB6];
	_ =	sdelay $0x3  }
0x37: {  	[smem:$0x3FB6] =	sst s10  }
0x38: {  	s10 =	sld [smem:$0x3FB7]  }
0x39: {  	_ = 	snop;
	(pc) =	sbr.ind lr, $3  }
0x3a: {  	_ = 	snop  }
0x3b: {  	_ = 	snop  }
0x3c: {  	p2 =	seq.s32 s10, $0x1;
	s10 =	sld [smem:$0x3FB6]  }
0x3d: {  	_ =	shalt  }
0x3e: {  	_ =	shalt  }
0x3f: {  	_ =	shalt  }
0x40: {  	_ =	shalt  }
0x41: {  	_ =	shalt  }
0x42: {  	_ =	shalt  }
0x43: {  	_ =	shalt  }
0x44: {  	_ =	shalt  }
0x45: {  	_ =	shalt  }
0x46: {  	_ =	shalt  }
0x47: {  	_ =	shalt  }
0x48: {  	_ =	shalt  }
0x49: {  	_ =	shalt  }
0x4a: {  	_ =	shalt  }
0x4b: {  	_ =	shalt  }
0x4c: {  	_ =	shalt  }
0x4d: {  	_ =	shalt  }
0x4e: {  	_ =	shalt  }
0x4f: {  	_ =	shalt  }
0x50: {  	_ =	shalt  }
0x51: {  	_ =	shalt  }
0x52: {  	_ =	shalt  }
0x53: {  	_ =	shalt  }
0x54: {  	_ =	shalt  }
0x55: {  	_ =	shalt  }
0x56: {  	_ =	shalt  }
0x57: {  	_ =	shalt  }
0x58: {  	_ =	shalt  }
0x59: {  	_ =	shalt  }
0x5a: {  	_ =	shalt  }
0x5b: {  	_ =	shalt  }
0x5c: {  	_ =	shalt  }
0x5d: {  	_ =	shalt  }
0x5e: {  	_ =	shalt  }
0x5f: {  	_ =	shalt  }
0x60: {  	_ =	shalt  }
0x61: {  	_ =	shalt  }
0x62: {  	_ =	shalt  }
0x63: {  	_ =	shalt  }
0x64: {  	_ =	shalt  }
0x65: {  	_ =	shalt  }
0x66: {  	_ =	shalt  }
0x67: {  	_ =	shalt  }
0x68: {  	_ =	shalt  }
0x69: {  	_ =	shalt  }
0x6a: {  	_ =	shalt  }
0x6b: {  	_ =	shalt  }
0x6c: {  	_ =	shalt  }
0x6d: {  	_ =	shalt  }
0x6e: {  	_ =	shalt  }
0x6f: {  	_ =	shalt  }
0x70: {  	_ =	shalt  }
0x71: {  	_ =	shalt  }
0x72: {  	_ =	shalt  }
0x73: {  	_ =	shalt  }
0x74: {  	_ =	shalt  }
0x75: {  	_ =	shalt  }
0x76: {  	_ =	shalt  }
0x77: {  	_ =	shalt  }
0x78: {  	_ =	shalt  }
0x79: {  	_ =	shalt  }
0x7a: {  	_ =	shalt  }
0x7b: {  	_ =	shalt  }
0x7c: {  	_ =	shalt  }
0x7d: {  	_ =	shalt  }
0x7e: {  	_ =	shalt  }
0x7f: {  	_ =	shalt  }
0x80: {  	_ =	shalt  }
0x81: {  	_ =	shalt  }
0x82: {  	_ =	shalt  }
0x83: {  	_ =	shalt  }
0x84: {  	_ =	shalt  }
0x85: {  	_ =	shalt  }
0x86: {  	_ =	shalt  }
0x87: {  	_ =	shalt  }
.Lfunc_end0:
.L_simem_size_0:
called_computation.4_lowered:
.L_overlay_start_0:
0x88: {  	s2 =	sld [smem:$0x3FD9]  }
0x89: {  	s3 =	sld [smem:$0x3FFE];
	_ =	sdelay $0x1  }
0x8a: {  	s1 =	srdreg.scid  }
0x8b: {  	s0 =	sand.u32 $0x1, s1  }
0x8c: {  	s16 =	sshll.u32 s0, $0xA;
	s2 =	sadd.s32 s3, s2  }
0x8d: {  	s2 =	sadd.s32 s2, s16  }
0x8e: {  	[smem:$0x3FC2] =	sst s2  }
0x8f: {  	_ = 	snop  }
0x90: {  	(tm) =	ssettm $0x1  }
0x91: {  	s17 =	sld [smem:$0x3FFB];
	_ =	sdelay $0x3  }
0x92: {  	_ =	strace s17  }
0x93: {  	s2 =	sld [smem:$0x3FFC];
	_ =	sdelay $0x3  }
0x94: {  	_ =	strace s2  }
0x95: {  	s2 =	sld [smem:$0x3FFD];
	_ =	sdelay $0x3  }
0x96: {  	_ =	strace s2  }
0x97: {  	_ =	strace $0x8FFFFFFF  }
0x98: {  	s18 =	sld [smem:$0x3FDB];
	_ =	sdelay $0x1  }
0x99: {  	s19 =	simm.s32 $_scs_section_size  }
0x9a: {  	s4 =	simm.s32 $_size__tile_overlayer_lowered;
	s5 =	simm.s32 $_tile_overlayer_lowered  }
0x9b: {  	s22 =	simm.s32 $0x1BFF;
	s21 =	sshll.u32 s5, $0x1;
	s2 =	sadd.s32 s19, s18  }
0x9c: {  	s6 =	simm.s32 $0x0;
	s20 =	sshll.u32 s4, $0x1;
	s4 =	sadd.s32 s21, s2  }
0x9d: {  	[timem:s6], [sflag:s22] =	dma.local [hbm:s4], s20  }
0x9e: {  	_ =	swait.ge [sflag:s22], s20  }
0x9f: {  	s3 =	ssub.s32 $0x0, s20;
	[sflag:s22] =	ssyncset.done $0x0  }
0xa0: {  	[sflag:s22] =	ssyncadd.s32 s3;
	_ =	sdelay $0x1  }
0xa1: {  	s23 =	simm.s32 $0x1B8B  }
0xa2: {  	_ =	swait.ge [sflag:s23], $0x1  }
0xa3: {  	[sflag:s23] =	ssyncset.done $0x0  }
0xa4: {  	s25 =	simm.s32 $0x1B8E;
	s24 =	sld [smem:$0x3FFE];
	[sflag:s23] =	ssyncadd.s32 $0xFFFFFFFF  }
0xa5: {  	s26 =	simm.s32 $execute0_lowered;
	[smem:$0x3FD2] =	sst s25  }
0xa6: {  	s4 =	sshll.u32 s26, $0x1;
	_ =	strace $0x80000052;
	[dreg:$0x1] =	wrdreg $0xFFFFFFFF  }
0xa7: {  	s28 =	simm.s32 $_size_execute0_lowered;
	s2 =	sadd.s32 s2, s4;
	[dreg:$0x0] =	wrdreg $0x0  }
0xa8: {  	s4 =	sshll.u32 s28, $0x1;
	[dreg:$0x2] =	wrdreg s2  }
0xa9: {  	[dreg:$0x3] =	wrdreg s4  }
0xaa: {  	[dreg:$0x4] =	wrdreg $0xC0  }
0xab: {  	_ =	task [dreg:s6], $0x5FFFF  }
0xac: {  	[dreg:$0x1] =	wrdreg $0xFFFFFFFF  }
0xad: {  	[dreg:$0x0] =	wrdreg $0x60  }
0xae: {  	[dreg:$0x2] =	wrdreg s24  }
0xaf: {  	[dreg:$0x3] =	wrdreg $0x9  }
0xb0: {  	_ =	task.clear_ibuf [dreg:s6], $0x4FFFF;
	_ =	strace $0x90000052  }
0xb1: {  	s29 =	simm.s32 $0x9;
	_ =	strace $0x80000054  }
0xb2: {  	_ =	swait.ge [sflag:s29], $0x1  }
0xb3: {  	[sflag:s29] =	ssyncadd.s32 $0xFFFFFFFF  }
0xb4: {  	_ =	strace $0x90000054  }
0xb5: {  	_ =	sfence  }
0xb6: {  	s30 =	sld [smem:$0x0];
	_ =	sdelay $0x2  }
0xb7: {  	s31 =	sshll.u32 s1, $0xD;
	s1 =	sshrl.u32 s1, $0x2  }
0xb8: {  	s3 =	sand.u32 $0x4000, s31;
	s1 =	sadd.s32 s1, s30  }
0xb9: {  	s0 =	sor.u32 s3, s0;
	s1 =	sshll.u32 s1, $0x11  }
0xba: {  	s0 =	sor.u32 s1, s0  }
0xbb: {  	s0 =	sadd.s32 $0x8F2B, s0  }
0xbc: {  	[sflag:s0] =	ssyncadd.remote.s32 $0x1  }
0xbd: {  	_ =	sfence.sel $0xFFFF  }
0xbe: {  	[dreg:$0x0] =	wrdreg $0xFFFFFFFF;
	(pc) =	sbr.abs _section_cstart, $3  }
0xbf: {  	[dreg:$0x1] =	wrdreg $0xFFFFFFFF  }
0xc0: {  	_ =	task.clear_ibuf [dreg:s6], $0x2FFFF;
	_ =	strace $0x9FFFFFFF  }
0xc1: {  	(tm) =	ssettm $0x7FFFFFFF  }
tec
execute0_lowered:
.L_overlay_start_1:
0x0: {  	(tag) =	ssettag $0x1  }
0x1: {  	s4 =	rddreg [dreg:$0x0]  }
0x2: {  	s0 =	rddreg [dreg:$0x1];
	s2 =	simm.s32 $0x0;
	s3 =	srdreg.scid  }
0x3: {  	s1 =	stileid.u32;
	s10 =	simm.s32 $0x0;
	[smem:$0x7FF] =	sst s2  }
0x4: {  	s5 =	sand.u32 $0x1, s3;
	s6 =	sshll.u32 s1, $0xD;
	s3 =	sadd.s32 $0x98200, s4  }
0x5: {  	s8 =	sshll.u32 s1, $0x11;
	_ =	strace $0x80000053;
	s7 =	sshll.u32 s5, $0xC  }
0x6: {  	s31 =	ssub.s32 $0x2, s5;
	s8 =	sadd.s32 s8, s4;
	s5 =	sshll.u32 s5, $0x10  }
0x7: {  	s6 =	sor.u32 s7, s6;
	s9 =	sshrl.u32 s31, $0x1;
	s5 =	sadd.s32 s5, s8  }
0x8: {  	s8 =	simm.s32 $0x80;
	s6 =	sshrl.u32 s6, $0x3;
	s7 =	ssub.s32 s31, s9  }
0x9: {  	s5 =	sadd.s32 $0x298200, s5;
	s9 =	simm.s32 $0x1;
	s6 =	sadd.s32 s6, s4  }
0xa: {  	s4 =	smax.u32 s7, $0x1;
	s7 =	simm.s32 $0x2;
	s6 =	sadd.s32 $0x94200, s6  }
.LBB2_1:
0xb: {  	s11 =	sadd.s32 $0x0, s6  }
0xc: {  	[tilespmem:s2], [sflag:$0x2] =	stream.linear.gather [hbm4b:s11+s2], $0x80, $0x38;
	[tilespmem:$0x4080] =	vst v63  }
0xd: {  	_ =	swait.ge [sflag:s7], $0x80  }
0xe: {  	[sflag:s7] =	ssyncset.done $0x0  }
0xf: {  	[sflag:s7] =	ssyncadd.s32 $0xFFFFFF80  }
0x10: {  	[tilespmem:s8], [sflag:$0x1] =	stream.indirect.gather [hbm4b:s3+s8], $0x80, s2, s8, $0xb8;
	[tilespmem:$0x4080] =	vst v63  }
0x11: {  	_ =	swait.ge [sflag:s9], $0x4000  }
0x12: {  	[sflag:s9] =	ssyncset.done $0x0  }
0x13: {  	[sflag:s9] =	ssyncadd.s32 $0xFFFFC000  }
0x14: {  	[hbm4b:s5+s2] =	stream.linear.scatter [tilespmem:s8], [sflag:$0x2], $0x4000, $0x38;
	[tilespmem:$0x4080] =	vst v63  }
0x15: {  	s12 =	simm.s32 $0x10;
	_ =	swait.ge [sflag:s7], $0x4000  }
0x16: {  	s13 =	simm.s32 $0x20;
	s11 =	sadd.s32 $0x800, s5;
	[sflag:s7] =	ssyncset.done $0x0  }
.LBB2_2:
0x17: {  	s14 =	sadd.s32 s12, s6  }
0x18: {  	[sflag:s7] =	ssyncadd.s32 $0xFFFFC000;
	s12 =	smov.u32 s13;
	s15 =	sadd.s32 $0x10, s13  }
0x19: {  	[tilespmem:s2], [sflag:$0x2] =	stream.linear.gather [hbm4b:s14+s2], $0x80, $0x38;
	[tilespmem:$0x4080] =	vst v63  }
0x1a: {  	p0 =	sne.s32 s13, $0x1F0;
	_ =	swait.ge [sflag:s7], $0x80  }
0x1b: {  	[sflag:s7] =	ssyncset.done $0x0  }
0x1c: {  	[sflag:s7] =	ssyncadd.s32 $0xFFFFFF80  }
0x1d: {  	[tilespmem:s8], [sflag:$0x1] =	stream.indirect.gather [hbm4b:s3+s8], $0x80, s2, s8, $0xb8;
	[tilespmem:$0x4080] =	vst v63  }
0x1e: {  	_ =	swait.ge [sflag:s9], $0x4000  }
.Ltmp0:
0x1f: {  	[sflag:s9] =	ssyncset.done $0x0;
	(pc) =	sbr.rel @p0 .LBB2_2-.Ltmp0, $4  }
0x20: {  	[sflag:s9] =	ssyncadd.s32 $0xFFFFC000  }
0x21: {  	[hbm4b:s11+s2] =	stream.linear.scatter [tilespmem:s8], [sflag:$0x2], $0x4000, $0x38;
	[tilespmem:$0x4080] =	vst v63  }
0x22: {  	_ =	swait.ge [sflag:s7], $0x4000  }
0x23: {  	s13 =	smov.u32 s15;
	s11 =	sadd.s32 $0x800, s11;
	[sflag:s7] =	ssyncset.done $0x0  }
0x24: {  	s12 =	sadd.s32 s12, s6;
	[sflag:s7] =	ssyncadd.s32 $0xFFFFC000  }
0x25: {  	[tilespmem:s2], [sflag:$0x2] =	stream.linear.gather [hbm4b:s12+s2], $0x80, $0x38;
	[tilespmem:$0x4080] =	vst v63  }
0x26: {  	_ =	swait.ge [sflag:s7], $0x80  }
0x27: {  	[sflag:s7] =	ssyncset.done $0x0  }
0x28: {  	[sflag:s7] =	ssyncadd.s32 $0xFFFFFF80  }
0x29: {  	[tilespmem:s8], [sflag:$0x1] =	stream.indirect.gather [hbm4b:s3+s8], $0x80, s2, s8, $0xb8;
	[tilespmem:$0x4080] =	vst v63  }
0x2a: {  	s10 =	sadd.s32 $0x1, s10;
	_ =	swait.ge [sflag:s9], $0x4000  }
0x2b: {  	p0 =	sne.s32 s10, s4;
	[sflag:s9] =	ssyncset.done $0x0  }
.Ltmp1:
0x2c: {  	[sflag:s9] =	ssyncadd.s32 $0xFFFFC000;
	(pc) =	sbr.rel @p0 .LBB2_1-.Ltmp1, $4  }
0x2d: {  	[hbm4b:s11+s2] =	stream.linear.scatter [tilespmem:s8], [sflag:$0x2], $0x4000, $0x38;
	[tilespmem:$0x4080] =	vst v63  }
0x2e: {  	_ =	swait.ge [sflag:s7], $0x4000  }
0x2f: {  	[sflag:s7] =	ssyncset.done $0x0  }
0x30: {  	[sflag:s7] =	ssyncadd.s32 $0xFFFFC000  }
0x31: {  	_ =	sfence.sel $0x180000  }
0x32: {  	[bflag:$0x0] =	sbarrier.arrive $0xFFFF  }
0x33: {  	p0 =	sne.s32 s1, $0x0;
	_ =	strace $0x90000053  }
0x34: {  	s0 =	sadd.s32 @!p0 $0x100000, s0;
	[bflag:$0x2] =	sbarrier.arrive $0xFFFF  }
0x35: {  	[sflag:s0] =	ssyncadd.tile.s32 @!p0 $0x1;
	_ =	shalt  }
.Lfunc_end2:
_tile_overlayer_lowered:
.L_overlay_start_2:
0x36: {  	(tag) =	ssettag $0x2  }
0x37: {  	s0 =	rddreg [dreg:$0x0];
	s2 =	stileid.u32  }
0x38: {  	s1 =	rddreg [dreg:$0x1];
	p0 =	sne.s32 s2, $0x0  }
0x39: {  	s3 =	rddreg [dreg:$0x2];
	[bflag:$0x3] =	sbarrier.arrive $0xFFFF;
	s2 =	simm.s32 @!p0 $0x1C02  }
0x3a: {  	[timem:s3], [sflag:s2] =	dma.local @!p0 [hbm:s0], s1  }
0x3b: {  	s0 =	simm.s32 @!p0 $0x2  }
0x3c: {  	_ =	swait.ge @!p0 [sflag:s0], s1  }
0x3d: {  	s1 =	ssub.s32 @!p0 $0x0, s1;
	[sflag:s0] =	ssyncset.done @!p0 $0x0  }
0x3e: {  	[sflag:s0] =	ssyncadd.s32 @!p0 s1  }
0x3f: {  	[bflag:$0x3] =	sbarrier.arrive $0xFFFF  }
0x40: {  	_ =	shalt  }

// kernel: kernel.8.cloned.1.call-start
scs
__scs_entry_jumppad:
0x0: {  	(pc) =	sbr.rel $0x88, $3  }
0x1: {  	(tag) =	ssettag $0x0;
	lr =	simm.s32 $0x1  }
0x2: {  	[smem:$0x3F9B] =	sst lr;
	_ =	strace $0xD0000000  }
0x3: {  	_ = 	snop  }
0x4: {  	_ = 	snop  }
0x5: {  	_ = 	snop  }
0x6: {  	_ = 	snop  }
0x7: {  	_ = 	snop  }
__scs_overlays_trampoline_lowered:
0x8: {  	[smem:$0x3FAA] =	sst s0  }
0x9: {  	[smem:$0x3FAB] =	sst s1  }
0xa: {  	[smem:$0x3FAC] =	sst s2  }
0xb: {  	[smem:$0x3FAD] =	sst s3  }
0xc: {  	[smem:$0x3FAE] =	sst s4  }
0xd: {  	[smem:$0x3FAF] =	sst s5  }
0xe: {  	[smem:$0x3FB0] =	sst s6  }
0xf: {  	[smem:$0x3FB1] =	sst s7  }
0x10: {  	[smem:$0x3FB2] =	sst s8  }
0x11: {  	[smem:$0x3FB3] =	sst s9;
	s0 =	simm.s32 @!p0 $0x0  }
0x12: {  	s1 =	sld [smem:$0x3F99];
	s0 =	simm.s32 @p0 $0x1  }
0x13: {  	[smem:$0x3FB4] =	sst s0;
	s0 =	simm.s32 @!p1 $0x0  }
0x14: {  	s2 =	sld [smem:$0x3F98];
	s0 =	simm.s32 @p1 $0x1  }
0x15: {  	[smem:$0x3FB5] =	sst s0;
	s0 =	simm.s32 @!p2 $0x0  }
0x16: {  	s3 =	sld [smem:$0x3FDB];
	s0 =	simm.s32 @p2 $0x1  }
0x17: {  	s4 =	simm.s32 $0x1BF5;
	[smem:$0x3FB7] =	sst s0  }
0x18: {  	s0 =	sld [smem:$0x3F9A];
	_ =	swait.ge [sflag:s4], $0x0  }
0x19: {  	s7 =	sld [smem:$0x3F9B]  }
0x1a: {  	s8 =	sadd.s32 $0xFFFFE003, lr  }
0x1b: {  	s9 =	sadd.s32 $0xFFFFFEF7, lr;
	s5 =	simm.s32 $0xFFFFFFFF;
	p2 =	slt.u32 s8, $0xFFFFF086  }
0x1c: {  	p1 =	slt.u32 s9, $0xF7A;
	s5 =	simm.s32 @!p2 $0x0  }
0x1d: {  	s5 =	simm.s32 @p1 $0x1;
	p0 =	seq.s32 s7, s2  }
0x1e: {  	s7 =	smul.u32 @!p0 $0xF7A, s2;
	p2 =	seq.s32 @!p0 s5, $0x0  }
0x1f: {  	s9 =	smul.u32 $0xF7A, s1;
	s8 =	simm.s32 @!p0 $0x1BF5;
	p2 =	por !p2, p0  }
0x20: {  	[sflag:s8] =	ssyncset.s32 @!p0 $0xFFFFF086;
	s6 =	sadd.s32 @!p0 s3, s7;
	s7 =	simm.s32 @!p0 $0x108  }
0x21: {  	s3 =	sadd.s32 s3, s9;
	s6 =	sadd.s32 @!p0 $0x88, s6;
	s7 =	simm.s32 @p2 $0x1082  }
0x22: {  	[simem:s7], [sflag:s8] =	dma.local @!p0 [hbm:s6], $0xF7A  }
0x23: {  	s9 =	sor.u32 $0xD0000000, s2;
	s6 =	simm.s32 $0x108;
	_ =	swait.ge @!p0 [sflag:s8], $0x0  }
0x24: {  	s3 =	sadd.s32 $0x88, s3;
	s6 =	simm.s32 @!p1 $0x1082;
	[sflag:s4] =	ssyncset.s32 $0xFFFFF086  }
0x25: {  	[simem:s6], [sflag:s4] =	dma.local [hbm:s3], $0xF7A  }
0x26: {  	[smem:$0x3F9B] =	sst s1;
	(tag) =	ssettag s2;
	_ =	strace s9  }
0x27: {  	s1 =	sld [smem:$0x3FAB]  }
0x28: {  	s2 =	sld [smem:$0x3FAC]  }
0x29: {  	s4 =	sld [smem:$0x3FAE]  }
0x2a: {  	p0 =	seq.s32 s5, $0x0;
	s5 =	sld [smem:$0x3FAF]  }
0x2b: {  	s6 =	sld [smem:$0x3FB0]  }
0x2c: {  	s7 =	sld [smem:$0x3FB1]  }
0x2d: {  	s3 =	simm.s32 $0x108;
	s8 =	sld [smem:$0x3FB2]  }
0x2e: {  	s3 =	simm.s32 @!p0 $0x1082;
	s9 =	sld [smem:$0x3FB3]  }
0x2f: {  	lr =	sadd.s32 s0, s3;
	s0 =	sld [smem:$0x3FAA]  }
0x30: {  	s3 =	sld [smem:$0x3FAD]  }
0x31: {  	[smem:$0x3FB6] =	sst s10  }
0x32: {  	s10 =	sld [smem:$0x3FB4];
	_ =	sdelay $0x3  }
0x33: {  	p0 =	seq.s32 s10, $0x1;
	s10 =	sld [smem:$0x3FB6];
	_ =	sdelay $0x3  }
0x34: {  	[smem:$0x3FB6] =	sst s10  }
0x35: {  	s10 =	sld [smem:$0x3FB5];
	_ =	sdelay $0x3  }
0x36: {  	p1 =	seq.s32 s10, $0x1;
	s10 =	sld [smem:$0x3FB6];
	_ =	sdelay $0x3  }
0x37: {  	[smem:$0x3FB6] =	sst s10  }
0x38: {  	s10 =	sld [smem:$0x3FB7]  }
0x39: {  	_ = 	snop;
	(pc) =	sbr.ind lr, $3  }
0x3a: {  	_ = 	snop  }
0x3b: {  	_ = 	snop  }
0x3c: {  	p2 =	seq.s32 s10, $0x1;
	s10 =	sld [smem:$0x3FB6]  }
0x3d: {  	_ =	shalt  }
0x3e: {  	_ =	shalt  }
0x3f: {  	_ =	shalt  }
0x40: {  	_ =	shalt  }
0x41: {  	_ =	shalt  }
0x42: {  	_ =	shalt  }
0x43: {  	_ =	shalt  }
0x44: {  	_ =	shalt  }
0x45: {  	_ =	shalt  }
0x46: {  	_ =	shalt  }
0x47: {  	_ =	shalt  }
0x48: {  	_ =	shalt  }
0x49: {  	_ =	shalt  }
0x4a: {  	_ =	shalt  }
0x4b: {  	_ =	shalt  }
0x4c: {  	_ =	shalt  }
0x4d: {  	_ =	shalt  }
0x4e: {  	_ =	shalt  }
0x4f: {  	_ =	shalt  }
0x50: {  	_ =	shalt  }
0x51: {  	_ =	shalt  }
0x52: {  	_ =	shalt  }
0x53: {  	_ =	shalt  }
0x54: {  	_ =	shalt  }
0x55: {  	_ =	shalt  }
0x56: {  	_ =	shalt  }
0x57: {  	_ =	shalt  }
0x58: {  	_ =	shalt  }
0x59: {  	_ =	shalt  }
0x5a: {  	_ =	shalt  }
0x5b: {  	_ =	shalt  }
0x5c: {  	_ =	shalt  }
0x5d: {  	_ =	shalt  }
0x5e: {  	_ =	shalt  }
0x5f: {  	_ =	shalt  }
0x60: {  	_ =	shalt  }
0x61: {  	_ =	shalt  }
0x62: {  	_ =	shalt  }
0x63: {  	_ =	shalt  }
0x64: {  	_ =	shalt  }
0x65: {  	_ =	shalt  }
0x66: {  	_ =	shalt  }
0x67: {  	_ =	shalt  }
0x68: {  	_ =	shalt  }
0x69: {  	_ =	shalt  }
0x6a: {  	_ =	shalt  }
0x6b: {  	_ =	shalt  }
0x6c: {  	_ =	shalt  }
0x6d: {  	_ =	shalt  }
0x6e: {  	_ =	shalt  }
0x6f: {  	_ =	shalt  }
0x70: {  	_ =	shalt  }
0x71: {  	_ =	shalt  }
0x72: {  	_ =	shalt  }
0x73: {  	_ =	shalt  }
0x74: {  	_ =	shalt  }
0x75: {  	_ =	shalt  }
0x76: {  	_ =	shalt  }
0x77: {  	_ =	shalt  }
0x78: {  	_ =	shalt  }
0x79: {  	_ =	shalt  }
0x7a: {  	_ =	shalt  }
0x7b: {  	_ =	shalt  }
0x7c: {  	_ =	shalt  }
0x7d: {  	_ =	shalt  }
0x7e: {  	_ =	shalt  }
0x7f: {  	_ =	shalt  }
0x80: {  	_ =	shalt  }
0x81: {  	_ =	shalt  }
0x82: {  	_ =	shalt  }
0x83: {  	_ =	shalt  }
0x84: {  	_ =	shalt  }
0x85: {  	_ =	shalt  }
0x86: {  	_ =	shalt  }
0x87: {  	_ =	shalt  }
.Lfunc_end0:
.L_simem_size_0:
called_computation.2_lowered:
.L_overlay_start_0:
0x88: {  	s2 =	sld [smem:$0x3FD9]  }
0x89: {  	s3 =	sld [smem:$0x3FFE];
	_ =	sdelay $0x1  }
0x8a: {  	s1 =	srdreg.scid  }
0x8b: {  	s0 =	sand.u32 $0x1, s1  }
0x8c: {  	s17 =	sshll.u32 s0, $0xA;
	s2 =	sadd.s32 s3, s2  }
0x8d: {  	s2 =	sadd.s32 s2, s17  }
0x8e: {  	[smem:$0x3FC2] =	sst s2  }
0x8f: {  	_ = 	snop  }
0x90: {  	s18 =	sld [smem:$0x3FD0];
	(tm) =	ssettm $0x1  }
0x91: {  	s19 =	sld [smem:$0x3FFB];
	_ =	sdelay $0x3  }
0x92: {  	_ =	strace s19  }
0x93: {  	s2 =	sld [smem:$0x3FFC];
	_ =	sdelay $0x3  }
0x94: {  	_ =	strace s2  }
0x95: {  	s2 =	sld [smem:$0x3FFD];
	_ =	sdelay $0x3  }
0x96: {  	_ =	strace s2  }
0x97: {  	_ =	strace $0x8FFFFFFF  }
0x98: {  	s20 =	sld [smem:$0x3FDB];
	_ =	sdelay $0x1  }
0x99: {  	s4 =	simm.s32 $_scs_section_size  }
0x9a: {  	s5 =	simm.s32 $_size__tile_overlayer_lowered;
	s6 =	simm.s32 $_tile_overlayer_lowered  }
0x9b: {  	s7 =	simm.s32 $0x1BFF;
	s21 =	sshll.u32 s6, $0x1;
	s4 =	sadd.s32 s4, s20  }
0x9c: {  	s22 =	simm.s32 $0x0;
	s5 =	sshll.u32 s5, $0x1;
	s6 =	sadd.s32 s21, s4  }
0x9d: {  	[timem:s22], [sflag:s7] =	dma.local [hbm:s6], s5  }
0x9e: {  	_ =	swait.ge [sflag:s7], s5  }
0x9f: {  	s5 =	ssub.s32 $0x0, s5;
	[sflag:s7] =	ssyncset.done $0x0  }
0xa0: {  	[sflag:s7] =	ssyncadd.s32 s5;
	_ =	sdelay $0x1  }
0xa1: {  	s23 =	simm.s32 $0x1B8B  }
0xa2: {  	_ =	swait.ge [sflag:s23], $0x1  }
0xa3: {  	[sflag:s23] =	ssyncset.done $0x0  }
0xa4: {  	[sflag:s23] =	ssyncadd.s32 $0xFFFFFFFF  }
0xa5: {  	s5 =	sld [smem:$0x0]  }
0xa6: {  	s6 =	sand.u32 $0xFFFFFFFE, s1  }
0xa7: {  	p0 =	sne.s32 s1, s6  }
0xa8: {  	s6 =	sshll.u32 @p0 s6, $0xE  }
0xa9: {  	s6 =	sadd.s32 @p0 $0x11B8D, s6;
	s7 =	sshll.u32 @p0 s5, $0x11  }
0xaa: {  	s6 =	sor.u32 @p0 s7, s6  }
0xab: {  	[sflag:s6] =	ssyncadd.remote.s32 @p0 $0x1;
	_ =	sdelay $0x1  }
0xac: {  	s6 =	simm.s32 @p0 $0x1B8D  }
0xad: {  	_ =	swait.eq @p0 [sflag:s6], $0x1  }
0xae: {  	[sflag:s6] =	ssyncadd.s32 @p0 $0xFFFFFFFF  }
0xaf: {  	s7 =	sshll.u32 @!p0 s1, $0xE  }
0xb0: {  	s7 =	sor.u32 @!p0 $0x4000, s7;
	s6 =	simm.s32 @!p0 $0x1B8D  }
0xb1: {  	s5 =	sshll.u32 @!p0 s5, $0x11;
	s7 =	sadd.s32 @!p0 $0x11B8D, s7;
	_ =	swait.eq @!p0 [sflag:s6], $0x1  }
0xb2: {  	s5 =	sor.u32 @!p0 s5, s7;
	[sflag:s6] =	ssyncadd.s32 @!p0 $0xFFFFFFFF  }
0xb3: {  	s25 =	simm.s32 $0x1B8E;
	s24 =	sld [smem:$0x3FFE];
	[sflag:s5] =	ssyncadd.remote.s32 @!p0 $0x1  }
0xb4: {  	s26 =	simm.s32 $execute0_lowered;
	[smem:$0x3FD2] =	sst s25  }
0xb5: {  	s6 =	sshll.u32 s26, $0x1;
	_ =	strace $0x8000004F;
	[dreg:$0x1] =	wrdreg $0xFFFFFFFF  }
0xb6: {  	s28 =	simm.s32 $_size_execute0_lowered;
	s4 =	sadd.s32 s4, s6;
	[dreg:$0x0] =	wrdreg $0x0  }
0xb7: {  	s6 =	sshll.u32 s28, $0x1;
	[dreg:$0x2] =	wrdreg s4  }
0xb8: {  	[dreg:$0x3] =	wrdreg s6  }
0xb9: {  	[dreg:$0x4] =	wrdreg $0xC0  }
0xba: {  	_ =	task [dreg:s22], $0x5FFFF  }
0xbb: {  	[dreg:$0x1] =	wrdreg $0xFFFFFFFF  }
0xbc: {  	[dreg:$0x0] =	wrdreg $0x60  }
0xbd: {  	[dreg:$0x2] =	wrdreg s24  }
0xbe: {  	[dreg:$0x3] =	wrdreg s18  }
0xbf: {  	[dreg:$0x4] =	wrdreg $0xB  }
0xc0: {  	_ =	task.clear_ibuf [dreg:s22], $0x5FFFF;
	_ =	strace $0x9000004F  }
0xc1: {  	s29 =	simm.s32 $0xB;
	_ =	strace $0x80000051  }
0xc2: {  	_ =	swait.ge [sflag:s29], $0x1  }
0xc3: {  	[sflag:s29] =	ssyncadd.s32 $0xFFFFFFFF  }
0xc4: {  	_ =	strace $0x90000051  }
0xc5: {  	_ =	sfence  }
0xc6: {  	s30 =	sld [smem:$0x0];
	_ =	sdelay $0x2  }
0xc7: {  	s31 =	sshll.u32 s1, $0xD;
	s1 =	sshrl.u32 s1, $0x2  }
0xc8: {  	s4 =	sand.u32 $0x4000, s31;
	s1 =	sadd.s32 s1, s30  }
0xc9: {  	s0 =	sor.u32 s4, s0;
	s1 =	sshll.u32 s1, $0x11  }
0xca: {  	s0 =	sor.u32 s1, s0  }
0xcb: {  	s0 =	sadd.s32 $0x8F2B, s0  }
0xcc: {  	[sflag:s0] =	ssyncadd.remote.s32 $0x1  }
0xcd: {  	_ =	sfence.sel $0xFFFF  }
0xce: {  	[dreg:$0x0] =	wrdreg $0xFFFFFFFF;
	(pc) =	sbr.abs _section_cstart, $3  }
0xcf: {  	[dreg:$0x1] =	wrdreg $0xFFFFFFFF  }
0xd0: {  	_ =	task.clear_ibuf [dreg:s22], $0x2FFFF;
	_ =	strace $0x9FFFFFFF  }
0xd1: {  	(tm) =	ssettm $0x7FFFFFFF  }
tec
execute0_lowered:
.L_overlay_start_1:
0x0: {  	(tag) =	ssettag $0x1  }
0x1: {  	s4 =	rddreg [dreg:$0x0]  }
0x2: {  	s6 =	rddreg [dreg:$0x1]  }
0x3: {  	s0 =	rddreg [dreg:$0x2];
	s2 =	simm.s32 $0x0;
	s1 =	stileid.u32  }
0x4: {  	s3 =	srdreg.scid;
	[smem:$0x7FF] =	sst s2  }
0x5: {  	s5 =	sshll.u32 s1, $0x11;
	s7 =	sand.u32 $0x1, s3;
	s3 =	sadd.s32 $0x1AC200, s4  }
0x6: {  	s9 =	sshll.u32 s1, $0xD;
	_ =	strace $0x80000050;
	s5 =	sadd.s32 s5, s4  }
0x7: {  	s29 =	ssub.s32 $0x2, s7;
	s10 =	sshll.u32 s7, $0xC;
	s7 =	sshll.u32 s7, $0x10  }
0x8: {  	s8 =	sshrl.u32 s29, $0x1;
	s30 =	sor.u32 s10, s9;
	s5 =	sadd.s32 s7, s5  }
0x9: {  	s7 =	simm.s32 $0x2;
	s9 =	simm.s32 $0x1;
	s10 =	simm.s32 $0x0  }
0xa: {  	s4 =	ssub.s32 s29, s8;
	s31 =	sshrl.u32 s30, $0x3;
	s5 =	sadd.s32 $0x804200, s5  }
0xb: {  	s8 =	simm.s32 $0x80;
	s4 =	smax.u32 s4, $0x1;
	s6 =	sadd.s32 s31, s6  }
.LBB2_1:
0xc: {  	s11 =	sadd.s32 $0x0, s6  }
0xd: {  	[tilespmem:s2], [sflag:$0x2] =	stream.linear.gather [hbm4b:s11+s2], $0x80, $0x38;
	[tilespmem:$0x4080] =	vst v63  }
0xe: {  	_ =	swait.ge [sflag:s7], $0x80  }
0xf: {  	[sflag:s7] =	ssyncset.done $0x0  }
0x10: {  	[sflag:s7] =	ssyncadd.s32 $0xFFFFFF80  }
0x11: {  	[tilespmem:s8], [sflag:$0x1] =	stream.indirect.gather [hbm4b:s3+s8], $0x80, s2, s8, $0xb8;
	[tilespmem:$0x4080] =	vst v63  }
0x12: {  	_ =	swait.ge [sflag:s9], $0x4000  }
0x13: {  	[sflag:s9] =	ssyncset.done $0x0  }
0x14: {  	[sflag:s9] =	ssyncadd.s32 $0xFFFFC000  }
0x15: {  	[hbm4b:s5+s2] =	stream.linear.scatter [tilespmem:s8], [sflag:$0x2], $0x4000, $0x38;
	[tilespmem:$0x4080] =	vst v63  }
0x16: {  	s12 =	simm.s32 $0x10;
	_ =	swait.ge [sflag:s7], $0x4000  }
0x17: {  	s13 =	simm.s32 $0x20;
	s11 =	sadd.s32 $0x800, s5;
	[sflag:s7] =	ssyncset.done $0x0  }
.LBB2_2:
0x18: {  	s14 =	sadd.s32 s12, s6  }
0x19: {  	[sflag:s7] =	ssyncadd.s32 $0xFFFFC000;
	s12 =	smov.u32 s13;
	s15 =	sadd.s32 $0x10, s13  }
0x1a: {  	[tilespmem:s2], [sflag:$0x2] =	stream.linear.gather [hbm4b:s14+s2], $0x80, $0x38;
	[tilespmem:$0x4080] =	vst v63  }
0x1b: {  	p0 =	sne.s32 s13, $0x1F0;
	_ =	swait.ge [sflag:s7], $0x80  }
0x1c: {  	[sflag:s7] =	ssyncset.done $0x0  }
0x1d: {  	[sflag:s7] =	ssyncadd.s32 $0xFFFFFF80  }
0x1e: {  	[tilespmem:s8], [sflag:$0x1] =	stream.indirect.gather [hbm4b:s3+s8], $0x80, s2, s8, $0xb8;
	[tilespmem:$0x4080] =	vst v63  }
0x1f: {  	_ =	swait.ge [sflag:s9], $0x4000  }
.Ltmp0:
0x20: {  	[sflag:s9] =	ssyncset.done $0x0;
	(pc) =	sbr.rel @p0 .LBB2_2-.Ltmp0, $4  }
0x21: {  	[sflag:s9] =	ssyncadd.s32 $0xFFFFC000  }
0x22: {  	[hbm4b:s11+s2] =	stream.linear.scatter [tilespmem:s8], [sflag:$0x2], $0x4000, $0x38;
	[tilespmem:$0x4080] =	vst v63  }
0x23: {  	_ =	swait.ge [sflag:s7], $0x4000  }
0x24: {  	s13 =	smov.u32 s15;
	s11 =	sadd.s32 $0x800, s11;
	[sflag:s7] =	ssyncset.done $0x0  }
0x25: {  	s12 =	sadd.s32 s12, s6;
	[sflag:s7] =	ssyncadd.s32 $0xFFFFC000  }
0x26: {  	[tilespmem:s2], [sflag:$0x2] =	stream.linear.gather [hbm4b:s12+s2], $0x80, $0x38;
	[tilespmem:$0x4080] =	vst v63  }
0x27: {  	_ =	swait.ge [sflag:s7], $0x80  }
0x28: {  	[sflag:s7] =	ssyncset.done $0x0  }
0x29: {  	[sflag:s7] =	ssyncadd.s32 $0xFFFFFF80  }
0x2a: {  	[tilespmem:s8], [sflag:$0x1] =	stream.indirect.gather [hbm4b:s3+s8], $0x80, s2, s8, $0xb8;
	[tilespmem:$0x4080] =	vst v63  }
0x2b: {  	s10 =	sadd.s32 $0x1, s10;
	_ =	swait.ge [sflag:s9], $0x4000  }
0x2c: {  	p0 =	sne.s32 s10, s4;
	[sflag:s9] =	ssyncset.done $0x0  }
.Ltmp1:
0x2d: {  	[sflag:s9] =	ssyncadd.s32 $0xFFFFC000;
	(pc) =	sbr.rel @p0 .LBB2_1-.Ltmp1, $4  }
0x2e: {  	[hbm4b:s11+s2] =	stream.linear.scatter [tilespmem:s8], [sflag:$0x2], $0x4000, $0x38;
	[tilespmem:$0x4080] =	vst v63  }
0x2f: {  	_ =	swait.ge [sflag:s7], $0x4000  }
0x30: {  	[sflag:s7] =	ssyncset.done $0x0  }
0x31: {  	[sflag:s7] =	ssyncadd.s32 $0xFFFFC000  }
0x32: {  	_ =	sfence.sel $0x180000  }
0x33: {  	[bflag:$0x0] =	sbarrier.arrive $0xFFFF  }
0x34: {  	p0 =	sne.s32 s1, $0x0;
	_ =	strace $0x90000050  }
0x35: {  	s0 =	sadd.s32 @!p0 $0x100000, s0;
	[bflag:$0x2] =	sbarrier.arrive $0xFFFF  }
0x36: {  	[sflag:s0] =	ssyncadd.tile.s32 @!p0 $0x1;
	_ =	shalt  }
.Lfunc_end2:
_tile_overlayer_lowered:
.L_overlay_start_2:
0x37: {  	(tag) =	ssettag $0x2  }
0x38: {  	s0 =	rddreg [dreg:$0x0];
	s2 =	stileid.u32  }
0x39: {  	s1 =	rddreg [dreg:$0x1];
	p0 =	sne.s32 s2, $0x0  }
0x3a: {  	s3 =	rddreg [dreg:$0x2];
	[bflag:$0x3] =	sbarrier.arrive $0xFFFF;
	s2 =	simm.s32 @!p0 $0x1C02  }
0x3b: {  	[timem:s3], [sflag:s2] =	dma.local @!p0 [hbm:s0], s1  }
0x3c: {  	s0 =	simm.s32 @!p0 $0x2  }
0x3d: {  	_ =	swait.ge @!p0 [sflag:s0], s1  }
0x3e: {  	s1 =	ssub.s32 @!p0 $0x0, s1;
	[sflag:s0] =	ssyncset.done @!p0 $0x0  }
0x3f: {  	[sflag:s0] =	ssyncadd.s32 @!p0 s1  }
0x40: {  	[bflag:$0x3] =	sbarrier.arrive $0xFFFF  }
0x41: {  	_ =	shalt  }

</sc_bundles>
